<compile_context>
chip_gen: v7x
topology: tpu7x:2x2x1
jax: 0.10.2.dev20260603
libtpu: 0.0.44.dev20260713+nightly
codegen_flags: <defaults>
</compile_context>

<pallas_src>
import functools

import jax
import jax.numpy as jnp
from jax import lax
from jax.experimental import pallas as pl
from jax.experimental.pallas import tpu as pltpu
from jax.experimental.pallas import tpu_sc as plsc

_B, _S = 16384, 200
_D = 64
_V = 500
_VP = 512
_NC, _NS = 2, 16
_NW = _NC * _NS
_BS = _B // _NW
_L = 16
_NG = _BS // _L


def _lookup(table_t, x_t):
    mesh = plsc.VectorSubcoreMesh(core_axis_name="c", subcore_axis_name="s")

    @functools.partial(
        pl.kernel,
        mesh=mesh,
        out_type=jax.ShapeDtypeStruct((_S, _D, _B), jnp.float32),
        compiler_params=pltpu.CompilerParams(
            use_tc_tiling_on_sc=True, needs_layout_passes=False),
        scratch_types=[
            pltpu.VMEM((_D * _VP,), jnp.float32),
            pltpu.VMEM((2, _BS), jnp.int32),
            pltpu.VMEM((2, _D, _BS), jnp.float32),
            pltpu.SemaphoreType.DMA,
            pltpu.SemaphoreType.DMA,
            pltpu.SemaphoreType.DMA,
            pltpu.SemaphoreType.DMA,
        ],
    )
    def k(tab_hbm, xt_hbm, out_hbm, tab_v, idx_v, blk_v, isem0, isem1,
          osem0, osem1):
        wid = lax.axis_index("s") * _NC + lax.axis_index("c")
        bs = wid * _BS

        pltpu.sync_copy(tab_hbm, tab_v)

        def idx_load(l, h):
            isem = isem0 if h == 0 else isem1
            return pltpu.async_copy(
                xt_hbm.at[pl.ds(l * _B + bs, _BS)], idx_v.at[h], isem)

        def compute_block(h):
            def per_group(g, carry):
                idx_vec = idx_v[h, pl.ds(g * _L, _L)]
                pend = {}
                for t in range(_D + 6):
                    if t < _D:
                        pend[t] = plsc.load_gather(
                            tab_v.at[pl.ds(t * _VP, _VP)], [idx_vec])
                    if t >= 6:
                        blk_v[h, t - 6, pl.ds(g * _L, _L)] = pend.pop(t - 6)
                return carry
            lax.fori_loop(0, _NG, per_group, 0)

        def write_block(l, h):
            osem = osem0 if h == 0 else osem1
            return pltpu.async_copy(
                blk_v.at[h], out_hbm.at[l, :, pl.ds(bs, _BS)], osem)

        def drain_write(h):
            osem = osem0 if h == 0 else osem1
            pltpu.make_async_copy(
                blk_v.at[h], out_hbm.at[0, :, pl.ds(bs, _BS)], osem).wait()

        def drain_idx(h):
            isem = isem0 if h == 0 else isem1
            pltpu.make_async_copy(
                xt_hbm.at[pl.ds(bs, _BS)], idx_v.at[h], isem).wait()

        idx_load(0, 0)
        idx_load(1, 1)

        def pair(p, carry):
            l0 = 2 * p
            for h in (0, 1):
                l = l0 + h
                drain_idx(h)

                @pl.when(l >= 2)
                def _():
                    drain_write(h)

                compute_block(h)
                write_block(l, h)

                @pl.when(l + 2 < _S)
                def _():
                    idx_load(l + 2, h)
            return carry

        lax.fori_loop(0, _S // 2, pair, 0)
        drain_write(0)
        drain_write(1)

    return k(table_t, x_t)


def kernel(x, pe_table):
    x_t = x.T.reshape(_S * _B)
    table_t = jnp.pad(pe_table.T, ((0, 0), (0, _VP - _V))).reshape(_D * _VP)
    out_phys = _lookup(table_t, x_t)
    return jnp.transpose(out_phys, (2, 0, 1))

# --- scband reference (transcript-rebuilt; emitter-appended) ---
"""Pipeline reference for scband-position-encoding-70987219468547 (READ-ONLY COPY).

The authoritative reference and input builder live on the scoring server;
editing this copy changes nothing except your own understanding.
"""

import jax, jax.numpy as jnp
import numpy as np

NUM_EMB = 500
EMB_DIM = 64

def setup_inputs(seed: int = 0) -> dict:
    key = jax.random.key(seed)
    k1, k2 = jax.random.split(key)
    x = jax.random.randint(k1, (16384, 200), 0, NUM_EMB, dtype=jnp.int64 if jax.config.jax_enable_x64 else jnp.int32).astype(jnp.int32)
    pe_table = jax.random.normal(k2, (NUM_EMB, EMB_DIM), dtype=jnp.float32)
    # padding_idx=0 -> row 0 is zeros, as in torch nn.Embedding(padding_idx=0)
    pe_table = pe_table.at[0].set(0.0)
    return {"x": x, "pe_table": pe_table}

def reference(x, pe_table):
    # nn.Embedding lookup: out[b, l, :] = pe_table[x[b, l], :]
    return jnp.take(pe_table, x, axis=0)

if __name__ == "__main__":
    import jax
    _d = setup_inputs()
    print(jax.jit(kernel)(*tuple(_d.values())))

</pallas_src>

<mosaic_0001>
#map = affine_map<(d0, d1) -> (0)>
#map1 = affine_map<(d0, d1) -> (0, 0, 0)>
module attributes {stable_mosaic.version = 14 : i64} {
  func.func @k(%arg0: i32, %arg1: i32, %arg2: memref<32768xf32, #tpu.memory_space<hbm>>, %arg3: memref<3276800xi32, #tpu.memory_space<hbm>>, %arg4: memref<200x64x16384xf32, #tpu.memory_space<hbm>>, %arg5: memref<32768xf32, #tpu.memory_space<vmem>>, %arg6: memref<2x512xi32, #tpu.memory_space<vmem>>, %arg7: memref<2x64x512xf32, #tpu.memory_space<vmem>>, %arg8: memref<!tpu.dma_semaphore, #tpu.memory_space<semaphore_mem>>, %arg9: memref<!tpu.dma_semaphore, #tpu.memory_space<semaphore_mem>>, %arg10: memref<!tpu.dma_semaphore, #tpu.memory_space<semaphore_mem>>, %arg11: memref<!tpu.dma_semaphore, #tpu.memory_space<semaphore_mem>>) attributes {dimension_semantics = [#tpu.dimension_semantics<core_parallel>, #tpu.dimension_semantics<subcore_parallel>], iteration_bounds = array<i64: 2, 16>, scalar_prefetch = 0 : i64, scratch_operands = 7 : i64, tpu.core_type = #tpu.core_type<sc_vector_subcore>, window_params = [{transform_indices = #map}, {transform_indices = #map}, {transform_indices = #map1}]} {
    %mul3A = arith.constant 2 : i32
    %mul3A_0 = arith.muli %arg1, %mul3A : i32
    %add3A = arith.addi %mul3A_0, %arg0 : i32
    %mul3A_1 = arith.constant 512 : i32
    %mul3A_2 = arith.muli %add3A, %mul3A_1 : i32
    "tpu.region"() ({
      %run_scoped3A = tpu.sem_alloc : memref<!tpu.dma_semaphore, #tpu.memory_space<semaphore_mem>>
      tpu.enqueue_dma source(%arg2 : memref<32768xf32, #tpu.memory_space<hbm>>) target(%arg5 : memref<32768xf32, #tpu.memory_space<vmem>>) target_semaphore(%run_scoped3A : memref<!tpu.dma_semaphore, #tpu.memory_space<semaphore_mem>>)
      tpu.wait_dma2 semaphore(%run_scoped3A : memref<!tpu.dma_semaphore, #tpu.memory_space<semaphore_mem>>) src(%arg2 : memref<32768xf32, #tpu.memory_space<hbm>>) dst(%arg5 : memref<32768xf32, #tpu.memory_space<vmem>>)
      tpu.yield
    }) : () -> ()
    %add3A_3 = arith.constant 0 : i32
    %add3A_4 = arith.addi %add3A_3, %mul3A_2 : i32
    %dma_start3A = arith.constant 0 : i32
    %dma_start3A_5 = arith.constant 0 : i32
    %dma_start3A_6 = tpu.memref_slice %arg6[%dma_start3A, %dma_start3A_5] : memref<2x512xi32, #tpu.memory_space<vmem>> -> memref<1x512xi32, #tpu.memory_space<vmem>>
    %dma_start3A_7 = tpu.memref_squeeze %dma_start3A_6 : memref<1x512xi32, #tpu.memory_space<vmem>> -> memref<512xi32, #tpu.memory_space<vmem>>
    %dma_start3A_8 = tpu.memref_slice %arg3[%add3A_4] : memref<3276800xi32, #tpu.memory_space<hbm>> -> memref<512xi32, #tpu.memory_space<hbm>>
    %dma_start3A_9 = arith.constant 0 : i32
    %dma_start3A_10 = tpu.memref_slice %arg6[%dma_start3A, %dma_start3A_9] : memref<2x512xi32, #tpu.memory_space<vmem>> -> memref<1x512xi32, #tpu.memory_space<vmem>>
    %dma_start3A_11 = tpu.memref_squeeze %dma_start3A_10 : memref<1x512xi32, #tpu.memory_space<vmem>> -> memref<512xi32, #tpu.memory_space<vmem>>
    %dma_start3A_12 = tpu.memref_slice %arg3[%add3A_4] : memref<3276800xi32, #tpu.memory_space<hbm>> -> memref<512xi32, #tpu.memory_space<hbm>>
    tpu.enqueue_dma source(%dma_start3A_12 : memref<512xi32, #tpu.memory_space<hbm>>) target(%dma_start3A_11 : memref<512xi32, #tpu.memory_space<vmem>>) target_semaphore(%arg8 : memref<!tpu.dma_semaphore, #tpu.memory_space<semaphore_mem>>)
    %add3A_13 = arith.constant 16384 : i32
    %add3A_14 = arith.addi %add3A_13, %mul3A_2 : i32
    %dma_start3A_15 = arith.constant 1 : i32
    %dma_start3A_16 = arith.constant 0 : i32
    %dma_start3A_17 = tpu.memref_slice %arg6[%dma_start3A_15, %dma_start3A_16] : memref<2x512xi32, #tpu.memory_space<vmem>> -> memref<1x512xi32, #tpu.memory_space<vmem>>
    %dma_start3A_18 = tpu.memref_squeeze %dma_start3A_17 : memref<1x512xi32, #tpu.memory_space<vmem>> -> memref<512xi32, #tpu.memory_space<vmem>>
    %dma_start3A_19 = tpu.memref_slice %arg3[%add3A_14] : memref<3276800xi32, #tpu.memory_space<hbm>> -> memref<512xi32, #tpu.memory_space<hbm>>
    %dma_start3A_20 = arith.constant 0 : i32
    %dma_start3A_21 = tpu.memref_slice %arg6[%dma_start3A_15, %dma_start3A_20] : memref<2x512xi32, #tpu.memory_space<vmem>> -> memref<1x512xi32, #tpu.memory_space<vmem>>
    %dma_start3A_22 = tpu.memref_squeeze %dma_start3A_21 : memref<1x512xi32, #tpu.memory_space<vmem>> -> memref<512xi32, #tpu.memory_space<vmem>>
    %dma_start3A_23 = tpu.memref_slice %arg3[%add3A_14] : memref<3276800xi32, #tpu.memory_space<hbm>> -> memref<512xi32, #tpu.memory_space<hbm>>
    tpu.enqueue_dma source(%dma_start3A_23 : memref<512xi32, #tpu.memory_space<hbm>>) target(%dma_start3A_22 : memref<512xi32, #tpu.memory_space<vmem>>) target_semaphore(%arg9 : memref<!tpu.dma_semaphore, #tpu.memory_space<semaphore_mem>>)
    %scan3A = arith.constant 0 : i32
    %scan3A_24 = arith.constant 0 : i32
    %scan3A_25 = arith.constant 100 : i32
    %scan3A_26 = arith.addi %scan3A_24, %scan3A_25 : i32
    %scan3A_27 = arith.constant 1 : i32
    scf.for %scan3A_60 = %scan3A_24 to %scan3A_26 step %scan3A_27  : i32 {
      %mul3A_61 = arith.constant 2 : i32
      %mul3A_62 = arith.muli %mul3A_61, %scan3A_60 : i32
      %add3A_63 = arith.constant 0 : i32
      %add3A_64 = arith.addi %mul3A_62, %add3A_63 : i32
      %dma_wait3A_65 = arith.constant 0 : i32
      %dma_wait3A_66 = arith.constant 0 : i32
      %dma_wait3A_67 = tpu.memref_slice %arg6[%dma_wait3A_65, %dma_wait3A_66] : memref<2x512xi32, #tpu.memory_space<vmem>> -> memref<1x512xi32, #tpu.memory_space<vmem>>
      %dma_wait3A_68 = tpu.memref_squeeze %dma_wait3A_67 : memref<1x512xi32, #tpu.memory_space<vmem>> -> memref<512xi32, #tpu.memory_space<vmem>>
      %dma_wait3A_69 = tpu.memref_slice %arg3[%mul3A_2] : memref<3276800xi32, #tpu.memory_space<hbm>> -> memref<512xi32, #tpu.memory_space<hbm>>
      %dma_wait3A_70 = arith.constant 0 : i32
      %dma_wait3A_71 = tpu.memref_slice %arg6[%dma_wait3A_65, %dma_wait3A_70] : memref<2x512xi32, #tpu.memory_space<vmem>> -> memref<1x512xi32, #tpu.memory_space<vmem>>
      %dma_wait3A_72 = tpu.memref_squeeze %dma_wait3A_71 : memref<1x512xi32, #tpu.memory_space<vmem>> -> memref<512xi32, #tpu.memory_space<vmem>>
      %dma_wait3A_73 = tpu.memref_slice %arg3[%mul3A_2] : memref<3276800xi32, #tpu.memory_space<hbm>> -> memref<512xi32, #tpu.memory_space<hbm>>
      tpu.wait_dma2 semaphore(%arg8 : memref<!tpu.dma_semaphore, #tpu.memory_space<semaphore_mem>>) src(%dma_wait3A_73 : memref<512xi32, #tpu.memory_space<hbm>>) dst(%dma_wait3A_72 : memref<512xi32, #tpu.memory_space<vmem>>)
      %ge3A = arith.constant 2 : i32
      %ge3A_74 = arith.cmpi sge, %add3A_64, %ge3A : i32
      %convert_element_type3A = arith.extui %ge3A_74 : i1 to i32
      %cond3A = arith.constant 0 : i32
      %cond3A_75 = arith.cmpi ne, %convert_element_type3A, %cond3A : i32
      scf.if %cond3A_75 {
        %dma_wait3A_147 = arith.constant 0 : i32
        %dma_wait3A_148 = arith.constant 0 : i32
        %dma_wait3A_149 = arith.constant 0 : i32
        %dma_wait3A_150 = arith.constant 0 : i32
        %dma_wait3A_151 = tpu.memref_slice %arg7[%dma_wait3A_147, %dma_wait3A_149, %dma_wait3A_150] : memref<2x64x512xf32, #tpu.memory_space<vmem>> -> memref<1x64x512xf32, #tpu.memory_space<vmem>>
        %dma_wait3A_152 = tpu.memref_squeeze %dma_wait3A_151 : memref<1x64x512xf32, #tpu.memory_space<vmem>> -> memref<64x512xf32, #tpu.memory_space<vmem>>
        %dma_wait3A_153 = arith.constant 0 : i32
        %dma_wait3A_154 = tpu.memref_slice %arg4[%dma_wait3A_148, %dma_wait3A_153, %mul3A_2] : memref<200x64x16384xf32, #tpu.memory_space<hbm>> -> memref<1x64x512xf32, #tpu.memory_space<hbm>>
        %dma_wait3A_155 = tpu.memref_squeeze %dma_wait3A_154 : memref<1x64x512xf32, #tpu.memory_space<hbm>> -> memref<64x512xf32, #tpu.memory_space<hbm>>
        %dma_wait3A_156 = arith.constant 0 : i32
        %dma_wait3A_157 = tpu.memref_slice %arg4[%dma_wait3A_148, %dma_wait3A_156, %mul3A_2] : memref<200x64x16384xf32, #tpu.memory_space<hbm>> -> memref<1x64x512xf32, #tpu.memory_space<hbm>>
        %dma_wait3A_158 = tpu.memref_squeeze %dma_wait3A_157 : memref<1x64x512xf32, #tpu.memory_space<hbm>> -> memref<64x512xf32, #tpu.memory_space<hbm>>
        %dma_wait3A_159 = arith.constant 0 : i32
        %dma_wait3A_160 = arith.constant 0 : i32
        %dma_wait3A_161 = tpu.memref_slice %arg7[%dma_wait3A_147, %dma_wait3A_159, %dma_wait3A_160] : memref<2x64x512xf32, #tpu.memory_space<vmem>> -> memref<1x64x512xf32, #tpu.memory_space<vmem>>
        %dma_wait3A_162 = tpu.memref_squeeze %dma_wait3A_161 : memref<1x64x512xf32, #tpu.memory_space<vmem>> -> memref<64x512xf32, #tpu.memory_space<vmem>>
        tpu.wait_dma2 semaphore(%arg10 : memref<!tpu.dma_semaphore, #tpu.memory_space<semaphore_mem>>) src(%dma_wait3A_162 : memref<64x512xf32, #tpu.memory_space<vmem>>) dst(%dma_wait3A_158 : memref<64x512xf32, #tpu.memory_space<hbm>>)
      } else {
      }
      %scan3A_76 = arith.constant 0 : i32
      %scan3A_77 = arith.constant 0 : i32
      %scan3A_78 = arith.constant 32 : i32
      %scan3A_79 = arith.addi %scan3A_77, %scan3A_78 : i32
      %scan3A_80 = arith.constant 1 : i32
      scf.for %scan3A_147 = %scan3A_77 to %scan3A_79 step %scan3A_80  : i32 {
        %mul3A_148 = arith.constant 16 : i32
        %mul3A_149 = arith.muli %scan3A_147, %mul3A_148 : i32
        %get3A = arith.constant 0 : i32
        %get3A_150 = arith.index_cast %get3A : i32 to index
        %get3A_151 = arith.index_cast %mul3A_149 : i32 to index
        %get3A_152 = tpu.vector_load %arg6[%get3A_150, %get3A_151] {strides = array<i32>} : memref<2x512xi32, #tpu.memory_space<vmem>>, vector<16xi32>,
        %gather3A = arith.constant 0 : i32
        %gather3A_153 = tpu.memref_slice %arg5[%gather3A] : memref<32768xf32, #tpu.memory_space<vmem>> -> memref<512xf32, #tpu.memory_space<vmem>>
        %gather3A_154 = tpu.vector_load_idx %gather3A_153[%get3A_152] : memref<512xf32, #tpu.memory_space<vmem>>[vector<16xi32>], vector<16xf32>,
        %gather3A_155 = arith.constant 512 : i32
        %gather3A_156 = tpu.memref_slice %arg5[%gather3A_155] : memref<32768xf32, #tpu.memory_space<vmem>> -> memref<512xf32, #tpu.memory_space<vmem>>
        %gather3A_157 = tpu.vector_load_idx %gather3A_156[%get3A_152] : memref<512xf32, #tpu.memory_space<vmem>>[vector<16xi32>], vector<16xf32>,
        %gather3A_158 = arith.constant 1024 : i32
        %gather3A_159 = tpu.memref_slice %arg5[%gather3A_158] : memref<32768xf32, #tpu.memory_space<vmem>> -> memref<512xf32, #tpu.memory_space<vmem>>
        %gather3A_160 = tpu.vector_load_idx %gather3A_159[%get3A_152] : memref<512xf32, #tpu.memory_space<vmem>>[vector<16xi32>], vector<16xf32>,
        %gather3A_161 = arith.constant 1536 : i32
        %gather3A_162 = tpu.memref_slice %arg5[%gather3A_161] : memref<32768xf32, #tpu.memory_space<vmem>> -> memref<512xf32, #tpu.memory_space<vmem>>
        %gather3A_163 = tpu.vector_load_idx %gather3A_162[%get3A_152] : memref<512xf32, #tpu.memory_space<vmem>>[vector<16xi32>], vector<16xf32>,
        %gather3A_164 = arith.constant 2048 : i32
        %gather3A_165 = tpu.memref_slice %arg5[%gather3A_164] : memref<32768xf32, #tpu.memory_space<vmem>> -> memref<512xf32, #tpu.memory_space<vmem>>
        %gather3A_166 = tpu.vector_load_idx %gather3A_165[%get3A_152] : memref<512xf32, #tpu.memory_space<vmem>>[vector<16xi32>], vector<16xf32>,
        %gather3A_167 = arith.constant 2560 : i32
        %gather3A_168 = tpu.memref_slice %arg5[%gather3A_167] : memref<32768xf32, #tpu.memory_space<vmem>> -> memref<512xf32, #tpu.memory_space<vmem>>
        %gather3A_169 = tpu.vector_load_idx %gather3A_168[%get3A_152] : memref<512xf32, #tpu.memory_space<vmem>>[vector<16xi32>], vector<16xf32>,
        %gather3A_170 = arith.constant 3072 : i32
        %gather3A_171 = tpu.memref_slice %arg5[%gather3A_170] : memref<32768xf32, #tpu.memory_space<vmem>> -> memref<512xf32, #tpu.memory_space<vmem>>
        %gather3A_172 = tpu.vector_load_idx %gather3A_171[%get3A_152] : memref<512xf32, #tpu.memory_space<vmem>>[vector<16xi32>], vector<16xf32>,
        %mul3A_173 = arith.constant 16 : i32
        %mul3A_174 = arith.muli %scan3A_147, %mul3A_173 : i32
        %swap3A = arith.constant 0 : i32
        %swap3A_175 = arith.constant 0 : i32
        %swap3A_176 = arith.index_cast %swap3A : i32 to index
        %swap3A_177 = arith.index_cast %swap3A_175 : i32 to index
        %swap3A_178 = arith.index_cast %mul3A_174 : i32 to index
        %swap3A_179 = tpu.vector_load %arg7[%swap3A_176, %swap3A_177, %swap3A_178] {strides = array<i32>} : memref<2x64x512xf32, #tpu.memory_space<vmem>>, vector<16xf32>,
        tpu.vector_store %arg7[%swap3A_176, %swap3A_177, %swap3A_178], %gather3A_154 {strides = array<i32>} : memref<2x64x512xf32, #tpu.memory_space<vmem>>, vector<16xf32>,
        %gather3A_180 = arith.constant 3584 : i32
        %gather3A_181 = tpu.memref_slice %arg5[%gather3A_180] : memref<32768xf32, #tpu.memory_space<vmem>> -> memref<512xf32, #tpu.memory_space<vmem>>
        %gather3A_182 = tpu.vector_load_idx %gather3A_181[%get3A_152] : memref<512xf32, #tpu.memory_space<vmem>>[vector<16xi32>], vector<16xf32>,
        %mul3A_183 = arith.constant 16 : i32
        %mul3A_184 = arith.muli %scan3A_147, %mul3A_183 : i32
        %swap3A_185 = arith.constant 0 : i32
        %swap3A_186 = arith.constant 1 : i32
        %swap3A_187 = arith.index_cast %swap3A_185 : i32 to index
        %swap3A_188 = arith.index_cast %swap3A_186 : i32 to index
        %swap3A_189 = arith.index_cast %mul3A_184 : i32 to index
        %swap3A_190 = tpu.vector_load %arg7[%swap3A_187, %swap3A_188, %swap3A_189] {strides = array<i32>} : memref<2x64x512xf32, #tpu.memory_space<vmem>>, vector<16xf32>,
        tpu.vector_store %arg7[%swap3A_187, %swap3A_188, %swap3A_189], %gather3A_157 {strides = array<i32>} : memref<2x64x512xf32, #tpu.memory_space<vmem>>, vector<16xf32>,
        %gather3A_191 = arith.constant 4096 : i32
        %gather3A_192 = tpu.memref_slice %arg5[%gather3A_191] : memref<32768xf32, #tpu.memory_space<vmem>> -> memref<512xf32, #tpu.memory_space<vmem>>
        %gather3A_193 = tpu.vector_load_idx %gather3A_192[%get3A_152] : memref<512xf32, #tpu.memory_space<vmem>>[vector<16xi32>], vector<16xf32>,
        %mul3A_194 = arith.constant 16 : i32
        %mul3A_195 = arith.muli %scan3A_147, %mul3A_194 : i32
        %swap3A_196 = arith.constant 0 : i32
        %swap3A_197 = arith.constant 2 : i32
        %swap3A_198 = arith.index_cast %swap3A_196 : i32 to index
        %swap3A_199 = arith.index_cast %swap3A_197 : i32 to index
        %swap3A_200 = arith.index_cast %mul3A_195 : i32 to index
        %swap3A_201 = tpu.vector_load %arg7[%swap3A_198, %swap3A_199, %swap3A_200] {strides = array<i32>} : memref<2x64x512xf32, #tpu.memory_space<vmem>>, vector<16xf32>,
        tpu.vector_store %arg7[%swap3A_198, %swap3A_199, %swap3A_200], %gather3A_160 {strides = array<i32>} : memref<2x64x512xf32, #tpu.memory_space<vmem>>, vector<16xf32>,
        %gather3A_202 = arith.constant 4608 : i32
        %gather3A_203 = tpu.memref_slice %arg5[%gather3A_202] : memref<32768xf32, #tpu.memory_space<vmem>> -> memref<512xf32, #tpu.memory_space<vmem>>
        %gather3A_204 = tpu.vector_load_idx %gather3A_203[%get3A_152] : memref<512xf32, #tpu.memory_space<vmem>>[vector<16xi32>], vector<16xf32>,
        %mul3A_205 = arith.constant 16 : i32
        %mul3A_206 = arith.muli %scan3A_147, %mul3A_205 : i32
        %swap3A_207 = arith.constant 0 : i32
        %swap3A_208 = arith.constant 3 : i32
        %swap3A_209 = arith.index_cast %swap3A_207 : i32 to index
        %swap3A_210 = arith.index_cast %swap3A_208 : i32 to index
        %swap3A_211 = arith.index_cast %mul3A_206 : i32 to index
        %swap3A_212 = tpu.vector_load %arg7[%swap3A_209, %swap3A_210, %swap3A_211] {strides = array<i32>} : memref<2x64x512xf32, #tpu.memory_space<vmem>>, vector<16xf32>,
        tpu.vector_store %arg7[%swap3A_209, %swap3A_210, %swap3A_211], %gather3A_163 {strides = array<i32>} : memref<2x64x512xf32, #tpu.memory_space<vmem>>, vector<16xf32>,
        %gather3A_213 = arith.constant 5120 : i32
        %gather3A_214 = tpu.memref_slice %arg5[%gather3A_213] : memref<32768xf32, #tpu.memory_space<vmem>> -> memref<512xf32, #tpu.memory_space<vmem>>
        %gather3A_215 = tpu.vector_load_idx %gather3A_214[%get3A_152] : memref<512xf32, #tpu.memory_space<vmem>>[vector<16xi32>], vector<16xf32>,
        %mul3A_216 = arith.constant 16 : i32
        %mul3A_217 = arith.muli %scan3A_147, %mul3A_216 : i32
        %swap3A_218 = arith.constant 0 : i32
        %swap3A_219 = arith.constant 4 : i32
        %swap3A_220 = arith.index_cast %swap3A_218 : i32 to index
        %swap3A_221 = arith.index_cast %swap3A_219 : i32 to index
        %swap3A_222 = arith.index_cast %mul3A_217 : i32 to index
        %swap3A_223 = tpu.vector_load %arg7[%swap3A_220, %swap3A_221, %swap3A_222] {strides = array<i32>} : memref<2x64x512xf32, #tpu.memory_space<vmem>>, vector<16xf32>,
        tpu.vector_store %arg7[%swap3A_220, %swap3A_221, %swap3A_222], %gather3A_166 {strides = array<i32>} : memref<2x64x512xf32, #tpu.memory_space<vmem>>, vector<16xf32>,
        %gather3A_224 = arith.constant 5632 : i32
        %gather3A_225 = tpu.memref_slice %arg5[%gather3A_224] : memref<32768xf32, #tpu.memory_space<vmem>> -> memref<512xf32, #tpu.memory_space<vmem>>
        %gather3A_226 = tpu.vector_load_idx %gather3A_225[%get3A_152] : memref<512xf32, #tpu.memory_space<vmem>>[vector<16xi32>], vector<16xf32>,
        %mul3A_227 = arith.constant 16 : i32
        %mul3A_228 = arith.muli %scan3A_147, %mul3A_227 : i32
        %swap3A_229 = arith.constant 0 : i32
        %swap3A_230 = arith.constant 5 : i32
        %swap3A_231 = arith.index_cast %swap3A_229 : i32 to index
        %swap3A_232 = arith.index_cast %swap3A_230 : i32 to index
        %swap3A_233 = arith.index_cast %mul3A_228 : i32 to index
        %swap3A_234 = tpu.vector_load %arg7[%swap3A_231, %swap3A_232, %swap3A_233] {strides = array<i32>} : memref<2x64x512xf32, #tpu.memory_space<vmem>>, vector<16xf32>,
        tpu.vector_store %arg7[%swap3A_231, %swap3A_232, %swap3A_233], %gather3A_169 {strides = array<i32>} : memref<2x64x512xf32, #tpu.memory_space<vmem>>, vector<16xf32>,
        %gather3A_235 = arith.constant 6144 : i32
        %gather3A_236 = tpu.memref_slice %arg5[%gather3A_235] : memref<32768xf32, #tpu.memory_space<vmem>> -> memref<512xf32, #tpu.memory_space<vmem>>
        %gather3A_237 = tpu.vector_load_idx %gather3A_236[%get3A_152] : memref<512xf32, #tpu.memory_space<vmem>>[vector<16xi32>], vector<16xf32>,
        %mul3A_238 = arith.constant 16 : i32
        %mul3A_239 = arith.muli %scan3A_147, %mul3A_238 : i32
        %swap3A_240 = arith.constant 0 : i32
        %swap3A_241 = arith.constant 6 : i32
        %swap3A_242 = arith.index_cast %swap3A_240 : i32 to index
        %swap3A_243 = arith.index_cast %swap3A_241 : i32 to index
        %swap3A_244 = arith.index_cast %mul3A_239 : i32 to index
        %swap3A_245 = tpu.vector_load %arg7[%swap3A_242, %swap3A_243, %swap3A_244] {strides = array<i32>} : memref<2x64x512xf32, #tpu.memory_space<vmem>>, vector<16xf32>,
        tpu.vector_store %arg7[%swap3A_242, %swap3A_243, %swap3A_244], %gather3A_172 {strides = array<i32>} : memref<2x64x512xf32, #tpu.memory_space<vmem>>, vector<16xf32>,
        %gather3A_246 = arith.constant 6656 : i32
        %gather3A_247 = tpu.memref_slice %arg5[%gather3A_246] : memref<32768xf32, #tpu.memory_space<vmem>> -> memref<512xf32, #tpu.memory_space<vmem>>
        %gather3A_248 = tpu.vector_load_idx %gather3A_247[%get3A_152] : memref<512xf32, #tpu.memory_space<vmem>>[vector<16xi32>], vector<16xf32>,
        %mul3A_249 = arith.constant 16 : i32
        %mul3A_250 = arith.muli %scan3A_147, %mul3A_249 : i32
        %swap3A_251 = arith.constant 0 : i32
        %swap3A_252 = arith.constant 7 : i32
        %swap3A_253 = arith.index_cast %swap3A_251 : i32 to index
        %swap3A_254 = arith.index_cast %swap3A_252 : i32 to index
        %swap3A_255 = arith.index_cast %mul3A_250 : i32 to index
        %swap3A_256 = tpu.vector_load %arg7[%swap3A_253, %swap3A_254, %swap3A_255] {strides = array<i32>} : memref<2x64x512xf32, #tpu.memory_space<vmem>>, vector<16xf32>,
        tpu.vector_store %arg7[%swap3A_253, %swap3A_254, %swap3A_255], %gather3A_182 {strides = array<i32>} : memref<2x64x512xf32, #tpu.memory_space<vmem>>, vector<16xf32>,
        %gather3A_257 = arith.constant 7168 : i32
        %gather3A_258 = tpu.memref_slice %arg5[%gather3A_257] : memref<32768xf32, #tpu.memory_space<vmem>> -> memref<512xf32, #tpu.memory_space<vmem>>
        %gather3A_259 = tpu.vector_load_idx %gather3A_258[%get3A_152] : memref<512xf32, #tpu.memory_space<vmem>>[vector<16xi32>], vector<16xf32>,
        %mul3A_260 = arith.constant 16 : i32
        %mul3A_261 = arith.muli %scan3A_147, %mul3A_260 : i32
        %swap3A_262 = arith.constant 0 : i32
        %swap3A_263 = arith.constant 8 : i32
        %swap3A_264 = arith.index_cast %swap3A_262 : i32 to index
        %swap3A_265 = arith.index_cast %swap3A_263 : i32 to index
        %swap3A_266 = arith.index_cast %mul3A_261 : i32 to index
        %swap3A_267 = tpu.vector_load %arg7[%swap3A_264, %swap3A_265, %swap3A_266] {strides = array<i32>} : memref<2x64x512xf32, #tpu.memory_space<vmem>>, vector<16xf32>,
        tpu.vector_store %arg7[%swap3A_264, %swap3A_265, %swap3A_266], %gather3A_193 {strides = array<i32>} : memref<2x64x512xf32, #tpu.memory_space<vmem>>, vector<16xf32>,
        %gather3A_268 = arith.constant 7680 : i32
        %gather3A_269 = tpu.memref_slice %arg5[%gather3A_268] : memref<32768xf32, #tpu.memory_space<vmem>> -> memref<512xf32, #tpu.memory_space<vmem>>
        %gather3A_270 = tpu.vector_load_idx %gather3A_269[%get3A_152] : memref<512xf32, #tpu.memory_space<vmem>>[vector<16xi32>], vector<16xf32>,
        %mul3A_271 = arith.constant 16 : i32
        %mul3A_272 = arith.muli %scan3A_147, %mul3A_271 : i32
        %swap3A_273 = arith.constant 0 : i32
        %swap3A_274 = arith.constant 9 : i32
        %swap3A_275 = arith.index_cast %swap3A_273 : i32 to index
        %swap3A_276 = arith.index_cast %swap3A_274 : i32 to index
        %swap3A_277 = arith.index_cast %mul3A_272 : i32 to index
        %swap3A_278 = tpu.vector_load %arg7[%swap3A_275, %swap3A_276, %swap3A_277] {strides = array<i32>} : memref<2x64x512xf32, #tpu.memory_space<vmem>>, vector<16xf32>,
        tpu.vector_store %arg7[%swap3A_275, %swap3A_276, %swap3A_277], %gather3A_204 {strides = array<i32>} : memref<2x64x512xf32, #tpu.memory_space<vmem>>, vector<16xf32>,
        %gather3A_279 = arith.constant 8192 : i32
        %gather3A_280 = tpu.memref_slice %arg5[%gather3A_279] : memref<32768xf32, #tpu.memory_space<vmem>> -> memref<512xf32, #tpu.memory_space<vmem>>
        %gather3A_281 = tpu.vector_load_idx %gather3A_280[%get3A_152] : memref<512xf32, #tpu.memory_space<vmem>>[vector<16xi32>], vector<16xf32>,
        %mul3A_282 = arith.constant 16 : i32
        %mul3A_283 = arith.muli %scan3A_147, %mul3A_282 : i32
        %swap3A_284 = arith.constant 0 : i32
        %swap3A_285 = arith.constant 10 : i32
        %swap3A_286 = arith.index_cast %swap3A_284 : i32 to index
        %swap3A_287 = arith.index_cast %swap3A_285 : i32 to index
        %swap3A_288 = arith.index_cast %mul3A_283 : i32 to index
        %swap3A_289 = tpu.vector_load %arg7[%swap3A_286, %swap3A_287, %swap3A_288] {strides = array<i32>} : memref<2x64x512xf32, #tpu.memory_space<vmem>>, vector<16xf32>,
        tpu.vector_store %arg7[%swap3A_286, %swap3A_287, %swap3A_288], %gather3A_215 {strides = array<i32>} : memref<2x64x512xf32, #tpu.memory_space<vmem>>, vector<16xf32>,
        %gather3A_290 = arith.constant 8704 : i32
        %gather3A_291 = tpu.memref_slice %arg5[%gather3A_290] : memref<32768xf32, #tpu.memory_space<vmem>> -> memref<512xf32, #tpu.memory_space<vmem>>
        %gather3A_292 = tpu.vector_load_idx %gather3A_291[%get3A_152] : memref<512xf32, #tpu.memory_space<vmem>>[vector<16xi32>], vector<16xf32>,
        %mul3A_293 = arith.constant 16 : i32
        %mul3A_294 = arith.muli %scan3A_147, %mul3A_293 : i32
        %swap3A_295 = arith.constant 0 : i32
        %swap3A_296 = arith.constant 11 : i32
        %swap3A_297 = arith.index_cast %swap3A_295 : i32 to index
        %swap3A_298 = arith.index_cast %swap3A_296 : i32 to index
        %swap3A_299 = arith.index_cast %mul3A_294 : i32 to index
        %swap3A_300 = tpu.vector_load %arg7[%swap3A_297, %swap3A_298, %swap3A_299] {strides = array<i32>} : memref<2x64x512xf32, #tpu.memory_space<vmem>>, vector<16xf32>,
        tpu.vector_store %arg7[%swap3A_297, %swap3A_298, %swap3A_299], %gather3A_226 {strides = array<i32>} : memref<2x64x512xf32, #tpu.memory_space<vmem>>, vector<16xf32>,
        %gather3A_301 = arith.constant 9216 : i32
        %gather3A_302 = tpu.memref_slice %arg5[%gather3A_301] : memref<32768xf32, #tpu.memory_space<vmem>> -> memref<512xf32, #tpu.memory_space<vmem>>
        %gather3A_303 = tpu.vector_load_idx %gather3A_302[%get3A_152] : memref<512xf32, #tpu.memory_space<vmem>>[vector<16xi32>], vector<16xf32>,
        %mul3A_304 = arith.constant 16 : i32
        %mul3A_305 = arith.muli %scan3A_147, %mul3A_304 : i32
        %swap3A_306 = arith.constant 0 : i32
        %swap3A_307 = arith.constant 12 : i32
        %swap3A_308 = arith.index_cast %swap3A_306 : i32 to index
        %swap3A_309 = arith.index_cast %swap3A_307 : i32 to index
        %swap3A_310 = arith.index_cast %mul3A_305 : i32 to index
        %swap3A_311 = tpu.vector_load %arg7[%swap3A_308, %swap3A_309, %swap3A_310] {strides = array<i32>} : memref<2x64x512xf32, #tpu.memory_space<vmem>>, vector<16xf32>,
        tpu.vector_store %arg7[%swap3A_308, %swap3A_309, %swap3A_310], %gather3A_237 {strides = array<i32>} : memref<2x64x512xf32, #tpu.memory_space<vmem>>, vector<16xf32>,
        %gather3A_312 = arith.constant 9728 : i32
        %gather3A_313 = tpu.memref_slice %arg5[%gather3A_312] : memref<32768xf32, #tpu.memory_space<vmem>> -> memref<512xf32, #tpu.memory_space<vmem>>
        %gather3A_314 = tpu.vector_load_idx %gather3A_313[%get3A_152] : memref<512xf32, #tpu.memory_space<vmem>>[vector<16xi32>], vector<16xf32>,
        %mul3A_315 = arith.constant 16 : i32
        %mul3A_316 = arith.muli %scan3A_147, %mul3A_315 : i32
        %swap3A_317 = arith.constant 0 : i32
        %swap3A_318 = arith.constant 13 : i32
        %swap3A_319 = arith.index_cast %swap3A_317 : i32 to index
        %swap3A_320 = arith.index_cast %swap3A_318 : i32 to index
        %swap3A_321 = arith.index_cast %mul3A_316 : i32 to index
        %swap3A_322 = tpu.vector_load %arg7[%swap3A_319, %swap3A_320, %swap3A_321] {strides = array<i32>} : memref<2x64x512xf32, #tpu.memory_space<vmem>>, vector<16xf32>,
        tpu.vector_store %arg7[%swap3A_319, %swap3A_320, %swap3A_321], %gather3A_248 {strides = array<i32>} : memref<2x64x512xf32, #tpu.memory_space<vmem>>, vector<16xf32>,
        %gather3A_323 = arith.constant 10240 : i32
        %gather3A_324 = tpu.memref_slice %arg5[%gather3A_323] : memref<32768xf32, #tpu.memory_space<vmem>> -> memref<512xf32, #tpu.memory_space<vmem>>
        %gather3A_325 = tpu.vector_load_idx %gather3A_324[%get3A_152] : memref<512xf32, #tpu.memory_space<vmem>>[vector<16xi32>], vector<16xf32>,
        %mul3A_326 = arith.constant 16 : i32
        %mul3A_327 = arith.muli %scan3A_147, %mul3A_326 : i32
        %swap3A_328 = arith.constant 0 : i32
        %swap3A_329 = arith.constant 14 : i32
        %swap3A_330 = arith.index_cast %swap3A_328 : i32 to index
        %swap3A_331 = arith.index_cast %swap3A_329 : i32 to index
        %swap3A_332 = arith.index_cast %mul3A_327 : i32 to index
        %swap3A_333 = tpu.vector_load %arg7[%swap3A_330, %swap3A_331, %swap3A_332] {strides = array<i32>} : memref<2x64x512xf32, #tpu.memory_space<vmem>>, vector<16xf32>,
        tpu.vector_store %arg7[%swap3A_330, %swap3A_331, %swap3A_332], %gather3A_259 {strides = array<i32>} : memref<2x64x512xf32, #tpu.memory_space<vmem>>, vector<16xf32>,
        %gather3A_334 = arith.constant 10752 : i32
        %gather3A_335 = tpu.memref_slice %arg5[%gather3A_334] : memref<32768xf32, #tpu.memory_space<vmem>> -> memref<512xf32, #tpu.memory_space<vmem>>
        %gather3A_336 = tpu.vector_load_idx %gather3A_335[%get3A_152] : memref<512xf32, #tpu.memory_space<vmem>>[vector<16xi32>], vector<16xf32>,
        %mul3A_337 = arith.constant 16 : i32
        %mul3A_338 = arith.muli %scan3A_147, %mul3A_337 : i32
        %swap3A_339 = arith.constant 0 : i32
        %swap3A_340 = arith.constant 15 : i32
        %swap3A_341 = arith.index_cast %swap3A_339 : i32 to index
        %swap3A_342 = arith.index_cast %swap3A_340 : i32 to index
        %swap3A_343 = arith.index_cast %mul3A_338 : i32 to index
        %swap3A_344 = tpu.vector_load %arg7[%swap3A_341, %swap3A_342, %swap3A_343] {strides = array<i32>} : memref<2x64x512xf32, #tpu.memory_space<vmem>>, vector<16xf32>,
        tpu.vector_store %arg7[%swap3A_341, %swap3A_342, %swap3A_343], %gather3A_270 {strides = array<i32>} : memref<2x64x512xf32, #tpu.memory_space<vmem>>, vector<16xf32>,
        %gather3A_345 = arith.constant 11264 : i32
        %gather3A_346 = tpu.memref_slice %arg5[%gather3A_345] : memref<32768xf32, #tpu.memory_space<vmem>> -> memref<512xf32, #tpu.memory_space<vmem>>
        %gather3A_347 = tpu.vector_load_idx %gather3A_346[%get3A_152] : memref<512xf32, #tpu.memory_space<vmem>>[vector<16xi32>], vector<16xf32>,
        %mul3A_348 = arith.constant 16 : i32
        %mul3A_349 = arith.muli %scan3A_147, %mul3A_348 : i32
        %swap3A_350 = arith.constant 0 : i32
        %swap3A_351 = arith.constant 16 : i32
        %swap3A_352 = arith.index_cast %swap3A_350 : i32 to index
        %swap3A_353 = arith.index_cast %swap3A_351 : i32 to index
        %swap3A_354 = arith.index_cast %mul3A_349 : i32 to index
        %swap3A_355 = tpu.vector_load %arg7[%swap3A_352, %swap3A_353, %swap3A_354] {strides = array<i32>} : memref<2x64x512xf32, #tpu.memory_space<vmem>>, vector<16xf32>,
        tpu.vector_store %arg7[%swap3A_352, %swap3A_353, %swap3A_354], %gather3A_281 {strides = array<i32>} : memref<2x64x512xf32, #tpu.memory_space<vmem>>, vector<16xf32>,
        %gather3A_356 = arith.constant 11776 : i32
        %gather3A_357 = tpu.memref_slice %arg5[%gather3A_356] : memref<32768xf32, #tpu.memory_space<vmem>> -> memref<512xf32, #tpu.memory_space<vmem>>
        %gather3A_358 = tpu.vector_load_idx %gather3A_357[%get3A_152] : memref<512xf32, #tpu.memory_space<vmem>>[vector<16xi32>], vector<16xf32>,
        %mul3A_359 = arith.constant 16 : i32
        %mul3A_360 = arith.muli %scan3A_147, %mul3A_359 : i32
        %swap3A_361 = arith.constant 0 : i32
        %swap3A_362 = arith.constant 17 : i32
        %swap3A_363 = arith.index_cast %swap3A_361 : i32 to index
        %swap3A_364 = arith.index_cast %swap3A_362 : i32 to index
        %swap3A_365 = arith.index_cast %mul3A_360 : i32 to index
        %swap3A_366 = tpu.vector_load %arg7[%swap3A_363, %swap3A_364, %swap3A_365] {strides = array<i32>} : memref<2x64x512xf32, #tpu.memory_space<vmem>>, vector<16xf32>,
        tpu.vector_store %arg7[%swap3A_363, %swap3A_364, %swap3A_365], %gather3A_292 {strides = array<i32>} : memref<2x64x512xf32, #tpu.memory_space<vmem>>, vector<16xf32>,
        %gather3A_367 = arith.constant 12288 : i32
        %gather3A_368 = tpu.memref_slice %arg5[%gather3A_367] : memref<32768xf32, #tpu.memory_space<vmem>> -> memref<512xf32, #tpu.memory_space<vmem>>
        %gather3A_369 = tpu.vector_load_idx %gather3A_368[%get3A_152] : memref<512xf32, #tpu.memory_space<vmem>>[vector<16xi32>], vector<16xf32>,
        %mul3A_370 = arith.constant 16 : i32
        %mul3A_371 = arith.muli %scan3A_147, %mul3A_370 : i32
        %swap3A_372 = arith.constant 0 : i32
        %swap3A_373 = arith.constant 18 : i32
        %swap3A_374 = arith.index_cast %swap3A_372 : i32 to index
        %swap3A_375 = arith.index_cast %swap3A_373 : i32 to index
        %swap3A_376 = arith.index_cast %mul3A_371 : i32 to index
        %swap3A_377 = tpu.vector_load %arg7[%swap3A_374, %swap3A_375, %swap3A_376] {strides = array<i32>} : memref<2x64x512xf32, #tpu.memory_space<vmem>>, vector<16xf32>,
        tpu.vector_store %arg7[%swap3A_374, %swap3A_375, %swap3A_376], %gather3A_303 {strides = array<i32>} : memref<2x64x512xf32, #tpu.memory_space<vmem>>, vector<16xf32>,
        %gather3A_378 = arith.constant 12800 : i32
        %gather3A_379 = tpu.memref_slice %arg5[%gather3A_378] : memref<32768xf32, #tpu.memory_space<vmem>> -> memref<512xf32, #tpu.memory_space<vmem>>
        %gather3A_380 = tpu.vector_load_idx %gather3A_379[%get3A_152] : memref<512xf32, #tpu.memory_space<vmem>>[vector<16xi32>], vector<16xf32>,
        %mul3A_381 = arith.constant 16 : i32
        %mul3A_382 = arith.muli %scan3A_147, %mul3A_381 : i32
        %swap3A_383 = arith.constant 0 : i32
        %swap3A_384 = arith.constant 19 : i32
        %swap3A_385 = arith.index_cast %swap3A_383 : i32 to index
        %swap3A_386 = arith.index_cast %swap3A_384 : i32 to index
        %swap3A_387 = arith.index_cast %mul3A_382 : i32 to index
        %swap3A_388 = tpu.vector_load %arg7[%swap3A_385, %swap3A_386, %swap3A_387] {strides = array<i32>} : memref<2x64x512xf32, #tpu.memory_space<vmem>>, vector<16xf32>,
        tpu.vector_store %arg7[%swap3A_385, %swap3A_386, %swap3A_387], %gather3A_314 {strides = array<i32>} : memref<2x64x512xf32, #tpu.memory_space<vmem>>, vector<16xf32>,
        %gather3A_389 = arith.constant 13312 : i32
        %gather3A_390 = tpu.memref_slice %arg5[%gather3A_389] : memref<32768xf32, #tpu.memory_space<vmem>> -> memref<512xf32, #tpu.memory_space<vmem>>
        %gather3A_391 = tpu.vector_load_idx %gather3A_390[%get3A_152] : memref<512xf32, #tpu.memory_space<vmem>>[vector<16xi32>], vector<16xf32>,
        %mul3A_392 = arith.constant 16 : i32
        %mul3A_393 = arith.muli %scan3A_147, %mul3A_392 : i32
        %swap3A_394 = arith.constant 0 : i32
        %swap3A_395 = arith.constant 20 : i32
        %swap3A_396 = arith.index_cast %swap3A_394 : i32 to index
        %swap3A_397 = arith.index_cast %swap3A_395 : i32 to index
        %swap3A_398 = arith.index_cast %mul3A_393 : i32 to index
        %swap3A_399 = tpu.vector_load %arg7[%swap3A_396, %swap3A_397, %swap3A_398] {strides = array<i32>} : memref<2x64x512xf32, #tpu.memory_space<vmem>>, vector<16xf32>,
        tpu.vector_store %arg7[%swap3A_396, %swap3A_397, %swap3A_398], %gather3A_325 {strides = array<i32>} : memref<2x64x512xf32, #tpu.memory_space<vmem>>, vector<16xf32>,
        %gather3A_400 = arith.constant 13824 : i32
        %gather3A_401 = tpu.memref_slice %arg5[%gather3A_400] : memref<32768xf32, #tpu.memory_space<vmem>> -> memref<512xf32, #tpu.memory_space<vmem>>
        %gather3A_402 = tpu.vector_load_idx %gather3A_401[%get3A_152] : memref<512xf32, #tpu.memory_space<vmem>>[vector<16xi32>], vector<16xf32>,
        %mul3A_403 = arith.constant 16 : i32
        %mul3A_404 = arith.muli %scan3A_147, %mul3A_403 : i32
        %swap3A_405 = arith.constant 0 : i32
        %swap3A_406 = arith.constant 21 : i32
        %swap3A_407 = arith.index_cast %swap3A_405 : i32 to index
        %swap3A_408 = arith.index_cast %swap3A_406 : i32 to index
        %swap3A_409 = arith.index_cast %mul3A_404 : i32 to index
        %swap3A_410 = tpu.vector_load %arg7[%swap3A_407, %swap3A_408, %swap3A_409] {strides = array<i32>} : memref<2x64x512xf32, #tpu.memory_space<vmem>>, vector<16xf32>,
        tpu.vector_store %arg7[%swap3A_407, %swap3A_408, %swap3A_409], %gather3A_336 {strides = array<i32>} : memref<2x64x512xf32, #tpu.memory_space<vmem>>, vector<16xf32>,
        %gather3A_411 = arith.constant 14336 : i32
        %gather3A_412 = tpu.memref_slice %arg5[%gather3A_411] : memref<32768xf32, #tpu.memory_space<vmem>> -> memref<512xf32, #tpu.memory_space<vmem>>
        %gather3A_413 = tpu.vector_load_idx %gather3A_412[%get3A_152] : memref<512xf32, #tpu.memory_space<vmem>>[vector<16xi32>], vector<16xf32>,
        %mul3A_414 = arith.constant 16 : i32
        %mul3A_415 = arith.muli %scan3A_147, %mul3A_414 : i32
        %swap3A_416 = arith.constant 0 : i32
        %swap3A_417 = arith.constant 22 : i32
        %swap3A_418 = arith.index_cast %swap3A_416 : i32 to index
        %swap3A_419 = arith.index_cast %swap3A_417 : i32 to index
        %swap3A_420 = arith.index_cast %mul3A_415 : i32 to index
        %swap3A_421 = tpu.vector_load %arg7[%swap3A_418, %swap3A_419, %swap3A_420] {strides = array<i32>} : memref<2x64x512xf32, #tpu.memory_space<vmem>>, vector<16xf32>,
        tpu.vector_store %arg7[%swap3A_418, %swap3A_419, %swap3A_420], %gather3A_347 {strides = array<i32>} : memref<2x64x512xf32, #tpu.memory_space<vmem>>, vector<16xf32>,
        %gather3A_422 = arith.constant 14848 : i32
        %gather3A_423 = tpu.memref_slice %arg5[%gather3A_422] : memref<32768xf32, #tpu.memory_space<vmem>> -> memref<512xf32, #tpu.memory_space<vmem>>
        %gather3A_424 = tpu.vector_load_idx %gather3A_423[%get3A_152] : memref<512xf32, #tpu.memory_space<vmem>>[vector<16xi32>], vector<16xf32>,
        %mul3A_425 = arith.constant 16 : i32
        %mul3A_426 = arith.muli %scan3A_147, %mul3A_425 : i32
        %swap3A_427 = arith.constant 0 : i32
        %swap3A_428 = arith.constant 23 : i32
        %swap3A_429 = arith.index_cast %swap3A_427 : i32 to index
        %swap3A_430 = arith.index_cast %swap3A_428 : i32 to index
        %swap3A_431 = arith.index_cast %mul3A_426 : i32 to index
        %swap3A_432 = tpu.vector_load %arg7[%swap3A_429, %swap3A_430, %swap3A_431] {strides = array<i32>} : memref<2x64x512xf32, #tpu.memory_space<vmem>>, vector<16xf32>,
        tpu.vector_store %arg7[%swap3A_429, %swap3A_430, %swap3A_431], %gather3A_358 {strides = array<i32>} : memref<2x64x512xf32, #tpu.memory_space<vmem>>, vector<16xf32>,
        %gather3A_433 = arith.constant 15360 : i32
        %gather3A_434 = tpu.memref_slice %arg5[%gather3A_433] : memref<32768xf32, #tpu.memory_space<vmem>> -> memref<512xf32, #tpu.memory_space<vmem>>
        %gather3A_435 = tpu.vector_load_idx %gather3A_434[%get3A_152] : memref<512xf32, #tpu.memory_space<vmem>>[vector<16xi32>], vector<16xf32>,
        %mul3A_436 = arith.constant 16 : i32
        %mul3A_437 = arith.muli %scan3A_147, %mul3A_436 : i32
        %swap3A_438 = arith.constant 0 : i32
        %swap3A_439 = arith.constant 24 : i32
        %swap3A_440 = arith.index_cast %swap3A_438 : i32 to index
        %swap3A_441 = arith.index_cast %swap3A_439 : i32 to index
        %swap3A_442 = arith.index_cast %mul3A_437 : i32 to index
        %swap3A_443 = tpu.vector_load %arg7[%swap3A_440, %swap3A_441, %swap3A_442] {strides = array<i32>} : memref<2x64x512xf32, #tpu.memory_space<vmem>>, vector<16xf32>,
        tpu.vector_store %arg7[%swap3A_440, %swap3A_441, %swap3A_442], %gather3A_369 {strides = array<i32>} : memref<2x64x512xf32, #tpu.memory_space<vmem>>, vector<16xf32>,
        %gather3A_444 = arith.constant 15872 : i32
        %gather3A_445 = tpu.memref_slice %arg5[%gather3A_444] : memref<32768xf32, #tpu.memory_space<vmem>> -> memref<512xf32, #tpu.memory_space<vmem>>
        %gather3A_446 = tpu.vector_load_idx %gather3A_445[%get3A_152] : memref<512xf32, #tpu.memory_space<vmem>>[vector<16xi32>], vector<16xf32>,
        %mul3A_447 = arith.constant 16 : i32
        %mul3A_448 = arith.muli %scan3A_147, %mul3A_447 : i32
        %swap3A_449 = arith.constant 0 : i32
        %swap3A_450 = arith.constant 25 : i32
        %swap3A_451 = arith.index_cast %swap3A_449 : i32 to index
        %swap3A_452 = arith.index_cast %swap3A_450 : i32 to index
        %swap3A_453 = arith.index_cast %mul3A_448 : i32 to index
        %swap3A_454 = tpu.vector_load %arg7[%swap3A_451, %swap3A_452, %swap3A_453] {strides = array<i32>} : memref<2x64x512xf32, #tpu.memory_space<vmem>>, vector<16xf32>,
        tpu.vector_store %arg7[%swap3A_451, %swap3A_452, %swap3A_453], %gather3A_380 {strides = array<i32>} : memref<2x64x512xf32, #tpu.memory_space<vmem>>, vector<16xf32>,
        %gather3A_455 = arith.constant 16384 : i32
        %gather3A_456 = tpu.memref_slice %arg5[%gather3A_455] : memref<32768xf32, #tpu.memory_space<vmem>> -> memref<512xf32, #tpu.memory_space<vmem>>
        %gather3A_457 = tpu.vector_load_idx %gather3A_456[%get3A_152] : memref<512xf32, #tpu.memory_space<vmem>>[vector<16xi32>], vector<16xf32>,
        %mul3A_458 = arith.constant 16 : i32
        %mul3A_459 = arith.muli %scan3A_147, %mul3A_458 : i32
        %swap3A_460 = arith.constant 0 : i32
        %swap3A_461 = arith.constant 26 : i32
        %swap3A_462 = arith.index_cast %swap3A_460 : i32 to index
        %swap3A_463 = arith.index_cast %swap3A_461 : i32 to index
        %swap3A_464 = arith.index_cast %mul3A_459 : i32 to index
        %swap3A_465 = tpu.vector_load %arg7[%swap3A_462, %swap3A_463, %swap3A_464] {strides = array<i32>} : memref<2x64x512xf32, #tpu.memory_space<vmem>>, vector<16xf32>,
        tpu.vector_store %arg7[%swap3A_462, %swap3A_463, %swap3A_464], %gather3A_391 {strides = array<i32>} : memref<2x64x512xf32, #tpu.memory_space<vmem>>, vector<16xf32>,
        %gather3A_466 = arith.constant 16896 : i32
        %gather3A_467 = tpu.memref_slice %arg5[%gather3A_466] : memref<32768xf32, #tpu.memory_space<vmem>> -> memref<512xf32, #tpu.memory_space<vmem>>
        %gather3A_468 = tpu.vector_load_idx %gather3A_467[%get3A_152] : memref<512xf32, #tpu.memory_space<vmem>>[vector<16xi32>], vector<16xf32>,
        %mul3A_469 = arith.constant 16 : i32
        %mul3A_470 = arith.muli %scan3A_147, %mul3A_469 : i32
        %swap3A_471 = arith.constant 0 : i32
        %swap3A_472 = arith.constant 27 : i32
        %swap3A_473 = arith.index_cast %swap3A_471 : i32 to index
        %swap3A_474 = arith.index_cast %swap3A_472 : i32 to index
        %swap3A_475 = arith.index_cast %mul3A_470 : i32 to index
        %swap3A_476 = tpu.vector_load %arg7[%swap3A_473, %swap3A_474, %swap3A_475] {strides = array<i32>} : memref<2x64x512xf32, #tpu.memory_space<vmem>>, vector<16xf32>,
        tpu.vector_store %arg7[%swap3A_473, %swap3A_474, %swap3A_475], %gather3A_402 {strides = array<i32>} : memref<2x64x512xf32, #tpu.memory_space<vmem>>, vector<16xf32>,
        %gather3A_477 = arith.constant 17408 : i32
        %gather3A_478 = tpu.memref_slice %arg5[%gather3A_477] : memref<32768xf32, #tpu.memory_space<vmem>> -> memref<512xf32, #tpu.memory_space<vmem>>
        %gather3A_479 = tpu.vector_load_idx %gather3A_478[%get3A_152] : memref<512xf32, #tpu.memory_space<vmem>>[vector<16xi32>], vector<16xf32>,
        %mul3A_480 = arith.constant 16 : i32
        %mul3A_481 = arith.muli %scan3A_147, %mul3A_480 : i32
        %swap3A_482 = arith.constant 0 : i32
        %swap3A_483 = arith.constant 28 : i32
        %swap3A_484 = arith.index_cast %swap3A_482 : i32 to index
        %swap3A_485 = arith.index_cast %swap3A_483 : i32 to index
        %swap3A_486 = arith.index_cast %mul3A_481 : i32 to index
        %swap3A_487 = tpu.vector_load %arg7[%swap3A_484, %swap3A_485, %swap3A_486] {strides = array<i32>} : memref<2x64x512xf32, #tpu.memory_space<vmem>>, vector<16xf32>,
        tpu.vector_store %arg7[%swap3A_484, %swap3A_485, %swap3A_486], %gather3A_413 {strides = array<i32>} : memref<2x64x512xf32, #tpu.memory_space<vmem>>, vector<16xf32>,
        %gather3A_488 = arith.constant 17920 : i32
        %gather3A_489 = tpu.memref_slice %arg5[%gather3A_488] : memref<32768xf32, #tpu.memory_space<vmem>> -> memref<512xf32, #tpu.memory_space<vmem>>
        %gather3A_490 = tpu.vector_load_idx %gather3A_489[%get3A_152] : memref<512xf32, #tpu.memory_space<vmem>>[vector<16xi32>], vector<16xf32>,
        %mul3A_491 = arith.constant 16 : i32
        %mul3A_492 = arith.muli %scan3A_147, %mul3A_491 : i32
        %swap3A_493 = arith.constant 0 : i32
        %swap3A_494 = arith.constant 29 : i32
        %swap3A_495 = arith.index_cast %swap3A_493 : i32 to index
        %swap3A_496 = arith.index_cast %swap3A_494 : i32 to index
        %swap3A_497 = arith.index_cast %mul3A_492 : i32 to index
        %swap3A_498 = tpu.vector_load %arg7[%swap3A_495, %swap3A_496, %swap3A_497] {strides = array<i32>} : memref<2x64x512xf32, #tpu.memory_space<vmem>>, vector<16xf32>,
        tpu.vector_store %arg7[%swap3A_495, %swap3A_496, %swap3A_497], %gather3A_424 {strides = array<i32>} : memref<2x64x512xf32, #tpu.memory_space<vmem>>, vector<16xf32>,
        %gather3A_499 = arith.constant 18432 : i32
        %gather3A_500 = tpu.memref_slice %arg5[%gather3A_499] : memref<32768xf32, #tpu.memory_space<vmem>> -> memref<512xf32, #tpu.memory_space<vmem>>
        %gather3A_501 = tpu.vector_load_idx %gather3A_500[%get3A_152] : memref<512xf32, #tpu.memory_space<vmem>>[vector<16xi32>], vector<16xf32>,
        %mul3A_502 = arith.constant 16 : i32
        %mul3A_503 = arith.muli %scan3A_147, %mul3A_502 : i32
        %swap3A_504 = arith.constant 0 : i32
        %swap3A_505 = arith.constant 30 : i32
        %swap3A_506 = arith.index_cast %swap3A_504 : i32 to index
        %swap3A_507 = arith.index_cast %swap3A_505 : i32 to index
        %swap3A_508 = arith.index_cast %mul3A_503 : i32 to index
        %swap3A_509 = tpu.vector_load %arg7[%swap3A_506, %swap3A_507, %swap3A_508] {strides = array<i32>} : memref<2x64x512xf32, #tpu.memory_space<vmem>>, vector<16xf32>,
        tpu.vector_store %arg7[%swap3A_506, %swap3A_507, %swap3A_508], %gather3A_435 {strides = array<i32>} : memref<2x64x512xf32, #tpu.memory_space<vmem>>, vector<16xf32>,
        %gather3A_510 = arith.constant 18944 : i32
        %gather3A_511 = tpu.memref_slice %arg5[%gather3A_510] : memref<32768xf32, #tpu.memory_space<vmem>> -> memref<512xf32, #tpu.memory_space<vmem>>
        %gather3A_512 = tpu.vector_load_idx %gather3A_511[%get3A_152] : memref<512xf32, #tpu.memory_space<vmem>>[vector<16xi32>], vector<16xf32>,
        %mul3A_513 = arith.constant 16 : i32
        %mul3A_514 = arith.muli %scan3A_147, %mul3A_513 : i32
        %swap3A_515 = arith.constant 0 : i32
        %swap3A_516 = arith.constant 31 : i32
        %swap3A_517 = arith.index_cast %swap3A_515 : i32 to index
        %swap3A_518 = arith.index_cast %swap3A_516 : i32 to index
        %swap3A_519 = arith.index_cast %mul3A_514 : i32 to index
        %swap3A_520 = tpu.vector_load %arg7[%swap3A_517, %swap3A_518, %swap3A_519] {strides = array<i32>} : memref<2x64x512xf32, #tpu.memory_space<vmem>>, vector<16xf32>,
        tpu.vector_store %arg7[%swap3A_517, %swap3A_518, %swap3A_519], %gather3A_446 {strides = array<i32>} : memref<2x64x512xf32, #tpu.memory_space<vmem>>, vector<16xf32>,
        %gather3A_521 = arith.constant 19456 : i32
        %gather3A_522 = tpu.memref_slice %arg5[%gather3A_521] : memref<32768xf32, #tpu.memory_space<vmem>> -> memref<512xf32, #tpu.memory_space<vmem>>
        %gather3A_523 = tpu.vector_load_idx %gather3A_522[%get3A_152] : memref<512xf32, #tpu.memory_space<vmem>>[vector<16xi32>], vector<16xf32>,
        %mul3A_524 = arith.constant 16 : i32
        %mul3A_525 = arith.muli %scan3A_147, %mul3A_524 : i32
        %swap3A_526 = arith.constant 0 : i32
        %swap3A_527 = arith.constant 32 : i32
        %swap3A_528 = arith.index_cast %swap3A_526 : i32 to index
        %swap3A_529 = arith.index_cast %swap3A_527 : i32 to index
        %swap3A_530 = arith.index_cast %mul3A_525 : i32 to index
        %swap3A_531 = tpu.vector_load %arg7[%swap3A_528, %swap3A_529, %swap3A_530] {strides = array<i32>} : memref<2x64x512xf32, #tpu.memory_space<vmem>>, vector<16xf32>,
        tpu.vector_store %arg7[%swap3A_528, %swap3A_529, %swap3A_530], %gather3A_457 {strides = array<i32>} : memref<2x64x512xf32, #tpu.memory_space<vmem>>, vector<16xf32>,
        %gather3A_532 = arith.constant 19968 : i32
        %gather3A_533 = tpu.memref_slice %arg5[%gather3A_532] : memref<32768xf32, #tpu.memory_space<vmem>> -> memref<512xf32, #tpu.memory_space<vmem>>
        %gather3A_534 = tpu.vector_load_idx %gather3A_533[%get3A_152] : memref<512xf32, #tpu.memory_space<vmem>>[vector<16xi32>], vector<16xf32>,
        %mul3A_535 = arith.constant 16 : i32
        %mul3A_536 = arith.muli %scan3A_147, %mul3A_535 : i32
        %swap3A_537 = arith.constant 0 : i32
        %swap3A_538 = arith.constant 33 : i32
        %swap3A_539 = arith.index_cast %swap3A_537 : i32 to index
        %swap3A_540 = arith.index_cast %swap3A_538 : i32 to index
        %swap3A_541 = arith.index_cast %mul3A_536 : i32 to index
        %swap3A_542 = tpu.vector_load %arg7[%swap3A_539, %swap3A_540, %swap3A_541] {strides = array<i32>} : memref<2x64x512xf32, #tpu.memory_space<vmem>>, vector<16xf32>,
        tpu.vector_store %arg7[%swap3A_539, %swap3A_540, %swap3A_541], %gather3A_468 {strides = array<i32>} : memref<2x64x512xf32, #tpu.memory_space<vmem>>, vector<16xf32>,
        %gather3A_543 = arith.constant 20480 : i32
        %gather3A_544 = tpu.memref_slice %arg5[%gather3A_543] : memref<32768xf32, #tpu.memory_space<vmem>> -> memref<512xf32, #tpu.memory_space<vmem>>
        %gather3A_545 = tpu.vector_load_idx %gather3A_544[%get3A_152] : memref<512xf32, #tpu.memory_space<vmem>>[vector<16xi32>], vector<16xf32>,
        %mul3A_546 = arith.constant 16 : i32
        %mul3A_547 = arith.muli %scan3A_147, %mul3A_546 : i32
        %swap3A_548 = arith.constant 0 : i32
        %swap3A_549 = arith.constant 34 : i32
        %swap3A_550 = arith.index_cast %swap3A_548 : i32 to index
        %swap3A_551 = arith.index_cast %swap3A_549 : i32 to index
        %swap3A_552 = arith.index_cast %mul3A_547 : i32 to index
        %swap3A_553 = tpu.vector_load %arg7[%swap3A_550, %swap3A_551, %swap3A_552] {strides = array<i32>} : memref<2x64x512xf32, #tpu.memory_space<vmem>>, vector<16xf32>,
        tpu.vector_store %arg7[%swap3A_550, %swap3A_551, %swap3A_552], %gather3A_479 {strides = array<i32>} : memref<2x64x512xf32, #tpu.memory_space<vmem>>, vector<16xf32>,
        %gather3A_554 = arith.constant 20992 : i32
        %gather3A_555 = tpu.memref_slice %arg5[%gather3A_554] : memref<32768xf32, #tpu.memory_space<vmem>> -> memref<512xf32, #tpu.memory_space<vmem>>
        %gather3A_556 = tpu.vector_load_idx %gather3A_555[%get3A_152] : memref<512xf32, #tpu.memory_space<vmem>>[vector<16xi32>], vector<16xf32>,
        %mul3A_557 = arith.constant 16 : i32
        %mul3A_558 = arith.muli %scan3A_147, %mul3A_557 : i32
        %swap3A_559 = arith.constant 0 : i32
        %swap3A_560 = arith.constant 35 : i32
        %swap3A_561 = arith.index_cast %swap3A_559 : i32 to index
        %swap3A_562 = arith.index_cast %swap3A_560 : i32 to index
        %swap3A_563 = arith.index_cast %mul3A_558 : i32 to index
        %swap3A_564 = tpu.vector_load %arg7[%swap3A_561, %swap3A_562, %swap3A_563] {strides = array<i32>} : memref<2x64x512xf32, #tpu.memory_space<vmem>>, vector<16xf32>,
        tpu.vector_store %arg7[%swap3A_561, %swap3A_562, %swap3A_563], %gather3A_490 {strides = array<i32>} : memref<2x64x512xf32, #tpu.memory_space<vmem>>, vector<16xf32>,
        %gather3A_565 = arith.constant 21504 : i32
        %gather3A_566 = tpu.memref_slice %arg5[%gather3A_565] : memref<32768xf32, #tpu.memory_space<vmem>> -> memref<512xf32, #tpu.memory_space<vmem>>
        %gather3A_567 = tpu.vector_load_idx %gather3A_566[%get3A_152] : memref<512xf32, #tpu.memory_space<vmem>>[vector<16xi32>], vector<16xf32>,
        %mul3A_568 = arith.constant 16 : i32
        %mul3A_569 = arith.muli %scan3A_147, %mul3A_568 : i32
        %swap3A_570 = arith.constant 0 : i32
        %swap3A_571 = arith.constant 36 : i32
        %swap3A_572 = arith.index_cast %swap3A_570 : i32 to index
        %swap3A_573 = arith.index_cast %swap3A_571 : i32 to index
        %swap3A_574 = arith.index_cast %mul3A_569 : i32 to index
        %swap3A_575 = tpu.vector_load %arg7[%swap3A_572, %swap3A_573, %swap3A_574] {strides = array<i32>} : memref<2x64x512xf32, #tpu.memory_space<vmem>>, vector<16xf32>,
        tpu.vector_store %arg7[%swap3A_572, %swap3A_573, %swap3A_574], %gather3A_501 {strides = array<i32>} : memref<2x64x512xf32, #tpu.memory_space<vmem>>, vector<16xf32>,
        %gather3A_576 = arith.constant 22016 : i32
        %gather3A_577 = tpu.memref_slice %arg5[%gather3A_576] : memref<32768xf32, #tpu.memory_space<vmem>> -> memref<512xf32, #tpu.memory_space<vmem>>
        %gather3A_578 = tpu.vector_load_idx %gather3A_577[%get3A_152] : memref<512xf32, #tpu.memory_space<vmem>>[vector<16xi32>], vector<16xf32>,
        %mul3A_579 = arith.constant 16 : i32
        %mul3A_580 = arith.muli %scan3A_147, %mul3A_579 : i32
        %swap3A_581 = arith.constant 0 : i32
        %swap3A_582 = arith.constant 37 : i32
        %swap3A_583 = arith.index_cast %swap3A_581 : i32 to index
        %swap3A_584 = arith.index_cast %swap3A_582 : i32 to index
        %swap3A_585 = arith.index_cast %mul3A_580 : i32 to index
        %swap3A_586 = tpu.vector_load %arg7[%swap3A_583, %swap3A_584, %swap3A_585] {strides = array<i32>} : memref<2x64x512xf32, #tpu.memory_space<vmem>>, vector<16xf32>,
        tpu.vector_store %arg7[%swap3A_583, %swap3A_584, %swap3A_585], %gather3A_512 {strides = array<i32>} : memref<2x64x512xf32, #tpu.memory_space<vmem>>, vector<16xf32>,
        %gather3A_587 = arith.constant 22528 : i32
        %gather3A_588 = tpu.memref_slice %arg5[%gather3A_587] : memref<32768xf32, #tpu.memory_space<vmem>> -> memref<512xf32, #tpu.memory_space<vmem>>
        %gather3A_589 = tpu.vector_load_idx %gather3A_588[%get3A_152] : memref<512xf32, #tpu.memory_space<vmem>>[vector<16xi32>], vector<16xf32>,
        %mul3A_590 = arith.constant 16 : i32
        %mul3A_591 = arith.muli %scan3A_147, %mul3A_590 : i32
        %swap3A_592 = arith.constant 0 : i32
        %swap3A_593 = arith.constant 38 : i32
        %swap3A_594 = arith.index_cast %swap3A_592 : i32 to index
        %swap3A_595 = arith.index_cast %swap3A_593 : i32 to index
        %swap3A_596 = arith.index_cast %mul3A_591 : i32 to index
        %swap3A_597 = tpu.vector_load %arg7[%swap3A_594, %swap3A_595, %swap3A_596] {strides = array<i32>} : memref<2x64x512xf32, #tpu.memory_space<vmem>>, vector<16xf32>,
        tpu.vector_store %arg7[%swap3A_594, %swap3A_595, %swap3A_596], %gather3A_523 {strides = array<i32>} : memref<2x64x512xf32, #tpu.memory_space<vmem>>, vector<16xf32>,
        %gather3A_598 = arith.constant 23040 : i32
        %gather3A_599 = tpu.memref_slice %arg5[%gather3A_598] : memref<32768xf32, #tpu.memory_space<vmem>> -> memref<512xf32, #tpu.memory_space<vmem>>
        %gather3A_600 = tpu.vector_load_idx %gather3A_599[%get3A_152] : memref<512xf32, #tpu.memory_space<vmem>>[vector<16xi32>], vector<16xf32>,
        %mul3A_601 = arith.constant 16 : i32
        %mul3A_602 = arith.muli %scan3A_147, %mul3A_601 : i32
        %swap3A_603 = arith.constant 0 : i32
        %swap3A_604 = arith.constant 39 : i32
        %swap3A_605 = arith.index_cast %swap3A_603 : i32 to index
        %swap3A_606 = arith.index_cast %swap3A_604 : i32 to index
        %swap3A_607 = arith.index_cast %mul3A_602 : i32 to index
        %swap3A_608 = tpu.vector_load %arg7[%swap3A_605, %swap3A_606, %swap3A_607] {strides = array<i32>} : memref<2x64x512xf32, #tpu.memory_space<vmem>>, vector<16xf32>,
        tpu.vector_store %arg7[%swap3A_605, %swap3A_606, %swap3A_607], %gather3A_534 {strides = array<i32>} : memref<2x64x512xf32, #tpu.memory_space<vmem>>, vector<16xf32>,
        %gather3A_609 = arith.constant 23552 : i32
        %gather3A_610 = tpu.memref_slice %arg5[%gather3A_609] : memref<32768xf32, #tpu.memory_space<vmem>> -> memref<512xf32, #tpu.memory_space<vmem>>
        %gather3A_611 = tpu.vector_load_idx %gather3A_610[%get3A_152] : memref<512xf32, #tpu.memory_space<vmem>>[vector<16xi32>], vector<16xf32>,
        %mul3A_612 = arith.constant 16 : i32
        %mul3A_613 = arith.muli %scan3A_147, %mul3A_612 : i32
        %swap3A_614 = arith.constant 0 : i32
        %swap3A_615 = arith.constant 40 : i32
        %swap3A_616 = arith.index_cast %swap3A_614 : i32 to index
        %swap3A_617 = arith.index_cast %swap3A_615 : i32 to index
        %swap3A_618 = arith.index_cast %mul3A_613 : i32 to index
        %swap3A_619 = tpu.vector_load %arg7[%swap3A_616, %swap3A_617, %swap3A_618] {strides = array<i32>} : memref<2x64x512xf32, #tpu.memory_space<vmem>>, vector<16xf32>,
        tpu.vector_store %arg7[%swap3A_616, %swap3A_617, %swap3A_618], %gather3A_545 {strides = array<i32>} : memref<2x64x512xf32, #tpu.memory_space<vmem>>, vector<16xf32>,
        %gather3A_620 = arith.constant 24064 : i32
        %gather3A_621 = tpu.memref_slice %arg5[%gather3A_620] : memref<32768xf32, #tpu.memory_space<vmem>> -> memref<512xf32, #tpu.memory_space<vmem>>
        %gather3A_622 = tpu.vector_load_idx %gather3A_621[%get3A_152] : memref<512xf32, #tpu.memory_space<vmem>>[vector<16xi32>], vector<16xf32>,
        %mul3A_623 = arith.constant 16 : i32
        %mul3A_624 = arith.muli %scan3A_147, %mul3A_623 : i32
        %swap3A_625 = arith.constant 0 : i32
        %swap3A_626 = arith.constant 41 : i32
        %swap3A_627 = arith.index_cast %swap3A_625 : i32 to index
        %swap3A_628 = arith.index_cast %swap3A_626 : i32 to index
        %swap3A_629 = arith.index_cast %mul3A_624 : i32 to index
        %swap3A_630 = tpu.vector_load %arg7[%swap3A_627, %swap3A_628, %swap3A_629] {strides = array<i32>} : memref<2x64x512xf32, #tpu.memory_space<vmem>>, vector<16xf32>,
        tpu.vector_store %arg7[%swap3A_627, %swap3A_628, %swap3A_629], %gather3A_556 {strides = array<i32>} : memref<2x64x512xf32, #tpu.memory_space<vmem>>, vector<16xf32>,
        %gather3A_631 = arith.constant 24576 : i32
        %gather3A_632 = tpu.memref_slice %arg5[%gather3A_631] : memref<32768xf32, #tpu.memory_space<vmem>> -> memref<512xf32, #tpu.memory_space<vmem>>
        %gather3A_633 = tpu.vector_load_idx %gather3A_632[%get3A_152] : memref<512xf32, #tpu.memory_space<vmem>>[vector<16xi32>], vector<16xf32>,
        %mul3A_634 = arith.constant 16 : i32
        %mul3A_635 = arith.muli %scan3A_147, %mul3A_634 : i32
        %swap3A_636 = arith.constant 0 : i32
        %swap3A_637 = arith.constant 42 : i32
        %swap3A_638 = arith.index_cast %swap3A_636 : i32 to index
        %swap3A_639 = arith.index_cast %swap3A_637 : i32 to index
        %swap3A_640 = arith.index_cast %mul3A_635 : i32 to index
        %swap3A_641 = tpu.vector_load %arg7[%swap3A_638, %swap3A_639, %swap3A_640] {strides = array<i32>} : memref<2x64x512xf32, #tpu.memory_space<vmem>>, vector<16xf32>,
        tpu.vector_store %arg7[%swap3A_638, %swap3A_639, %swap3A_640], %gather3A_567 {strides = array<i32>} : memref<2x64x512xf32, #tpu.memory_space<vmem>>, vector<16xf32>,
        %gather3A_642 = arith.constant 25088 : i32
        %gather3A_643 = tpu.memref_slice %arg5[%gather3A_642] : memref<32768xf32, #tpu.memory_space<vmem>> -> memref<512xf32, #tpu.memory_space<vmem>>
        %gather3A_644 = tpu.vector_load_idx %gather3A_643[%get3A_152] : memref<512xf32, #tpu.memory_space<vmem>>[vector<16xi32>], vector<16xf32>,
        %mul3A_645 = arith.constant 16 : i32
        %mul3A_646 = arith.muli %scan3A_147, %mul3A_645 : i32
        %swap3A_647 = arith.constant 0 : i32
        %swap3A_648 = arith.constant 43 : i32
        %swap3A_649 = arith.index_cast %swap3A_647 : i32 to index
        %swap3A_650 = arith.index_cast %swap3A_648 : i32 to index
        %swap3A_651 = arith.index_cast %mul3A_646 : i32 to index
        %swap3A_652 = tpu.vector_load %arg7[%swap3A_649, %swap3A_650, %swap3A_651] {strides = array<i32>} : memref<2x64x512xf32, #tpu.memory_space<vmem>>, vector<16xf32>,
        tpu.vector_store %arg7[%swap3A_649, %swap3A_650, %swap3A_651], %gather3A_578 {strides = array<i32>} : memref<2x64x512xf32, #tpu.memory_space<vmem>>, vector<16xf32>,
        %gather3A_653 = arith.constant 25600 : i32
        %gather3A_654 = tpu.memref_slice %arg5[%gather3A_653] : memref<32768xf32, #tpu.memory_space<vmem>> -> memref<512xf32, #tpu.memory_space<vmem>>
        %gather3A_655 = tpu.vector_load_idx %gather3A_654[%get3A_152] : memref<512xf32, #tpu.memory_space<vmem>>[vector<16xi32>], vector<16xf32>,
        %mul3A_656 = arith.constant 16 : i32
        %mul3A_657 = arith.muli %scan3A_147, %mul3A_656 : i32
        %swap3A_658 = arith.constant 0 : i32
        %swap3A_659 = arith.constant 44 : i32
        %swap3A_660 = arith.index_cast %swap3A_658 : i32 to index
        %swap3A_661 = arith.index_cast %swap3A_659 : i32 to index
        %swap3A_662 = arith.index_cast %mul3A_657 : i32 to index
        %swap3A_663 = tpu.vector_load %arg7[%swap3A_660, %swap3A_661, %swap3A_662] {strides = array<i32>} : memref<2x64x512xf32, #tpu.memory_space<vmem>>, vector<16xf32>,
        tpu.vector_store %arg7[%swap3A_660, %swap3A_661, %swap3A_662], %gather3A_589 {strides = array<i32>} : memref<2x64x512xf32, #tpu.memory_space<vmem>>, vector<16xf32>,
        %gather3A_664 = arith.constant 26112 : i32
        %gather3A_665 = tpu.memref_slice %arg5[%gather3A_664] : memref<32768xf32, #tpu.memory_space<vmem>> -> memref<512xf32, #tpu.memory_space<vmem>>
        %gather3A_666 = tpu.vector_load_idx %gather3A_665[%get3A_152] : memref<512xf32, #tpu.memory_space<vmem>>[vector<16xi32>], vector<16xf32>,
        %mul3A_667 = arith.constant 16 : i32
        %mul3A_668 = arith.muli %scan3A_147, %mul3A_667 : i32
        %swap3A_669 = arith.constant 0 : i32
        %swap3A_670 = arith.constant 45 : i32
        %swap3A_671 = arith.index_cast %swap3A_669 : i32 to index
        %swap3A_672 = arith.index_cast %swap3A_670 : i32 to index
        %swap3A_673 = arith.index_cast %mul3A_668 : i32 to index
        %swap3A_674 = tpu.vector_load %arg7[%swap3A_671, %swap3A_672, %swap3A_673] {strides = array<i32>} : memref<2x64x512xf32, #tpu.memory_space<vmem>>, vector<16xf32>,
        tpu.vector_store %arg7[%swap3A_671, %swap3A_672, %swap3A_673], %gather3A_600 {strides = array<i32>} : memref<2x64x512xf32, #tpu.memory_space<vmem>>, vector<16xf32>,
        %gather3A_675 = arith.constant 26624 : i32
        %gather3A_676 = tpu.memref_slice %arg5[%gather3A_675] : memref<32768xf32, #tpu.memory_space<vmem>> -> memref<512xf32, #tpu.memory_space<vmem>>
        %gather3A_677 = tpu.vector_load_idx %gather3A_676[%get3A_152] : memref<512xf32, #tpu.memory_space<vmem>>[vector<16xi32>], vector<16xf32>,
        %mul3A_678 = arith.constant 16 : i32
        %mul3A_679 = arith.muli %scan3A_147, %mul3A_678 : i32
        %swap3A_680 = arith.constant 0 : i32
        %swap3A_681 = arith.constant 46 : i32
        %swap3A_682 = arith.index_cast %swap3A_680 : i32 to index
        %swap3A_683 = arith.index_cast %swap3A_681 : i32 to index
        %swap3A_684 = arith.index_cast %mul3A_679 : i32 to index
        %swap3A_685 = tpu.vector_load %arg7[%swap3A_682, %swap3A_683, %swap3A_684] {strides = array<i32>} : memref<2x64x512xf32, #tpu.memory_space<vmem>>, vector<16xf32>,
        tpu.vector_store %arg7[%swap3A_682, %swap3A_683, %swap3A_684], %gather3A_611 {strides = array<i32>} : memref<2x64x512xf32, #tpu.memory_space<vmem>>, vector<16xf32>,
        %gather3A_686 = arith.constant 27136 : i32
        %gather3A_687 = tpu.memref_slice %arg5[%gather3A_686] : memref<32768xf32, #tpu.memory_space<vmem>> -> memref<512xf32, #tpu.memory_space<vmem>>
        %gather3A_688 = tpu.vector_load_idx %gather3A_687[%get3A_152] : memref<512xf32, #tpu.memory_space<vmem>>[vector<16xi32>], vector<16xf32>,
        %mul3A_689 = arith.constant 16 : i32
        %mul3A_690 = arith.muli %scan3A_147, %mul3A_689 : i32
        %swap3A_691 = arith.constant 0 : i32
        %swap3A_692 = arith.constant 47 : i32
        %swap3A_693 = arith.index_cast %swap3A_691 : i32 to index
        %swap3A_694 = arith.index_cast %swap3A_692 : i32 to index
        %swap3A_695 = arith.index_cast %mul3A_690 : i32 to index
        %swap3A_696 = tpu.vector_load %arg7[%swap3A_693, %swap3A_694, %swap3A_695] {strides = array<i32>} : memref<2x64x512xf32, #tpu.memory_space<vmem>>, vector<16xf32>,
        tpu.vector_store %arg7[%swap3A_693, %swap3A_694, %swap3A_695], %gather3A_622 {strides = array<i32>} : memref<2x64x512xf32, #tpu.memory_space<vmem>>, vector<16xf32>,
        %gather3A_697 = arith.constant 27648 : i32
        %gather3A_698 = tpu.memref_slice %arg5[%gather3A_697] : memref<32768xf32, #tpu.memory_space<vmem>> -> memref<512xf32, #tpu.memory_space<vmem>>
        %gather3A_699 = tpu.vector_load_idx %gather3A_698[%get3A_152] : memref<512xf32, #tpu.memory_space<vmem>>[vector<16xi32>], vector<16xf32>,
        %mul3A_700 = arith.constant 16 : i32
        %mul3A_701 = arith.muli %scan3A_147, %mul3A_700 : i32
        %swap3A_702 = arith.constant 0 : i32
        %swap3A_703 = arith.constant 48 : i32
        %swap3A_704 = arith.index_cast %swap3A_702 : i32 to index
        %swap3A_705 = arith.index_cast %swap3A_703 : i32 to index
        %swap3A_706 = arith.index_cast %mul3A_701 : i32 to index
        %swap3A_707 = tpu.vector_load %arg7[%swap3A_704, %swap3A_705, %swap3A_706] {strides = array<i32>} : memref<2x64x512xf32, #tpu.memory_space<vmem>>, vector<16xf32>,
        tpu.vector_store %arg7[%swap3A_704, %swap3A_705, %swap3A_706], %gather3A_633 {strides = array<i32>} : memref<2x64x512xf32, #tpu.memory_space<vmem>>, vector<16xf32>,
        %gather3A_708 = arith.constant 28160 : i32
        %gather3A_709 = tpu.memref_slice %arg5[%gather3A_708] : memref<32768xf32, #tpu.memory_space<vmem>> -> memref<512xf32, #tpu.memory_space<vmem>>
        %gather3A_710 = tpu.vector_load_idx %gather3A_709[%get3A_152] : memref<512xf32, #tpu.memory_space<vmem>>[vector<16xi32>], vector<16xf32>,
        %mul3A_711 = arith.constant 16 : i32
        %mul3A_712 = arith.muli %scan3A_147, %mul3A_711 : i32
        %swap3A_713 = arith.constant 0 : i32
        %swap3A_714 = arith.constant 49 : i32
        %swap3A_715 = arith.index_cast %swap3A_713 : i32 to index
        %swap3A_716 = arith.index_cast %swap3A_714 : i32 to index
        %swap3A_717 = arith.index_cast %mul3A_712 : i32 to index
        %swap3A_718 = tpu.vector_load %arg7[%swap3A_715, %swap3A_716, %swap3A_717] {strides = array<i32>} : memref<2x64x512xf32, #tpu.memory_space<vmem>>, vector<16xf32>,
        tpu.vector_store %arg7[%swap3A_715, %swap3A_716, %swap3A_717], %gather3A_644 {strides = array<i32>} : memref<2x64x512xf32, #tpu.memory_space<vmem>>, vector<16xf32>,
        %gather3A_719 = arith.constant 28672 : i32
        %gather3A_720 = tpu.memref_slice %arg5[%gather3A_719] : memref<32768xf32, #tpu.memory_space<vmem>> -> memref<512xf32, #tpu.memory_space<vmem>>
        %gather3A_721 = tpu.vector_load_idx %gather3A_720[%get3A_152] : memref<512xf32, #tpu.memory_space<vmem>>[vector<16xi32>], vector<16xf32>,
        %mul3A_722 = arith.constant 16 : i32
        %mul3A_723 = arith.muli %scan3A_147, %mul3A_722 : i32
        %swap3A_724 = arith.constant 0 : i32
        %swap3A_725 = arith.constant 50 : i32
        %swap3A_726 = arith.index_cast %swap3A_724 : i32 to index
        %swap3A_727 = arith.index_cast %swap3A_725 : i32 to index
        %swap3A_728 = arith.index_cast %mul3A_723 : i32 to index
        %swap3A_729 = tpu.vector_load %arg7[%swap3A_726, %swap3A_727, %swap3A_728] {strides = array<i32>} : memref<2x64x512xf32, #tpu.memory_space<vmem>>, vector<16xf32>,
        tpu.vector_store %arg7[%swap3A_726, %swap3A_727, %swap3A_728], %gather3A_655 {strides = array<i32>} : memref<2x64x512xf32, #tpu.memory_space<vmem>>, vector<16xf32>,
        %gather3A_730 = arith.constant 29184 : i32
        %gather3A_731 = tpu.memref_slice %arg5[%gather3A_730] : memref<32768xf32, #tpu.memory_space<vmem>> -> memref<512xf32, #tpu.memory_space<vmem>>
        %gather3A_732 = tpu.vector_load_idx %gather3A_731[%get3A_152] : memref<512xf32, #tpu.memory_space<vmem>>[vector<16xi32>], vector<16xf32>,
        %mul3A_733 = arith.constant 16 : i32
        %mul3A_734 = arith.muli %scan3A_147, %mul3A_733 : i32
        %swap3A_735 = arith.constant 0 : i32
        %swap3A_736 = arith.constant 51 : i32
        %swap3A_737 = arith.index_cast %swap3A_735 : i32 to index
        %swap3A_738 = arith.index_cast %swap3A_736 : i32 to index
        %swap3A_739 = arith.index_cast %mul3A_734 : i32 to index
        %swap3A_740 = tpu.vector_load %arg7[%swap3A_737, %swap3A_738, %swap3A_739] {strides = array<i32>} : memref<2x64x512xf32, #tpu.memory_space<vmem>>, vector<16xf32>,
        tpu.vector_store %arg7[%swap3A_737, %swap3A_738, %swap3A_739], %gather3A_666 {strides = array<i32>} : memref<2x64x512xf32, #tpu.memory_space<vmem>>, vector<16xf32>,
        %gather3A_741 = arith.constant 29696 : i32
        %gather3A_742 = tpu.memref_slice %arg5[%gather3A_741] : memref<32768xf32, #tpu.memory_space<vmem>> -> memref<512xf32, #tpu.memory_space<vmem>>
        %gather3A_743 = tpu.vector_load_idx %gather3A_742[%get3A_152] : memref<512xf32, #tpu.memory_space<vmem>>[vector<16xi32>], vector<16xf32>,
        %mul3A_744 = arith.constant 16 : i32
        %mul3A_745 = arith.muli %scan3A_147, %mul3A_744 : i32
        %swap3A_746 = arith.constant 0 : i32
        %swap3A_747 = arith.constant 52 : i32
        %swap3A_748 = arith.index_cast %swap3A_746 : i32 to index
        %swap3A_749 = arith.index_cast %swap3A_747 : i32 to index
        %swap3A_750 = arith.index_cast %mul3A_745 : i32 to index
        %swap3A_751 = tpu.vector_load %arg7[%swap3A_748, %swap3A_749, %swap3A_750] {strides = array<i32>} : memref<2x64x512xf32, #tpu.memory_space<vmem>>, vector<16xf32>,
        tpu.vector_store %arg7[%swap3A_748, %swap3A_749, %swap3A_750], %gather3A_677 {strides = array<i32>} : memref<2x64x512xf32, #tpu.memory_space<vmem>>, vector<16xf32>,
        %gather3A_752 = arith.constant 30208 : i32
        %gather3A_753 = tpu.memref_slice %arg5[%gather3A_752] : memref<32768xf32, #tpu.memory_space<vmem>> -> memref<512xf32, #tpu.memory_space<vmem>>
        %gather3A_754 = tpu.vector_load_idx %gather3A_753[%get3A_152] : memref<512xf32, #tpu.memory_space<vmem>>[vector<16xi32>], vector<16xf32>,
        %mul3A_755 = arith.constant 16 : i32
        %mul3A_756 = arith.muli %scan3A_147, %mul3A_755 : i32
        %swap3A_757 = arith.constant 0 : i32
        %swap3A_758 = arith.constant 53 : i32
        %swap3A_759 = arith.index_cast %swap3A_757 : i32 to index
        %swap3A_760 = arith.index_cast %swap3A_758 : i32 to index
        %swap3A_761 = arith.index_cast %mul3A_756 : i32 to index
        %swap3A_762 = tpu.vector_load %arg7[%swap3A_759, %swap3A_760, %swap3A_761] {strides = array<i32>} : memref<2x64x512xf32, #tpu.memory_space<vmem>>, vector<16xf32>,
        tpu.vector_store %arg7[%swap3A_759, %swap3A_760, %swap3A_761], %gather3A_688 {strides = array<i32>} : memref<2x64x512xf32, #tpu.memory_space<vmem>>, vector<16xf32>,
        %gather3A_763 = arith.constant 30720 : i32
        %gather3A_764 = tpu.memref_slice %arg5[%gather3A_763] : memref<32768xf32, #tpu.memory_space<vmem>> -> memref<512xf32, #tpu.memory_space<vmem>>
        %gather3A_765 = tpu.vector_load_idx %gather3A_764[%get3A_152] : memref<512xf32, #tpu.memory_space<vmem>>[vector<16xi32>], vector<16xf32>,
        %mul3A_766 = arith.constant 16 : i32
        %mul3A_767 = arith.muli %scan3A_147, %mul3A_766 : i32
        %swap3A_768 = arith.constant 0 : i32
        %swap3A_769 = arith.constant 54 : i32
        %swap3A_770 = arith.index_cast %swap3A_768 : i32 to index
        %swap3A_771 = arith.index_cast %swap3A_769 : i32 to index
        %swap3A_772 = arith.index_cast %mul3A_767 : i32 to index
        %swap3A_773 = tpu.vector_load %arg7[%swap3A_770, %swap3A_771, %swap3A_772] {strides = array<i32>} : memref<2x64x512xf32, #tpu.memory_space<vmem>>, vector<16xf32>,
        tpu.vector_store %arg7[%swap3A_770, %swap3A_771, %swap3A_772], %gather3A_699 {strides = array<i32>} : memref<2x64x512xf32, #tpu.memory_space<vmem>>, vector<16xf32>,
        %gather3A_774 = arith.constant 31232 : i32
        %gather3A_775 = tpu.memref_slice %arg5[%gather3A_774] : memref<32768xf32, #tpu.memory_space<vmem>> -> memref<512xf32, #tpu.memory_space<vmem>>
        %gather3A_776 = tpu.vector_load_idx %gather3A_775[%get3A_152] : memref<512xf32, #tpu.memory_space<vmem>>[vector<16xi32>], vector<16xf32>,
        %mul3A_777 = arith.constant 16 : i32
        %mul3A_778 = arith.muli %scan3A_147, %mul3A_777 : i32
        %swap3A_779 = arith.constant 0 : i32
        %swap3A_780 = arith.constant 55 : i32
        %swap3A_781 = arith.index_cast %swap3A_779 : i32 to index
        %swap3A_782 = arith.index_cast %swap3A_780 : i32 to index
        %swap3A_783 = arith.index_cast %mul3A_778 : i32 to index
        %swap3A_784 = tpu.vector_load %arg7[%swap3A_781, %swap3A_782, %swap3A_783] {strides = array<i32>} : memref<2x64x512xf32, #tpu.memory_space<vmem>>, vector<16xf32>,
        tpu.vector_store %arg7[%swap3A_781, %swap3A_782, %swap3A_783], %gather3A_710 {strides = array<i32>} : memref<2x64x512xf32, #tpu.memory_space<vmem>>, vector<16xf32>,
        %gather3A_785 = arith.constant 31744 : i32
        %gather3A_786 = tpu.memref_slice %arg5[%gather3A_785] : memref<32768xf32, #tpu.memory_space<vmem>> -> memref<512xf32, #tpu.memory_space<vmem>>
        %gather3A_787 = tpu.vector_load_idx %gather3A_786[%get3A_152] : memref<512xf32, #tpu.memory_space<vmem>>[vector<16xi32>], vector<16xf32>,
        %mul3A_788 = arith.constant 16 : i32
        %mul3A_789 = arith.muli %scan3A_147, %mul3A_788 : i32
        %swap3A_790 = arith.constant 0 : i32
        %swap3A_791 = arith.constant 56 : i32
        %swap3A_792 = arith.index_cast %swap3A_790 : i32 to index
        %swap3A_793 = arith.index_cast %swap3A_791 : i32 to index
        %swap3A_794 = arith.index_cast %mul3A_789 : i32 to index
        %swap3A_795 = tpu.vector_load %arg7[%swap3A_792, %swap3A_793, %swap3A_794] {strides = array<i32>} : memref<2x64x512xf32, #tpu.memory_space<vmem>>, vector<16xf32>,
        tpu.vector_store %arg7[%swap3A_792, %swap3A_793, %swap3A_794], %gather3A_721 {strides = array<i32>} : memref<2x64x512xf32, #tpu.memory_space<vmem>>, vector<16xf32>,
        %gather3A_796 = arith.constant 32256 : i32
        %gather3A_797 = tpu.memref_slice %arg5[%gather3A_796] : memref<32768xf32, #tpu.memory_space<vmem>> -> memref<512xf32, #tpu.memory_space<vmem>>
        %gather3A_798 = tpu.vector_load_idx %gather3A_797[%get3A_152] : memref<512xf32, #tpu.memory_space<vmem>>[vector<16xi32>], vector<16xf32>,
        %mul3A_799 = arith.constant 16 : i32
        %mul3A_800 = arith.muli %scan3A_147, %mul3A_799 : i32
        %swap3A_801 = arith.constant 0 : i32
        %swap3A_802 = arith.constant 57 : i32
        %swap3A_803 = arith.index_cast %swap3A_801 : i32 to index
        %swap3A_804 = arith.index_cast %swap3A_802 : i32 to index
        %swap3A_805 = arith.index_cast %mul3A_800 : i32 to index
        %swap3A_806 = tpu.vector_load %arg7[%swap3A_803, %swap3A_804, %swap3A_805] {strides = array<i32>} : memref<2x64x512xf32, #tpu.memory_space<vmem>>, vector<16xf32>,
        tpu.vector_store %arg7[%swap3A_803, %swap3A_804, %swap3A_805], %gather3A_732 {strides = array<i32>} : memref<2x64x512xf32, #tpu.memory_space<vmem>>, vector<16xf32>,
        %mul3A_807 = arith.constant 16 : i32
        %mul3A_808 = arith.muli %scan3A_147, %mul3A_807 : i32
        %swap3A_809 = arith.constant 0 : i32
        %swap3A_810 = arith.constant 58 : i32
        %swap3A_811 = arith.index_cast %swap3A_809 : i32 to index
        %swap3A_812 = arith.index_cast %swap3A_810 : i32 to index
        %swap3A_813 = arith.index_cast %mul3A_808 : i32 to index
        %swap3A_814 = tpu.vector_load %arg7[%swap3A_811, %swap3A_812, %swap3A_813] {strides = array<i32>} : memref<2x64x512xf32, #tpu.memory_space<vmem>>, vector<16xf32>,
        tpu.vector_store %arg7[%swap3A_811, %swap3A_812, %swap3A_813], %gather3A_743 {strides = array<i32>} : memref<2x64x512xf32, #tpu.memory_space<vmem>>, vector<16xf32>,
        %mul3A_815 = arith.constant 16 : i32
        %mul3A_816 = arith.muli %scan3A_147, %mul3A_815 : i32
        %swap3A_817 = arith.constant 0 : i32
        %swap3A_818 = arith.constant 59 : i32
        %swap3A_819 = arith.index_cast %swap3A_817 : i32 to index
        %swap3A_820 = arith.index_cast %swap3A_818 : i32 to index
        %swap3A_821 = arith.index_cast %mul3A_816 : i32 to index
        %swap3A_822 = tpu.vector_load %arg7[%swap3A_819, %swap3A_820, %swap3A_821] {strides = array<i32>} : memref<2x64x512xf32, #tpu.memory_space<vmem>>, vector<16xf32>,
        tpu.vector_store %arg7[%swap3A_819, %swap3A_820, %swap3A_821], %gather3A_754 {strides = array<i32>} : memref<2x64x512xf32, #tpu.memory_space<vmem>>, vector<16xf32>,
        %mul3A_823 = arith.constant 16 : i32
        %mul3A_824 = arith.muli %scan3A_147, %mul3A_823 : i32
        %swap3A_825 = arith.constant 0 : i32
        %swap3A_826 = arith.constant 60 : i32
        %swap3A_827 = arith.index_cast %swap3A_825 : i32 to index
        %swap3A_828 = arith.index_cast %swap3A_826 : i32 to index
        %swap3A_829 = arith.index_cast %mul3A_824 : i32 to index
        %swap3A_830 = tpu.vector_load %arg7[%swap3A_827, %swap3A_828, %swap3A_829] {strides = array<i32>} : memref<2x64x512xf32, #tpu.memory_space<vmem>>, vector<16xf32>,
        tpu.vector_store %arg7[%swap3A_827, %swap3A_828, %swap3A_829], %gather3A_765 {strides = array<i32>} : memref<2x64x512xf32, #tpu.memory_space<vmem>>, vector<16xf32>,
        %mul3A_831 = arith.constant 16 : i32
        %mul3A_832 = arith.muli %scan3A_147, %mul3A_831 : i32
        %swap3A_833 = arith.constant 0 : i32
        %swap3A_834 = arith.constant 61 : i32
        %swap3A_835 = arith.index_cast %swap3A_833 : i32 to index
        %swap3A_836 = arith.index_cast %swap3A_834 : i32 to index
        %swap3A_837 = arith.index_cast %mul3A_832 : i32 to index
        %swap3A_838 = tpu.vector_load %arg7[%swap3A_835, %swap3A_836, %swap3A_837] {strides = array<i32>} : memref<2x64x512xf32, #tpu.memory_space<vmem>>, vector<16xf32>,
        tpu.vector_store %arg7[%swap3A_835, %swap3A_836, %swap3A_837], %gather3A_776 {strides = array<i32>} : memref<2x64x512xf32, #tpu.memory_space<vmem>>, vector<16xf32>,
        %mul3A_839 = arith.constant 16 : i32
        %mul3A_840 = arith.muli %scan3A_147, %mul3A_839 : i32
        %swap3A_841 = arith.constant 0 : i32
        %swap3A_842 = arith.constant 62 : i32
        %swap3A_843 = arith.index_cast %swap3A_841 : i32 to index
        %swap3A_844 = arith.index_cast %swap3A_842 : i32 to index
        %swap3A_845 = arith.index_cast %mul3A_840 : i32 to index
        %swap3A_846 = tpu.vector_load %arg7[%swap3A_843, %swap3A_844, %swap3A_845] {strides = array<i32>} : memref<2x64x512xf32, #tpu.memory_space<vmem>>, vector<16xf32>,
        tpu.vector_store %arg7[%swap3A_843, %swap3A_844, %swap3A_845], %gather3A_787 {strides = array<i32>} : memref<2x64x512xf32, #tpu.memory_space<vmem>>, vector<16xf32>,
        %mul3A_847 = arith.constant 16 : i32
        %mul3A_848 = arith.muli %scan3A_147, %mul3A_847 : i32
        %swap3A_849 = arith.constant 0 : i32
        %swap3A_850 = arith.constant 63 : i32
        %swap3A_851 = arith.index_cast %swap3A_849 : i32 to index
        %swap3A_852 = arith.index_cast %swap3A_850 : i32 to index
        %swap3A_853 = arith.index_cast %mul3A_848 : i32 to index
        %swap3A_854 = tpu.vector_load %arg7[%swap3A_851, %swap3A_852, %swap3A_853] {strides = array<i32>} : memref<2x64x512xf32, #tpu.memory_space<vmem>>, vector<16xf32>,
        tpu.vector_store %arg7[%swap3A_851, %swap3A_852, %swap3A_853], %gather3A_798 {strides = array<i32>} : memref<2x64x512xf32, #tpu.memory_space<vmem>>, vector<16xf32>,
      }
      %scan3A_81 = arith.constant 32 : i32
      %dma_start3A_82 = arith.constant 0 : i32
      %dma_start3A_83 = arith.constant 0 : i32
      %dma_start3A_84 = arith.constant 0 : i32
      %dma_start3A_85 = tpu.memref_slice %arg7[%dma_start3A_82, %dma_start3A_83, %dma_start3A_84] : memref<2x64x512xf32, #tpu.memory_space<vmem>> -> memref<1x64x512xf32, #tpu.memory_space<vmem>>
      %dma_start3A_86 = tpu.memref_squeeze %dma_start3A_85 : memref<1x64x512xf32, #tpu.memory_space<vmem>> -> memref<64x512xf32, #tpu.memory_space<vmem>>
      %dma_start3A_87 = arith.constant 0 : i32
      %dma_start3A_88 = tpu.memref_slice %arg4[%add3A_64, %dma_start3A_87, %mul3A_2] : memref<200x64x16384xf32, #tpu.memory_space<hbm>> -> memref<1x64x512xf32, #tpu.memory_space<hbm>>
      %dma_start3A_89 = tpu.memref_squeeze %dma_start3A_88 : memref<1x64x512xf32, #tpu.memory_space<hbm>> -> memref<64x512xf32, #tpu.memory_space<hbm>>
      %dma_start3A_90 = arith.constant 0 : i32
      %dma_start3A_91 = tpu.memref_slice %arg4[%add3A_64, %dma_start3A_90, %mul3A_2] : memref<200x64x16384xf32, #tpu.memory_space<hbm>> -> memref<1x64x512xf32, #tpu.memory_space<hbm>>
      %dma_start3A_92 = tpu.memref_squeeze %dma_start3A_91 : memref<1x64x512xf32, #tpu.memory_space<hbm>> -> memref<64x512xf32, #tpu.memory_space<hbm>>
      %dma_start3A_93 = arith.constant 0 : i32
      %dma_start3A_94 = arith.constant 0 : i32
      %dma_start3A_95 = tpu.memref_slice %arg7[%dma_start3A_82, %dma_start3A_93, %dma_start3A_94] : memref<2x64x512xf32, #tpu.memory_space<vmem>> -> memref<1x64x512xf32, #tpu.memory_space<vmem>>
      %dma_start3A_96 = tpu.memref_squeeze %dma_start3A_95 : memref<1x64x512xf32, #tpu.memory_space<vmem>> -> memref<64x512xf32, #tpu.memory_space<vmem>>
      tpu.enqueue_dma source(%dma_start3A_96 : memref<64x512xf32, #tpu.memory_space<vmem>>) target(%dma_start3A_92 : memref<64x512xf32, #tpu.memory_space<hbm>>) target_semaphore(%arg10 : memref<!tpu.dma_semaphore, #tpu.memory_space<semaphore_mem>>)
      %add3A_97 = arith.constant 2 : i32
      %add3A_98 = arith.addi %add3A_64, %add3A_97 : i32
      %lt3A = arith.constant 200 : i32
      %lt3A_99 = arith.cmpi slt, %add3A_98, %lt3A : i32
      %convert_element_type3A_100 = arith.extui %lt3A_99 : i1 to i32
      %cond3A_101 = arith.constant 0 : i32
      %cond3A_102 = arith.cmpi ne, %convert_element_type3A_100, %cond3A_101 : i32
      scf.if %cond3A_102 {
        %add3A_147 = arith.constant 2 : i32
        %add3A_148 = arith.addi %add3A_64, %add3A_147 : i32
        %mul3A_149 = arith.constant 16384 : i32
        %mul3A_150 = arith.muli %add3A_148, %mul3A_149 : i32
        %add3A_151 = arith.addi %mul3A_150, %mul3A_2 : i32
        %dma_start3A_152 = arith.constant 0 : i32
        %dma_start3A_153 = arith.constant 0 : i32
        %dma_start3A_154 = tpu.memref_slice %arg6[%dma_start3A_152, %dma_start3A_153] : memref<2x512xi32, #tpu.memory_space<vmem>> -> memref<1x512xi32, #tpu.memory_space<vmem>>
        %dma_start3A_155 = tpu.memref_squeeze %dma_start3A_154 : memref<1x512xi32, #tpu.memory_space<vmem>> -> memref<512xi32, #tpu.memory_space<vmem>>
        %dma_start3A_156 = tpu.memref_slice %arg3[%add3A_151] : memref<3276800xi32, #tpu.memory_space<hbm>> -> memref<512xi32, #tpu.memory_space<hbm>>
        %dma_start3A_157 = arith.constant 0 : i32
        %dma_start3A_158 = tpu.memref_slice %arg6[%dma_start3A_152, %dma_start3A_157] : memref<2x512xi32, #tpu.memory_space<vmem>> -> memref<1x512xi32, #tpu.memory_space<vmem>>
        %dma_start3A_159 = tpu.memref_squeeze %dma_start3A_158 : memref<1x512xi32, #tpu.memory_space<vmem>> -> memref<512xi32, #tpu.memory_space<vmem>>
        %dma_start3A_160 = tpu.memref_slice %arg3[%add3A_151] : memref<3276800xi32, #tpu.memory_space<hbm>> -> memref<512xi32, #tpu.memory_space<hbm>>
        tpu.enqueue_dma source(%dma_start3A_160 : memref<512xi32, #tpu.memory_space<hbm>>) target(%dma_start3A_159 : memref<512xi32, #tpu.memory_space<vmem>>) target_semaphore(%arg8 : memref<!tpu.dma_semaphore, #tpu.memory_space<semaphore_mem>>)
      } else {
      }
      %add3A_103 = arith.constant 1 : i32
      %add3A_104 = arith.addi %mul3A_62, %add3A_103 : i32
      %dma_wait3A_105 = arith.constant 1 : i32
      %dma_wait3A_106 = arith.constant 0 : i32
      %dma_wait3A_107 = tpu.memref_slice %arg6[%dma_wait3A_105, %dma_wait3A_106] : memref<2x512xi32, #tpu.memory_space<vmem>> -> memref<1x512xi32, #tpu.memory_space<vmem>>
      %dma_wait3A_108 = tpu.memref_squeeze %dma_wait3A_107 : memref<1x512xi32, #tpu.memory_space<vmem>> -> memref<512xi32, #tpu.memory_space<vmem>>
      %dma_wait3A_109 = tpu.memref_slice %arg3[%mul3A_2] : memref<3276800xi32, #tpu.memory_space<hbm>> -> memref<512xi32, #tpu.memory_space<hbm>>
      %dma_wait3A_110 = arith.constant 0 : i32
      %dma_wait3A_111 = tpu.memref_slice %arg6[%dma_wait3A_105, %dma_wait3A_110] : memref<2x512xi32, #tpu.memory_space<vmem>> -> memref<1x512xi32, #tpu.memory_space<vmem>>
      %dma_wait3A_112 = tpu.memref_squeeze %dma_wait3A_111 : memref<1x512xi32, #tpu.memory_space<vmem>> -> memref<512xi32, #tpu.memory_space<vmem>>
      %dma_wait3A_113 = tpu.memref_slice %arg3[%mul3A_2] : memref<3276800xi32, #tpu.memory_space<hbm>> -> memref<512xi32, #tpu.memory_space<hbm>>
      tpu.wait_dma2 semaphore(%arg9 : memref<!tpu.dma_semaphore, #tpu.memory_space<semaphore_mem>>) src(%dma_wait3A_113 : memref<512xi32, #tpu.memory_space<hbm>>) dst(%dma_wait3A_112 : memref<512xi32, #tpu.memory_space<vmem>>)
      %ge3A_114 = arith.constant 2 : i32
      %ge3A_115 = arith.cmpi sge, %add3A_104, %ge3A_114 : i32
      %convert_element_type3A_116 = arith.extui %ge3A_115 : i1 to i32
      %cond3A_117 = arith.constant 0 : i32
      %cond3A_118 = arith.cmpi ne, %convert_element_type3A_116, %cond3A_117 : i32
      scf.if %cond3A_118 {
        %dma_wait3A_147 = arith.constant 1 : i32
        %dma_wait3A_148 = arith.constant 0 : i32
        %dma_wait3A_149 = arith.constant 0 : i32
        %dma_wait3A_150 = arith.constant 0 : i32
        %dma_wait3A_151 = tpu.memref_slice %arg7[%dma_wait3A_147, %dma_wait3A_149, %dma_wait3A_150] : memref<2x64x512xf32, #tpu.memory_space<vmem>> -> memref<1x64x512xf32, #tpu.memory_space<vmem>>
        %dma_wait3A_152 = tpu.memref_squeeze %dma_wait3A_151 : memref<1x64x512xf32, #tpu.memory_space<vmem>> -> memref<64x512xf32, #tpu.memory_space<vmem>>
        %dma_wait3A_153 = arith.constant 0 : i32
        %dma_wait3A_154 = tpu.memref_slice %arg4[%dma_wait3A_148, %dma_wait3A_153, %mul3A_2] : memref<200x64x16384xf32, #tpu.memory_space<hbm>> -> memref<1x64x512xf32, #tpu.memory_space<hbm>>
        %dma_wait3A_155 = tpu.memref_squeeze %dma_wait3A_154 : memref<1x64x512xf32, #tpu.memory_space<hbm>> -> memref<64x512xf32, #tpu.memory_space<hbm>>
        %dma_wait3A_156 = arith.constant 0 : i32
        %dma_wait3A_157 = tpu.memref_slice %arg4[%dma_wait3A_148, %dma_wait3A_156, %mul3A_2] : memref<200x64x16384xf32, #tpu.memory_space<hbm>> -> memref<1x64x512xf32, #tpu.memory_space<hbm>>
        %dma_wait3A_158 = tpu.memref_squeeze %dma_wait3A_157 : memref<1x64x512xf32, #tpu.memory_space<hbm>> -> memref<64x512xf32, #tpu.memory_space<hbm>>
        %dma_wait3A_159 = arith.constant 0 : i32
        %dma_wait3A_160 = arith.constant 0 : i32
        %dma_wait3A_161 = tpu.memref_slice %arg7[%dma_wait3A_147, %dma_wait3A_159, %dma_wait3A_160] : memref<2x64x512xf32, #tpu.memory_space<vmem>> -> memref<1x64x512xf32, #tpu.memory_space<vmem>>
        %dma_wait3A_162 = tpu.memref_squeeze %dma_wait3A_161 : memref<1x64x512xf32, #tpu.memory_space<vmem>> -> memref<64x512xf32, #tpu.memory_space<vmem>>
        tpu.wait_dma2 semaphore(%arg11 : memref<!tpu.dma_semaphore, #tpu.memory_space<semaphore_mem>>) src(%dma_wait3A_162 : memref<64x512xf32, #tpu.memory_space<vmem>>) dst(%dma_wait3A_158 : memref<64x512xf32, #tpu.memory_space<hbm>>)
      } else {
      }
      %scan3A_119 = arith.constant 0 : i32
      %scan3A_120 = arith.constant 0 : i32
      %scan3A_121 = arith.constant 32 : i32
      %scan3A_122 = arith.addi %scan3A_120, %scan3A_121 : i32
      %scan3A_123 = arith.constant 1 : i32
      scf.for %scan3A_147 = %scan3A_120 to %scan3A_122 step %scan3A_123  : i32 {
        %mul3A_148 = arith.constant 16 : i32
        %mul3A_149 = arith.muli %scan3A_147, %mul3A_148 : i32
        %get3A = arith.constant 1 : i32
        %get3A_150 = arith.index_cast %get3A : i32 to index
        %get3A_151 = arith.index_cast %mul3A_149 : i32 to index
        %get3A_152 = tpu.vector_load %arg6[%get3A_150, %get3A_151] {strides = array<i32>} : memref<2x512xi32, #tpu.memory_space<vmem>>, vector<16xi32>,
        %gather3A = arith.constant 0 : i32
        %gather3A_153 = tpu.memref_slice %arg5[%gather3A] : memref<32768xf32, #tpu.memory_space<vmem>> -> memref<512xf32, #tpu.memory_space<vmem>>
        %gather3A_154 = tpu.vector_load_idx %gather3A_153[%get3A_152] : memref<512xf32, #tpu.memory_space<vmem>>[vector<16xi32>], vector<16xf32>,
        %gather3A_155 = arith.constant 512 : i32
        %gather3A_156 = tpu.memref_slice %arg5[%gather3A_155] : memref<32768xf32, #tpu.memory_space<vmem>> -> memref<512xf32, #tpu.memory_space<vmem>>
        %gather3A_157 = tpu.vector_load_idx %gather3A_156[%get3A_152] : memref<512xf32, #tpu.memory_space<vmem>>[vector<16xi32>], vector<16xf32>,
        %gather3A_158 = arith.constant 1024 : i32
        %gather3A_159 = tpu.memref_slice %arg5[%gather3A_158] : memref<32768xf32, #tpu.memory_space<vmem>> -> memref<512xf32, #tpu.memory_space<vmem>>
        %gather3A_160 = tpu.vector_load_idx %gather3A_159[%get3A_152] : memref<512xf32, #tpu.memory_space<vmem>>[vector<16xi32>], vector<16xf32>,
        %gather3A_161 = arith.constant 1536 : i32
        %gather3A_162 = tpu.memref_slice %arg5[%gather3A_161] : memref<32768xf32, #tpu.memory_space<vmem>> -> memref<512xf32, #tpu.memory_space<vmem>>
        %gather3A_163 = tpu.vector_load_idx %gather3A_162[%get3A_152] : memref<512xf32, #tpu.memory_space<vmem>>[vector<16xi32>], vector<16xf32>,
        %gather3A_164 = arith.constant 2048 : i32
        %gather3A_165 = tpu.memref_slice %arg5[%gather3A_164] : memref<32768xf32, #tpu.memory_space<vmem>> -> memref<512xf32, #tpu.memory_space<vmem>>
        %gather3A_166 = tpu.vector_load_idx %gather3A_165[%get3A_152] : memref<512xf32, #tpu.memory_space<vmem>>[vector<16xi32>], vector<16xf32>,
        %gather3A_167 = arith.constant 2560 : i32
        %gather3A_168 = tpu.memref_slice %arg5[%gather3A_167] : memref<32768xf32, #tpu.memory_space<vmem>> -> memref<512xf32, #tpu.memory_space<vmem>>
        %gather3A_169 = tpu.vector_load_idx %gather3A_168[%get3A_152] : memref<512xf32, #tpu.memory_space<vmem>>[vector<16xi32>], vector<16xf32>,
        %gather3A_170 = arith.constant 3072 : i32
        %gather3A_171 = tpu.memref_slice %arg5[%gather3A_170] : memref<32768xf32, #tpu.memory_space<vmem>> -> memref<512xf32, #tpu.memory_space<vmem>>
        %gather3A_172 = tpu.vector_load_idx %gather3A_171[%get3A_152] : memref<512xf32, #tpu.memory_space<vmem>>[vector<16xi32>], vector<16xf32>,
        %mul3A_173 = arith.constant 16 : i32
        %mul3A_174 = arith.muli %scan3A_147, %mul3A_173 : i32
        %swap3A = arith.constant 1 : i32
        %swap3A_175 = arith.constant 0 : i32
        %swap3A_176 = arith.index_cast %swap3A : i32 to index
        %swap3A_177 = arith.index_cast %swap3A_175 : i32 to index
        %swap3A_178 = arith.index_cast %mul3A_174 : i32 to index
        %swap3A_179 = tpu.vector_load %arg7[%swap3A_176, %swap3A_177, %swap3A_178] {strides = array<i32>} : memref<2x64x512xf32, #tpu.memory_space<vmem>>, vector<16xf32>,
        tpu.vector_store %arg7[%swap3A_176, %swap3A_177, %swap3A_178], %gather3A_154 {strides = array<i32>} : memref<2x64x512xf32, #tpu.memory_space<vmem>>, vector<16xf32>,
        %gather3A_180 = arith.constant 3584 : i32
        %gather3A_181 = tpu.memref_slice %arg5[%gather3A_180] : memref<32768xf32, #tpu.memory_space<vmem>> -> memref<512xf32, #tpu.memory_space<vmem>>
        %gather3A_182 = tpu.vector_load_idx %gather3A_181[%get3A_152] : memref<512xf32, #tpu.memory_space<vmem>>[vector<16xi32>], vector<16xf32>,
        %mul3A_183 = arith.constant 16 : i32
        %mul3A_184 = arith.muli %scan3A_147, %mul3A_183 : i32
        %swap3A_185 = arith.constant 1 : i32
        %swap3A_186 = arith.constant 1 : i32
        %swap3A_187 = arith.index_cast %swap3A_185 : i32 to index
        %swap3A_188 = arith.index_cast %swap3A_186 : i32 to index
        %swap3A_189 = arith.index_cast %mul3A_184 : i32 to index
        %swap3A_190 = tpu.vector_load %arg7[%swap3A_187, %swap3A_188, %swap3A_189] {strides = array<i32>} : memref<2x64x512xf32, #tpu.memory_space<vmem>>, vector<16xf32>,
        tpu.vector_store %arg7[%swap3A_187, %swap3A_188, %swap3A_189], %gather3A_157 {strides = array<i32>} : memref<2x64x512xf32, #tpu.memory_space<vmem>>, vector<16xf32>,
        %gather3A_191 = arith.constant 4096 : i32
        %gather3A_192 = tpu.memref_slice %arg5[%gather3A_191] : memref<32768xf32, #tpu.memory_space<vmem>> -> memref<512xf32, #tpu.memory_space<vmem>>
        %gather3A_193 = tpu.vector_load_idx %gather3A_192[%get3A_152] : memref<512xf32, #tpu.memory_space<vmem>>[vector<16xi32>], vector<16xf32>,
        %mul3A_194 = arith.constant 16 : i32
        %mul3A_195 = arith.muli %scan3A_147, %mul3A_194 : i32
        %swap3A_196 = arith.constant 1 : i32
        %swap3A_197 = arith.constant 2 : i32
        %swap3A_198 = arith.index_cast %swap3A_196 : i32 to index
        %swap3A_199 = arith.index_cast %swap3A_197 : i32 to index
        %swap3A_200 = arith.index_cast %mul3A_195 : i32 to index
        %swap3A_201 = tpu.vector_load %arg7[%swap3A_198, %swap3A_199, %swap3A_200] {strides = array<i32>} : memref<2x64x512xf32, #tpu.memory_space<vmem>>, vector<16xf32>,
        tpu.vector_store %arg7[%swap3A_198, %swap3A_199, %swap3A_200], %gather3A_160 {strides = array<i32>} : memref<2x64x512xf32, #tpu.memory_space<vmem>>, vector<16xf32>,
        %gather3A_202 = arith.constant 4608 : i32
        %gather3A_203 = tpu.memref_slice %arg5[%gather3A_202] : memref<32768xf32, #tpu.memory_space<vmem>> -> memref<512xf32, #tpu.memory_space<vmem>>
        %gather3A_204 = tpu.vector_load_idx %gather3A_203[%get3A_152] : memref<512xf32, #tpu.memory_space<vmem>>[vector<16xi32>], vector<16xf32>,
        %mul3A_205 = arith.constant 16 : i32
        %mul3A_206 = arith.muli %scan3A_147, %mul3A_205 : i32
        %swap3A_207 = arith.constant 1 : i32
        %swap3A_208 = arith.constant 3 : i32
        %swap3A_209 = arith.index_cast %swap3A_207 : i32 to index
        %swap3A_210 = arith.index_cast %swap3A_208 : i32 to index
        %swap3A_211 = arith.index_cast %mul3A_206 : i32 to index
        %swap3A_212 = tpu.vector_load %arg7[%swap3A_209, %swap3A_210, %swap3A_211] {strides = array<i32>} : memref<2x64x512xf32, #tpu.memory_space<vmem>>, vector<16xf32>,
        tpu.vector_store %arg7[%swap3A_209, %swap3A_210, %swap3A_211], %gather3A_163 {strides = array<i32>} : memref<2x64x512xf32, #tpu.memory_space<vmem>>, vector<16xf32>,
        %gather3A_213 = arith.constant 5120 : i32
        %gather3A_214 = tpu.memref_slice %arg5[%gather3A_213] : memref<32768xf32, #tpu.memory_space<vmem>> -> memref<512xf32, #tpu.memory_space<vmem>>
        %gather3A_215 = tpu.vector_load_idx %gather3A_214[%get3A_152] : memref<512xf32, #tpu.memory_space<vmem>>[vector<16xi32>], vector<16xf32>,
        %mul3A_216 = arith.constant 16 : i32
        %mul3A_217 = arith.muli %scan3A_147, %mul3A_216 : i32
        %swap3A_218 = arith.constant 1 : i32
        %swap3A_219 = arith.constant 4 : i32
        %swap3A_220 = arith.index_cast %swap3A_218 : i32 to index
        %swap3A_221 = arith.index_cast %swap3A_219 : i32 to index
        %swap3A_222 = arith.index_cast %mul3A_217 : i32 to index
        %swap3A_223 = tpu.vector_load %arg7[%swap3A_220, %swap3A_221, %swap3A_222] {strides = array<i32>} : memref<2x64x512xf32, #tpu.memory_space<vmem>>, vector<16xf32>,
        tpu.vector_store %arg7[%swap3A_220, %swap3A_221, %swap3A_222], %gather3A_166 {strides = array<i32>} : memref<2x64x512xf32, #tpu.memory_space<vmem>>, vector<16xf32>,
        %gather3A_224 = arith.constant 5632 : i32
        %gather3A_225 = tpu.memref_slice %arg5[%gather3A_224] : memref<32768xf32, #tpu.memory_space<vmem>> -> memref<512xf32, #tpu.memory_space<vmem>>
        %gather3A_226 = tpu.vector_load_idx %gather3A_225[%get3A_152] : memref<512xf32, #tpu.memory_space<vmem>>[vector<16xi32>], vector<16xf32>,
        %mul3A_227 = arith.constant 16 : i32
        %mul3A_228 = arith.muli %scan3A_147, %mul3A_227 : i32
        %swap3A_229 = arith.constant 1 : i32
        %swap3A_230 = arith.constant 5 : i32
        %swap3A_231 = arith.index_cast %swap3A_229 : i32 to index
        %swap3A_232 = arith.index_cast %swap3A_230 : i32 to index
        %swap3A_233 = arith.index_cast %mul3A_228 : i32 to index
        %swap3A_234 = tpu.vector_load %arg7[%swap3A_231, %swap3A_232, %swap3A_233] {strides = array<i32>} : memref<2x64x512xf32, #tpu.memory_space<vmem>>, vector<16xf32>,
        tpu.vector_store %arg7[%swap3A_231, %swap3A_232, %swap3A_233], %gather3A_169 {strides = array<i32>} : memref<2x64x512xf32, #tpu.memory_space<vmem>>, vector<16xf32>,
        %gather3A_235 = arith.constant 6144 : i32
        %gather3A_236 = tpu.memref_slice %arg5[%gather3A_235] : memref<32768xf32, #tpu.memory_space<vmem>> -> memref<512xf32, #tpu.memory_space<vmem>>
        %gather3A_237 = tpu.vector_load_idx %gather3A_236[%get3A_152] : memref<512xf32, #tpu.memory_space<vmem>>[vector<16xi32>], vector<16xf32>,
        %mul3A_238 = arith.constant 16 : i32
        %mul3A_239 = arith.muli %scan3A_147, %mul3A_238 : i32
        %swap3A_240 = arith.constant 1 : i32
        %swap3A_241 = arith.constant 6 : i32
        %swap3A_242 = arith.index_cast %swap3A_240 : i32 to index
        %swap3A_243 = arith.index_cast %swap3A_241 : i32 to index
        %swap3A_244 = arith.index_cast %mul3A_239 : i32 to index
        %swap3A_245 = tpu.vector_load %arg7[%swap3A_242, %swap3A_243, %swap3A_244] {strides = array<i32>} : memref<2x64x512xf32, #tpu.memory_space<vmem>>, vector<16xf32>,
        tpu.vector_store %arg7[%swap3A_242, %swap3A_243, %swap3A_244], %gather3A_172 {strides = array<i32>} : memref<2x64x512xf32, #tpu.memory_space<vmem>>, vector<16xf32>,
        %gather3A_246 = arith.constant 6656 : i32
        %gather3A_247 = tpu.memref_slice %arg5[%gather3A_246] : memref<32768xf32, #tpu.memory_space<vmem>> -> memref<512xf32, #tpu.memory_space<vmem>>
        %gather3A_248 = tpu.vector_load_idx %gather3A_247[%get3A_152] : memref<512xf32, #tpu.memory_space<vmem>>[vector<16xi32>], vector<16xf32>,
        %mul3A_249 = arith.constant 16 : i32
        %mul3A_250 = arith.muli %scan3A_147, %mul3A_249 : i32
        %swap3A_251 = arith.constant 1 : i32
        %swap3A_252 = arith.constant 7 : i32
        %swap3A_253 = arith.index_cast %swap3A_251 : i32 to index
        %swap3A_254 = arith.index_cast %swap3A_252 : i32 to index
        %swap3A_255 = arith.index_cast %mul3A_250 : i32 to index
        %swap3A_256 = tpu.vector_load %arg7[%swap3A_253, %swap3A_254, %swap3A_255] {strides = array<i32>} : memref<2x64x512xf32, #tpu.memory_space<vmem>>, vector<16xf32>,
        tpu.vector_store %arg7[%swap3A_253, %swap3A_254, %swap3A_255], %gather3A_182 {strides = array<i32>} : memref<2x64x512xf32, #tpu.memory_space<vmem>>, vector<16xf32>,
        %gather3A_257 = arith.constant 7168 : i32
        %gather3A_258 = tpu.memref_slice %arg5[%gather3A_257] : memref<32768xf32, #tpu.memory_space<vmem>> -> memref<512xf32, #tpu.memory_space<vmem>>
        %gather3A_259 = tpu.vector_load_idx %gather3A_258[%get3A_152] : memref<512xf32, #tpu.memory_space<vmem>>[vector<16xi32>], vector<16xf32>,
        %mul3A_260 = arith.constant 16 : i32
        %mul3A_261 = arith.muli %scan3A_147, %mul3A_260 : i32
        %swap3A_262 = arith.constant 1 : i32
        %swap3A_263 = arith.constant 8 : i32
        %swap3A_264 = arith.index_cast %swap3A_262 : i32 to index
        %swap3A_265 = arith.index_cast %swap3A_263 : i32 to index
        %swap3A_266 = arith.index_cast %mul3A_261 : i32 to index
        %swap3A_267 = tpu.vector_load %arg7[%swap3A_264, %swap3A_265, %swap3A_266] {strides = array<i32>} : memref<2x64x512xf32, #tpu.memory_space<vmem>>, vector<16xf32>,
        tpu.vector_store %arg7[%swap3A_264, %swap3A_265, %swap3A_266], %gather3A_193 {strides = array<i32>} : memref<2x64x512xf32, #tpu.memory_space<vmem>>, vector<16xf32>,
        %gather3A_268 = arith.constant 7680 : i32
        %gather3A_269 = tpu.memref_slice %arg5[%gather3A_268] : memref<32768xf32, #tpu.memory_space<vmem>> -> memref<512xf32, #tpu.memory_space<vmem>>
        %gather3A_270 = tpu.vector_load_idx %gather3A_269[%get3A_152] : memref<512xf32, #tpu.memory_space<vmem>>[vector<16xi32>], vector<16xf32>,
        %mul3A_271 = arith.constant 16 : i32
        %mul3A_272 = arith.muli %scan3A_147, %mul3A_271 : i32
        %swap3A_273 = arith.constant 1 : i32
        %swap3A_274 = arith.constant 9 : i32
        %swap3A_275 = arith.index_cast %swap3A_273 : i32 to index
        %swap3A_276 = arith.index_cast %swap3A_274 : i32 to index
        %swap3A_277 = arith.index_cast %mul3A_272 : i32 to index
        %swap3A_278 = tpu.vector_load %arg7[%swap3A_275, %swap3A_276, %swap3A_277] {strides = array<i32>} : memref<2x64x512xf32, #tpu.memory_space<vmem>>, vector<16xf32>,
        tpu.vector_store %arg7[%swap3A_275, %swap3A_276, %swap3A_277], %gather3A_204 {strides = array<i32>} : memref<2x64x512xf32, #tpu.memory_space<vmem>>, vector<16xf32>,
        %gather3A_279 = arith.constant 8192 : i32
        %gather3A_280 = tpu.memref_slice %arg5[%gather3A_279] : memref<32768xf32, #tpu.memory_space<vmem>> -> memref<512xf32, #tpu.memory_space<vmem>>
        %gather3A_281 = tpu.vector_load_idx %gather3A_280[%get3A_152] : memref<512xf32, #tpu.memory_space<vmem>>[vector<16xi32>], vector<16xf32>,
        %mul3A_282 = arith.constant 16 : i32
        %mul3A_283 = arith.muli %scan3A_147, %mul3A_282 : i32
        %swap3A_284 = arith.constant 1 : i32
        %swap3A_285 = arith.constant 10 : i32
        %swap3A_286 = arith.index_cast %swap3A_284 : i32 to index
        %swap3A_287 = arith.index_cast %swap3A_285 : i32 to index
        %swap3A_288 = arith.index_cast %mul3A_283 : i32 to index
        %swap3A_289 = tpu.vector_load %arg7[%swap3A_286, %swap3A_287, %swap3A_288] {strides = array<i32>} : memref<2x64x512xf32, #tpu.memory_space<vmem>>, vector<16xf32>,
        tpu.vector_store %arg7[%swap3A_286, %swap3A_287, %swap3A_288], %gather3A_215 {strides = array<i32>} : memref<2x64x512xf32, #tpu.memory_space<vmem>>, vector<16xf32>,
        %gather3A_290 = arith.constant 8704 : i32
        %gather3A_291 = tpu.memref_slice %arg5[%gather3A_290] : memref<32768xf32, #tpu.memory_space<vmem>> -> memref<512xf32, #tpu.memory_space<vmem>>
        %gather3A_292 = tpu.vector_load_idx %gather3A_291[%get3A_152] : memref<512xf32, #tpu.memory_space<vmem>>[vector<16xi32>], vector<16xf32>,
        %mul3A_293 = arith.constant 16 : i32
        %mul3A_294 = arith.muli %scan3A_147, %mul3A_293 : i32
        %swap3A_295 = arith.constant 1 : i32
        %swap3A_296 = arith.constant 11 : i32
        %swap3A_297 = arith.index_cast %swap3A_295 : i32 to index
        %swap3A_298 = arith.index_cast %swap3A_296 : i32 to index
        %swap3A_299 = arith.index_cast %mul3A_294 : i32 to index
        %swap3A_300 = tpu.vector_load %arg7[%swap3A_297, %swap3A_298, %swap3A_299] {strides = array<i32>} : memref<2x64x512xf32, #tpu.memory_space<vmem>>, vector<16xf32>,
        tpu.vector_store %arg7[%swap3A_297, %swap3A_298, %swap3A_299], %gather3A_226 {strides = array<i32>} : memref<2x64x512xf32, #tpu.memory_space<vmem>>, vector<16xf32>,
        %gather3A_301 = arith.constant 9216 : i32
        %gather3A_302 = tpu.memref_slice %arg5[%gather3A_301] : memref<32768xf32, #tpu.memory_space<vmem>> -> memref<512xf32, #tpu.memory_space<vmem>>
        %gather3A_303 = tpu.vector_load_idx %gather3A_302[%get3A_152] : memref<512xf32, #tpu.memory_space<vmem>>[vector<16xi32>], vector<16xf32>,
        %mul3A_304 = arith.constant 16 : i32
        %mul3A_305 = arith.muli %scan3A_147, %mul3A_304 : i32
        %swap3A_306 = arith.constant 1 : i32
        %swap3A_307 = arith.constant 12 : i32
        %swap3A_308 = arith.index_cast %swap3A_306 : i32 to index
        %swap3A_309 = arith.index_cast %swap3A_307 : i32 to index
        %swap3A_310 = arith.index_cast %mul3A_305 : i32 to index
        %swap3A_311 = tpu.vector_load %arg7[%swap3A_308, %swap3A_309, %swap3A_310] {strides = array<i32>} : memref<2x64x512xf32, #tpu.memory_space<vmem>>, vector<16xf32>,
        tpu.vector_store %arg7[%swap3A_308, %swap3A_309, %swap3A_310], %gather3A_237 {strides = array<i32>} : memref<2x64x512xf32, #tpu.memory_space<vmem>>, vector<16xf32>,
        %gather3A_312 = arith.constant 9728 : i32
        %gather3A_313 = tpu.memref_slice %arg5[%gather3A_312] : memref<32768xf32, #tpu.memory_space<vmem>> -> memref<512xf32, #tpu.memory_space<vmem>>
        %gather3A_314 = tpu.vector_load_idx %gather3A_313[%get3A_152] : memref<512xf32, #tpu.memory_space<vmem>>[vector<16xi32>], vector<16xf32>,
        %mul3A_315 = arith.constant 16 : i32
        %mul3A_316 = arith.muli %scan3A_147, %mul3A_315 : i32
        %swap3A_317 = arith.constant 1 : i32
        %swap3A_318 = arith.constant 13 : i32
        %swap3A_319 = arith.index_cast %swap3A_317 : i32 to index
        %swap3A_320 = arith.index_cast %swap3A_318 : i32 to index
        %swap3A_321 = arith.index_cast %mul3A_316 : i32 to index
        %swap3A_322 = tpu.vector_load %arg7[%swap3A_319, %swap3A_320, %swap3A_321] {strides = array<i32>} : memref<2x64x512xf32, #tpu.memory_space<vmem>>, vector<16xf32>,
        tpu.vector_store %arg7[%swap3A_319, %swap3A_320, %swap3A_321], %gather3A_248 {strides = array<i32>} : memref<2x64x512xf32, #tpu.memory_space<vmem>>, vector<16xf32>,
        %gather3A_323 = arith.constant 10240 : i32
        %gather3A_324 = tpu.memref_slice %arg5[%gather3A_323] : memref<32768xf32, #tpu.memory_space<vmem>> -> memref<512xf32, #tpu.memory_space<vmem>>
        %gather3A_325 = tpu.vector_load_idx %gather3A_324[%get3A_152] : memref<512xf32, #tpu.memory_space<vmem>>[vector<16xi32>], vector<16xf32>,
        %mul3A_326 = arith.constant 16 : i32
        %mul3A_327 = arith.muli %scan3A_147, %mul3A_326 : i32
        %swap3A_328 = arith.constant 1 : i32
        %swap3A_329 = arith.constant 14 : i32
        %swap3A_330 = arith.index_cast %swap3A_328 : i32 to index
        %swap3A_331 = arith.index_cast %swap3A_329 : i32 to index
        %swap3A_332 = arith.index_cast %mul3A_327 : i32 to index
        %swap3A_333 = tpu.vector_load %arg7[%swap3A_330, %swap3A_331, %swap3A_332] {strides = array<i32>} : memref<2x64x512xf32, #tpu.memory_space<vmem>>, vector<16xf32>,
        tpu.vector_store %arg7[%swap3A_330, %swap3A_331, %swap3A_332], %gather3A_259 {strides = array<i32>} : memref<2x64x512xf32, #tpu.memory_space<vmem>>, vector<16xf32>,
        %gather3A_334 = arith.constant 10752 : i32
        %gather3A_335 = tpu.memref_slice %arg5[%gather3A_334] : memref<32768xf32, #tpu.memory_space<vmem>> -> memref<512xf32, #tpu.memory_space<vmem>>
        %gather3A_336 = tpu.vector_load_idx %gather3A_335[%get3A_152] : memref<512xf32, #tpu.memory_space<vmem>>[vector<16xi32>], vector<16xf32>,
        %mul3A_337 = arith.constant 16 : i32
        %mul3A_338 = arith.muli %scan3A_147, %mul3A_337 : i32
        %swap3A_339 = arith.constant 1 : i32
        %swap3A_340 = arith.constant 15 : i32
        %swap3A_341 = arith.index_cast %swap3A_339 : i32 to index
        %swap3A_342 = arith.index_cast %swap3A_340 : i32 to index
        %swap3A_343 = arith.index_cast %mul3A_338 : i32 to index
        %swap3A_344 = tpu.vector_load %arg7[%swap3A_341, %swap3A_342, %swap3A_343] {strides = array<i32>} : memref<2x64x512xf32, #tpu.memory_space<vmem>>, vector<16xf32>,
        tpu.vector_store %arg7[%swap3A_341, %swap3A_342, %swap3A_343], %gather3A_270 {strides = array<i32>} : memref<2x64x512xf32, #tpu.memory_space<vmem>>, vector<16xf32>,
        %gather3A_345 = arith.constant 11264 : i32
        %gather3A_346 = tpu.memref_slice %arg5[%gather3A_345] : memref<32768xf32, #tpu.memory_space<vmem>> -> memref<512xf32, #tpu.memory_space<vmem>>
        %gather3A_347 = tpu.vector_load_idx %gather3A_346[%get3A_152] : memref<512xf32, #tpu.memory_space<vmem>>[vector<16xi32>], vector<16xf32>,
        %mul3A_348 = arith.constant 16 : i32
        %mul3A_349 = arith.muli %scan3A_147, %mul3A_348 : i32
        %swap3A_350 = arith.constant 1 : i32
        %swap3A_351 = arith.constant 16 : i32
        %swap3A_352 = arith.index_cast %swap3A_350 : i32 to index
        %swap3A_353 = arith.index_cast %swap3A_351 : i32 to index
        %swap3A_354 = arith.index_cast %mul3A_349 : i32 to index
        %swap3A_355 = tpu.vector_load %arg7[%swap3A_352, %swap3A_353, %swap3A_354] {strides = array<i32>} : memref<2x64x512xf32, #tpu.memory_space<vmem>>, vector<16xf32>,
        tpu.vector_store %arg7[%swap3A_352, %swap3A_353, %swap3A_354], %gather3A_281 {strides = array<i32>} : memref<2x64x512xf32, #tpu.memory_space<vmem>>, vector<16xf32>,
        %gather3A_356 = arith.constant 11776 : i32
        %gather3A_357 = tpu.memref_slice %arg5[%gather3A_356] : memref<32768xf32, #tpu.memory_space<vmem>> -> memref<512xf32, #tpu.memory_space<vmem>>
        %gather3A_358 = tpu.vector_load_idx %gather3A_357[%get3A_152] : memref<512xf32, #tpu.memory_space<vmem>>[vector<16xi32>], vector<16xf32>,
        %mul3A_359 = arith.constant 16 : i32
        %mul3A_360 = arith.muli %scan3A_147, %mul3A_359 : i32
        %swap3A_361 = arith.constant 1 : i32
        %swap3A_362 = arith.constant 17 : i32
        %swap3A_363 = arith.index_cast %swap3A_361 : i32 to index
        %swap3A_364 = arith.index_cast %swap3A_362 : i32 to index
        %swap3A_365 = arith.index_cast %mul3A_360 : i32 to index
        %swap3A_366 = tpu.vector_load %arg7[%swap3A_363, %swap3A_364, %swap3A_365] {strides = array<i32>} : memref<2x64x512xf32, #tpu.memory_space<vmem>>, vector<16xf32>,
        tpu.vector_store %arg7[%swap3A_363, %swap3A_364, %swap3A_365], %gather3A_292 {strides = array<i32>} : memref<2x64x512xf32, #tpu.memory_space<vmem>>, vector<16xf32>,
        %gather3A_367 = arith.constant 12288 : i32
        %gather3A_368 = tpu.memref_slice %arg5[%gather3A_367] : memref<32768xf32, #tpu.memory_space<vmem>> -> memref<512xf32, #tpu.memory_space<vmem>>
        %gather3A_369 = tpu.vector_load_idx %gather3A_368[%get3A_152] : memref<512xf32, #tpu.memory_space<vmem>>[vector<16xi32>], vector<16xf32>,
        %mul3A_370 = arith.constant 16 : i32
        %mul3A_371 = arith.muli %scan3A_147, %mul3A_370 : i32
        %swap3A_372 = arith.constant 1 : i32
        %swap3A_373 = arith.constant 18 : i32
        %swap3A_374 = arith.index_cast %swap3A_372 : i32 to index
        %swap3A_375 = arith.index_cast %swap3A_373 : i32 to index
        %swap3A_376 = arith.index_cast %mul3A_371 : i32 to index
        %swap3A_377 = tpu.vector_load %arg7[%swap3A_374, %swap3A_375, %swap3A_376] {strides = array<i32>} : memref<2x64x512xf32, #tpu.memory_space<vmem>>, vector<16xf32>,
        tpu.vector_store %arg7[%swap3A_374, %swap3A_375, %swap3A_376], %gather3A_303 {strides = array<i32>} : memref<2x64x512xf32, #tpu.memory_space<vmem>>, vector<16xf32>,
        %gather3A_378 = arith.constant 12800 : i32
        %gather3A_379 = tpu.memref_slice %arg5[%gather3A_378] : memref<32768xf32, #tpu.memory_space<vmem>> -> memref<512xf32, #tpu.memory_space<vmem>>
        %gather3A_380 = tpu.vector_load_idx %gather3A_379[%get3A_152] : memref<512xf32, #tpu.memory_space<vmem>>[vector<16xi32>], vector<16xf32>,
        %mul3A_381 = arith.constant 16 : i32
        %mul3A_382 = arith.muli %scan3A_147, %mul3A_381 : i32
        %swap3A_383 = arith.constant 1 : i32
        %swap3A_384 = arith.constant 19 : i32
        %swap3A_385 = arith.index_cast %swap3A_383 : i32 to index
        %swap3A_386 = arith.index_cast %swap3A_384 : i32 to index
        %swap3A_387 = arith.index_cast %mul3A_382 : i32 to index
        %swap3A_388 = tpu.vector_load %arg7[%swap3A_385, %swap3A_386, %swap3A_387] {strides = array<i32>} : memref<2x64x512xf32, #tpu.memory_space<vmem>>, vector<16xf32>,
        tpu.vector_store %arg7[%swap3A_385, %swap3A_386, %swap3A_387], %gather3A_314 {strides = array<i32>} : memref<2x64x512xf32, #tpu.memory_space<vmem>>, vector<16xf32>,
        %gather3A_389 = arith.constant 13312 : i32
        %gather3A_390 = tpu.memref_slice %arg5[%gather3A_389] : memref<32768xf32, #tpu.memory_space<vmem>> -> memref<512xf32, #tpu.memory_space<vmem>>
        %gather3A_391 = tpu.vector_load_idx %gather3A_390[%get3A_152] : memref<512xf32, #tpu.memory_space<vmem>>[vector<16xi32>], vector<16xf32>,
        %mul3A_392 = arith.constant 16 : i32
        %mul3A_393 = arith.muli %scan3A_147, %mul3A_392 : i32
        %swap3A_394 = arith.constant 1 : i32
        %swap3A_395 = arith.constant 20 : i32
        %swap3A_396 = arith.index_cast %swap3A_394 : i32 to index
        %swap3A_397 = arith.index_cast %swap3A_395 : i32 to index
        %swap3A_398 = arith.index_cast %mul3A_393 : i32 to index
        %swap3A_399 = tpu.vector_load %arg7[%swap3A_396, %swap3A_397, %swap3A_398] {strides = array<i32>} : memref<2x64x512xf32, #tpu.memory_space<vmem>>, vector<16xf32>,
        tpu.vector_store %arg7[%swap3A_396, %swap3A_397, %swap3A_398], %gather3A_325 {strides = array<i32>} : memref<2x64x512xf32, #tpu.memory_space<vmem>>, vector<16xf32>,
        %gather3A_400 = arith.constant 13824 : i32
        %gather3A_401 = tpu.memref_slice %arg5[%gather3A_400] : memref<32768xf32, #tpu.memory_space<vmem>> -> memref<512xf32, #tpu.memory_space<vmem>>
        %gather3A_402 = tpu.vector_load_idx %gather3A_401[%get3A_152] : memref<512xf32, #tpu.memory_space<vmem>>[vector<16xi32>], vector<16xf32>,
        %mul3A_403 = arith.constant 16 : i32
        %mul3A_404 = arith.muli %scan3A_147, %mul3A_403 : i32
        %swap3A_405 = arith.constant 1 : i32
        %swap3A_406 = arith.constant 21 : i32
        %swap3A_407 = arith.index_cast %swap3A_405 : i32 to index
        %swap3A_408 = arith.index_cast %swap3A_406 : i32 to index
        %swap3A_409 = arith.index_cast %mul3A_404 : i32 to index
        %swap3A_410 = tpu.vector_load %arg7[%swap3A_407, %swap3A_408, %swap3A_409] {strides = array<i32>} : memref<2x64x512xf32, #tpu.memory_space<vmem>>, vector<16xf32>,
        tpu.vector_store %arg7[%swap3A_407, %swap3A_408, %swap3A_409], %gather3A_336 {strides = array<i32>} : memref<2x64x512xf32, #tpu.memory_space<vmem>>, vector<16xf32>,
        %gather3A_411 = arith.constant 14336 : i32
        %gather3A_412 = tpu.memref_slice %arg5[%gather3A_411] : memref<32768xf32, #tpu.memory_space<vmem>> -> memref<512xf32, #tpu.memory_space<vmem>>
        %gather3A_413 = tpu.vector_load_idx %gather3A_412[%get3A_152] : memref<512xf32, #tpu.memory_space<vmem>>[vector<16xi32>], vector<16xf32>,
        %mul3A_414 = arith.constant 16 : i32
        %mul3A_415 = arith.muli %scan3A_147, %mul3A_414 : i32
        %swap3A_416 = arith.constant 1 : i32
        %swap3A_417 = arith.constant 22 : i32
        %swap3A_418 = arith.index_cast %swap3A_416 : i32 to index
        %swap3A_419 = arith.index_cast %swap3A_417 : i32 to index
        %swap3A_420 = arith.index_cast %mul3A_415 : i32 to index
        %swap3A_421 = tpu.vector_load %arg7[%swap3A_418, %swap3A_419, %swap3A_420] {strides = array<i32>} : memref<2x64x512xf32, #tpu.memory_space<vmem>>, vector<16xf32>,
        tpu.vector_store %arg7[%swap3A_418, %swap3A_419, %swap3A_420], %gather3A_347 {strides = array<i32>} : memref<2x64x512xf32, #tpu.memory_space<vmem>>, vector<16xf32>,
        %gather3A_422 = arith.constant 14848 : i32
        %gather3A_423 = tpu.memref_slice %arg5[%gather3A_422] : memref<32768xf32, #tpu.memory_space<vmem>> -> memref<512xf32, #tpu.memory_space<vmem>>
        %gather3A_424 = tpu.vector_load_idx %gather3A_423[%get3A_152] : memref<512xf32, #tpu.memory_space<vmem>>[vector<16xi32>], vector<16xf32>,
        %mul3A_425 = arith.constant 16 : i32
        %mul3A_426 = arith.muli %scan3A_147, %mul3A_425 : i32
        %swap3A_427 = arith.constant 1 : i32
        %swap3A_428 = arith.constant 23 : i32
        %swap3A_429 = arith.index_cast %swap3A_427 : i32 to index
        %swap3A_430 = arith.index_cast %swap3A_428 : i32 to index
        %swap3A_431 = arith.index_cast %mul3A_426 : i32 to index
        %swap3A_432 = tpu.vector_load %arg7[%swap3A_429, %swap3A_430, %swap3A_431] {strides = array<i32>} : memref<2x64x512xf32, #tpu.memory_space<vmem>>, vector<16xf32>,
        tpu.vector_store %arg7[%swap3A_429, %swap3A_430, %swap3A_431], %gather3A_358 {strides = array<i32>} : memref<2x64x512xf32, #tpu.memory_space<vmem>>, vector<16xf32>,
        %gather3A_433 = arith.constant 15360 : i32
        %gather3A_434 = tpu.memref_slice %arg5[%gather3A_433] : memref<32768xf32, #tpu.memory_space<vmem>> -> memref<512xf32, #tpu.memory_space<vmem>>
        %gather3A_435 = tpu.vector_load_idx %gather3A_434[%get3A_152] : memref<512xf32, #tpu.memory_space<vmem>>[vector<16xi32>], vector<16xf32>,
        %mul3A_436 = arith.constant 16 : i32
        %mul3A_437 = arith.muli %scan3A_147, %mul3A_436 : i32
        %swap3A_438 = arith.constant 1 : i32
        %swap3A_439 = arith.constant 24 : i32
        %swap3A_440 = arith.index_cast %swap3A_438 : i32 to index
        %swap3A_441 = arith.index_cast %swap3A_439 : i32 to index
        %swap3A_442 = arith.index_cast %mul3A_437 : i32 to index
        %swap3A_443 = tpu.vector_load %arg7[%swap3A_440, %swap3A_441, %swap3A_442] {strides = array<i32>} : memref<2x64x512xf32, #tpu.memory_space<vmem>>, vector<16xf32>,
        tpu.vector_store %arg7[%swap3A_440, %swap3A_441, %swap3A_442], %gather3A_369 {strides = array<i32>} : memref<2x64x512xf32, #tpu.memory_space<vmem>>, vector<16xf32>,
        %gather3A_444 = arith.constant 15872 : i32
        %gather3A_445 = tpu.memref_slice %arg5[%gather3A_444] : memref<32768xf32, #tpu.memory_space<vmem>> -> memref<512xf32, #tpu.memory_space<vmem>>
        %gather3A_446 = tpu.vector_load_idx %gather3A_445[%get3A_152] : memref<512xf32, #tpu.memory_space<vmem>>[vector<16xi32>], vector<16xf32>,
        %mul3A_447 = arith.constant 16 : i32
        %mul3A_448 = arith.muli %scan3A_147, %mul3A_447 : i32
        %swap3A_449 = arith.constant 1 : i32
        %swap3A_450 = arith.constant 25 : i32
        %swap3A_451 = arith.index_cast %swap3A_449 : i32 to index
        %swap3A_452 = arith.index_cast %swap3A_450 : i32 to index
        %swap3A_453 = arith.index_cast %mul3A_448 : i32 to index
        %swap3A_454 = tpu.vector_load %arg7[%swap3A_451, %swap3A_452, %swap3A_453] {strides = array<i32>} : memref<2x64x512xf32, #tpu.memory_space<vmem>>, vector<16xf32>,
        tpu.vector_store %arg7[%swap3A_451, %swap3A_452, %swap3A_453], %gather3A_380 {strides = array<i32>} : memref<2x64x512xf32, #tpu.memory_space<vmem>>, vector<16xf32>,
        %gather3A_455 = arith.constant 16384 : i32
        %gather3A_456 = tpu.memref_slice %arg5[%gather3A_455] : memref<32768xf32, #tpu.memory_space<vmem>> -> memref<512xf32, #tpu.memory_space<vmem>>
        %gather3A_457 = tpu.vector_load_idx %gather3A_456[%get3A_152] : memref<512xf32, #tpu.memory_space<vmem>>[vector<16xi32>], vector<16xf32>,
        %mul3A_458 = arith.constant 16 : i32
        %mul3A_459 = arith.muli %scan3A_147, %mul3A_458 : i32
        %swap3A_460 = arith.constant 1 : i32
        %swap3A_461 = arith.constant 26 : i32
        %swap3A_462 = arith.index_cast %swap3A_460 : i32 to index
        %swap3A_463 = arith.index_cast %swap3A_461 : i32 to index
        %swap3A_464 = arith.index_cast %mul3A_459 : i32 to index
        %swap3A_465 = tpu.vector_load %arg7[%swap3A_462, %swap3A_463, %swap3A_464] {strides = array<i32>} : memref<2x64x512xf32, #tpu.memory_space<vmem>>, vector<16xf32>,
        tpu.vector_store %arg7[%swap3A_462, %swap3A_463, %swap3A_464], %gather3A_391 {strides = array<i32>} : memref<2x64x512xf32, #tpu.memory_space<vmem>>, vector<16xf32>,
        %gather3A_466 = arith.constant 16896 : i32
        %gather3A_467 = tpu.memref_slice %arg5[%gather3A_466] : memref<32768xf32, #tpu.memory_space<vmem>> -> memref<512xf32, #tpu.memory_space<vmem>>
        %gather3A_468 = tpu.vector_load_idx %gather3A_467[%get3A_152] : memref<512xf32, #tpu.memory_space<vmem>>[vector<16xi32>], vector<16xf32>,
        %mul3A_469 = arith.constant 16 : i32
        %mul3A_470 = arith.muli %scan3A_147, %mul3A_469 : i32
        %swap3A_471 = arith.constant 1 : i32
        %swap3A_472 = arith.constant 27 : i32
        %swap3A_473 = arith.index_cast %swap3A_471 : i32 to index
        %swap3A_474 = arith.index_cast %swap3A_472 : i32 to index
        %swap3A_475 = arith.index_cast %mul3A_470 : i32 to index
        %swap3A_476 = tpu.vector_load %arg7[%swap3A_473, %swap3A_474, %swap3A_475] {strides = array<i32>} : memref<2x64x512xf32, #tpu.memory_space<vmem>>, vector<16xf32>,
        tpu.vector_store %arg7[%swap3A_473, %swap3A_474, %swap3A_475], %gather3A_402 {strides = array<i32>} : memref<2x64x512xf32, #tpu.memory_space<vmem>>, vector<16xf32>,
        %gather3A_477 = arith.constant 17408 : i32
        %gather3A_478 = tpu.memref_slice %arg5[%gather3A_477] : memref<32768xf32, #tpu.memory_space<vmem>> -> memref<512xf32, #tpu.memory_space<vmem>>
        %gather3A_479 = tpu.vector_load_idx %gather3A_478[%get3A_152] : memref<512xf32, #tpu.memory_space<vmem>>[vector<16xi32>], vector<16xf32>,
        %mul3A_480 = arith.constant 16 : i32
        %mul3A_481 = arith.muli %scan3A_147, %mul3A_480 : i32
        %swap3A_482 = arith.constant 1 : i32
        %swap3A_483 = arith.constant 28 : i32
        %swap3A_484 = arith.index_cast %swap3A_482 : i32 to index
        %swap3A_485 = arith.index_cast %swap3A_483 : i32 to index
        %swap3A_486 = arith.index_cast %mul3A_481 : i32 to index
        %swap3A_487 = tpu.vector_load %arg7[%swap3A_484, %swap3A_485, %swap3A_486] {strides = array<i32>} : memref<2x64x512xf32, #tpu.memory_space<vmem>>, vector<16xf32>,
        tpu.vector_store %arg7[%swap3A_484, %swap3A_485, %swap3A_486], %gather3A_413 {strides = array<i32>} : memref<2x64x512xf32, #tpu.memory_space<vmem>>, vector<16xf32>,
        %gather3A_488 = arith.constant 17920 : i32
        %gather3A_489 = tpu.memref_slice %arg5[%gather3A_488] : memref<32768xf32, #tpu.memory_space<vmem>> -> memref<512xf32, #tpu.memory_space<vmem>>
        %gather3A_490 = tpu.vector_load_idx %gather3A_489[%get3A_152] : memref<512xf32, #tpu.memory_space<vmem>>[vector<16xi32>], vector<16xf32>,
        %mul3A_491 = arith.constant 16 : i32
        %mul3A_492 = arith.muli %scan3A_147, %mul3A_491 : i32
        %swap3A_493 = arith.constant 1 : i32
        %swap3A_494 = arith.constant 29 : i32
        %swap3A_495 = arith.index_cast %swap3A_493 : i32 to index
        %swap3A_496 = arith.index_cast %swap3A_494 : i32 to index
        %swap3A_497 = arith.index_cast %mul3A_492 : i32 to index
        %swap3A_498 = tpu.vector_load %arg7[%swap3A_495, %swap3A_496, %swap3A_497] {strides = array<i32>} : memref<2x64x512xf32, #tpu.memory_space<vmem>>, vector<16xf32>,
        tpu.vector_store %arg7[%swap3A_495, %swap3A_496, %swap3A_497], %gather3A_424 {strides = array<i32>} : memref<2x64x512xf32, #tpu.memory_space<vmem>>, vector<16xf32>,
        %gather3A_499 = arith.constant 18432 : i32
        %gather3A_500 = tpu.memref_slice %arg5[%gather3A_499] : memref<32768xf32, #tpu.memory_space<vmem>> -> memref<512xf32, #tpu.memory_space<vmem>>
        %gather3A_501 = tpu.vector_load_idx %gather3A_500[%get3A_152] : memref<512xf32, #tpu.memory_space<vmem>>[vector<16xi32>], vector<16xf32>,
        %mul3A_502 = arith.constant 16 : i32
        %mul3A_503 = arith.muli %scan3A_147, %mul3A_502 : i32
        %swap3A_504 = arith.constant 1 : i32
        %swap3A_505 = arith.constant 30 : i32
        %swap3A_506 = arith.index_cast %swap3A_504 : i32 to index
        %swap3A_507 = arith.index_cast %swap3A_505 : i32 to index
        %swap3A_508 = arith.index_cast %mul3A_503 : i32 to index
        %swap3A_509 = tpu.vector_load %arg7[%swap3A_506, %swap3A_507, %swap3A_508] {strides = array<i32>} : memref<2x64x512xf32, #tpu.memory_space<vmem>>, vector<16xf32>,
        tpu.vector_store %arg7[%swap3A_506, %swap3A_507, %swap3A_508], %gather3A_435 {strides = array<i32>} : memref<2x64x512xf32, #tpu.memory_space<vmem>>, vector<16xf32>,
        %gather3A_510 = arith.constant 18944 : i32
        %gather3A_511 = tpu.memref_slice %arg5[%gather3A_510] : memref<32768xf32, #tpu.memory_space<vmem>> -> memref<512xf32, #tpu.memory_space<vmem>>
        %gather3A_512 = tpu.vector_load_idx %gather3A_511[%get3A_152] : memref<512xf32, #tpu.memory_space<vmem>>[vector<16xi32>], vector<16xf32>,
        %mul3A_513 = arith.constant 16 : i32
        %mul3A_514 = arith.muli %scan3A_147, %mul3A_513 : i32
        %swap3A_515 = arith.constant 1 : i32
        %swap3A_516 = arith.constant 31 : i32
        %swap3A_517 = arith.index_cast %swap3A_515 : i32 to index
        %swap3A_518 = arith.index_cast %swap3A_516 : i32 to index
        %swap3A_519 = arith.index_cast %mul3A_514 : i32 to index
        %swap3A_520 = tpu.vector_load %arg7[%swap3A_517, %swap3A_518, %swap3A_519] {strides = array<i32>} : memref<2x64x512xf32, #tpu.memory_space<vmem>>, vector<16xf32>,
        tpu.vector_store %arg7[%swap3A_517, %swap3A_518, %swap3A_519], %gather3A_446 {strides = array<i32>} : memref<2x64x512xf32, #tpu.memory_space<vmem>>, vector<16xf32>,
        %gather3A_521 = arith.constant 19456 : i32
        %gather3A_522 = tpu.memref_slice %arg5[%gather3A_521] : memref<32768xf32, #tpu.memory_space<vmem>> -> memref<512xf32, #tpu.memory_space<vmem>>
        %gather3A_523 = tpu.vector_load_idx %gather3A_522[%get3A_152] : memref<512xf32, #tpu.memory_space<vmem>>[vector<16xi32>], vector<16xf32>,
        %mul3A_524 = arith.constant 16 : i32
        %mul3A_525 = arith.muli %scan3A_147, %mul3A_524 : i32
        %swap3A_526 = arith.constant 1 : i32
        %swap3A_527 = arith.constant 32 : i32
        %swap3A_528 = arith.index_cast %swap3A_526 : i32 to index
        %swap3A_529 = arith.index_cast %swap3A_527 : i32 to index
        %swap3A_530 = arith.index_cast %mul3A_525 : i32 to index
        %swap3A_531 = tpu.vector_load %arg7[%swap3A_528, %swap3A_529, %swap3A_530] {strides = array<i32>} : memref<2x64x512xf32, #tpu.memory_space<vmem>>, vector<16xf32>,
        tpu.vector_store %arg7[%swap3A_528, %swap3A_529, %swap3A_530], %gather3A_457 {strides = array<i32>} : memref<2x64x512xf32, #tpu.memory_space<vmem>>, vector<16xf32>,
        %gather3A_532 = arith.constant 19968 : i32
        %gather3A_533 = tpu.memref_slice %arg5[%gather3A_532] : memref<32768xf32, #tpu.memory_space<vmem>> -> memref<512xf32, #tpu.memory_space<vmem>>
        %gather3A_534 = tpu.vector_load_idx %gather3A_533[%get3A_152] : memref<512xf32, #tpu.memory_space<vmem>>[vector<16xi32>], vector<16xf32>,
        %mul3A_535 = arith.constant 16 : i32
        %mul3A_536 = arith.muli %scan3A_147, %mul3A_535 : i32
        %swap3A_537 = arith.constant 1 : i32
        %swap3A_538 = arith.constant 33 : i32
        %swap3A_539 = arith.index_cast %swap3A_537 : i32 to index
        %swap3A_540 = arith.index_cast %swap3A_538 : i32 to index
        %swap3A_541 = arith.index_cast %mul3A_536 : i32 to index
        %swap3A_542 = tpu.vector_load %arg7[%swap3A_539, %swap3A_540, %swap3A_541] {strides = array<i32>} : memref<2x64x512xf32, #tpu.memory_space<vmem>>, vector<16xf32>,
        tpu.vector_store %arg7[%swap3A_539, %swap3A_540, %swap3A_541], %gather3A_468 {strides = array<i32>} : memref<2x64x512xf32, #tpu.memory_space<vmem>>, vector<16xf32>,
        %gather3A_543 = arith.constant 20480 : i32
        %gather3A_544 = tpu.memref_slice %arg5[%gather3A_543] : memref<32768xf32, #tpu.memory_space<vmem>> -> memref<512xf32, #tpu.memory_space<vmem>>
        %gather3A_545 = tpu.vector_load_idx %gather3A_544[%get3A_152] : memref<512xf32, #tpu.memory_space<vmem>>[vector<16xi32>], vector<16xf32>,
        %mul3A_546 = arith.constant 16 : i32
        %mul3A_547 = arith.muli %scan3A_147, %mul3A_546 : i32
        %swap3A_548 = arith.constant 1 : i32
        %swap3A_549 = arith.constant 34 : i32
        %swap3A_550 = arith.index_cast %swap3A_548 : i32 to index
        %swap3A_551 = arith.index_cast %swap3A_549 : i32 to index
        %swap3A_552 = arith.index_cast %mul3A_547 : i32 to index
        %swap3A_553 = tpu.vector_load %arg7[%swap3A_550, %swap3A_551, %swap3A_552] {strides = array<i32>} : memref<2x64x512xf32, #tpu.memory_space<vmem>>, vector<16xf32>,
        tpu.vector_store %arg7[%swap3A_550, %swap3A_551, %swap3A_552], %gather3A_479 {strides = array<i32>} : memref<2x64x512xf32, #tpu.memory_space<vmem>>, vector<16xf32>,
        %gather3A_554 = arith.constant 20992 : i32
        %gather3A_555 = tpu.memref_slice %arg5[%gather3A_554] : memref<32768xf32, #tpu.memory_space<vmem>> -> memref<512xf32, #tpu.memory_space<vmem>>
        %gather3A_556 = tpu.vector_load_idx %gather3A_555[%get3A_152] : memref<512xf32, #tpu.memory_space<vmem>>[vector<16xi32>], vector<16xf32>,
        %mul3A_557 = arith.constant 16 : i32
        %mul3A_558 = arith.muli %scan3A_147, %mul3A_557 : i32
        %swap3A_559 = arith.constant 1 : i32
        %swap3A_560 = arith.constant 35 : i32
        %swap3A_561 = arith.index_cast %swap3A_559 : i32 to index
        %swap3A_562 = arith.index_cast %swap3A_560 : i32 to index
        %swap3A_563 = arith.index_cast %mul3A_558 : i32 to index
        %swap3A_564 = tpu.vector_load %arg7[%swap3A_561, %swap3A_562, %swap3A_563] {strides = array<i32>} : memref<2x64x512xf32, #tpu.memory_space<vmem>>, vector<16xf32>,
        tpu.vector_store %arg7[%swap3A_561, %swap3A_562, %swap3A_563], %gather3A_490 {strides = array<i32>} : memref<2x64x512xf32, #tpu.memory_space<vmem>>, vector<16xf32>,
        %gather3A_565 = arith.constant 21504 : i32
        %gather3A_566 = tpu.memref_slice %arg5[%gather3A_565] : memref<32768xf32, #tpu.memory_space<vmem>> -> memref<512xf32, #tpu.memory_space<vmem>>
        %gather3A_567 = tpu.vector_load_idx %gather3A_566[%get3A_152] : memref<512xf32, #tpu.memory_space<vmem>>[vector<16xi32>], vector<16xf32>,
        %mul3A_568 = arith.constant 16 : i32
        %mul3A_569 = arith.muli %scan3A_147, %mul3A_568 : i32
        %swap3A_570 = arith.constant 1 : i32
        %swap3A_571 = arith.constant 36 : i32
        %swap3A_572 = arith.index_cast %swap3A_570 : i32 to index
        %swap3A_573 = arith.index_cast %swap3A_571 : i32 to index
        %swap3A_574 = arith.index_cast %mul3A_569 : i32 to index
        %swap3A_575 = tpu.vector_load %arg7[%swap3A_572, %swap3A_573, %swap3A_574] {strides = array<i32>} : memref<2x64x512xf32, #tpu.memory_space<vmem>>, vector<16xf32>,
        tpu.vector_store %arg7[%swap3A_572, %swap3A_573, %swap3A_574], %gather3A_501 {strides = array<i32>} : memref<2x64x512xf32, #tpu.memory_space<vmem>>, vector<16xf32>,
        %gather3A_576 = arith.constant 22016 : i32
        %gather3A_577 = tpu.memref_slice %arg5[%gather3A_576] : memref<32768xf32, #tpu.memory_space<vmem>> -> memref<512xf32, #tpu.memory_space<vmem>>
        %gather3A_578 = tpu.vector_load_idx %gather3A_577[%get3A_152] : memref<512xf32, #tpu.memory_space<vmem>>[vector<16xi32>], vector<16xf32>,
        %mul3A_579 = arith.constant 16 : i32
        %mul3A_580 = arith.muli %scan3A_147, %mul3A_579 : i32
        %swap3A_581 = arith.constant 1 : i32
        %swap3A_582 = arith.constant 37 : i32
        %swap3A_583 = arith.index_cast %swap3A_581 : i32 to index
        %swap3A_584 = arith.index_cast %swap3A_582 : i32 to index
        %swap3A_585 = arith.index_cast %mul3A_580 : i32 to index
        %swap3A_586 = tpu.vector_load %arg7[%swap3A_583, %swap3A_584, %swap3A_585] {strides = array<i32>} : memref<2x64x512xf32, #tpu.memory_space<vmem>>, vector<16xf32>,
        tpu.vector_store %arg7[%swap3A_583, %swap3A_584, %swap3A_585], %gather3A_512 {strides = array<i32>} : memref<2x64x512xf32, #tpu.memory_space<vmem>>, vector<16xf32>,
        %gather3A_587 = arith.constant 22528 : i32
        %gather3A_588 = tpu.memref_slice %arg5[%gather3A_587] : memref<32768xf32, #tpu.memory_space<vmem>> -> memref<512xf32, #tpu.memory_space<vmem>>
        %gather3A_589 = tpu.vector_load_idx %gather3A_588[%get3A_152] : memref<512xf32, #tpu.memory_space<vmem>>[vector<16xi32>], vector<16xf32>,
        %mul3A_590 = arith.constant 16 : i32
        %mul3A_591 = arith.muli %scan3A_147, %mul3A_590 : i32
        %swap3A_592 = arith.constant 1 : i32
        %swap3A_593 = arith.constant 38 : i32
        %swap3A_594 = arith.index_cast %swap3A_592 : i32 to index
        %swap3A_595 = arith.index_cast %swap3A_593 : i32 to index
        %swap3A_596 = arith.index_cast %mul3A_591 : i32 to index
        %swap3A_597 = tpu.vector_load %arg7[%swap3A_594, %swap3A_595, %swap3A_596] {strides = array<i32>} : memref<2x64x512xf32, #tpu.memory_space<vmem>>, vector<16xf32>,
        tpu.vector_store %arg7[%swap3A_594, %swap3A_595, %swap3A_596], %gather3A_523 {strides = array<i32>} : memref<2x64x512xf32, #tpu.memory_space<vmem>>, vector<16xf32>,
        %gather3A_598 = arith.constant 23040 : i32
        %gather3A_599 = tpu.memref_slice %arg5[%gather3A_598] : memref<32768xf32, #tpu.memory_space<vmem>> -> memref<512xf32, #tpu.memory_space<vmem>>
        %gather3A_600 = tpu.vector_load_idx %gather3A_599[%get3A_152] : memref<512xf32, #tpu.memory_space<vmem>>[vector<16xi32>], vector<16xf32>,
        %mul3A_601 = arith.constant 16 : i32
        %mul3A_602 = arith.muli %scan3A_147, %mul3A_601 : i32
        %swap3A_603 = arith.constant 1 : i32
        %swap3A_604 = arith.constant 39 : i32
        %swap3A_605 = arith.index_cast %swap3A_603 : i32 to index
        %swap3A_606 = arith.index_cast %swap3A_604 : i32 to index
        %swap3A_607 = arith.index_cast %mul3A_602 : i32 to index
        %swap3A_608 = tpu.vector_load %arg7[%swap3A_605, %swap3A_606, %swap3A_607] {strides = array<i32>} : memref<2x64x512xf32, #tpu.memory_space<vmem>>, vector<16xf32>,
        tpu.vector_store %arg7[%swap3A_605, %swap3A_606, %swap3A_607], %gather3A_534 {strides = array<i32>} : memref<2x64x512xf32, #tpu.memory_space<vmem>>, vector<16xf32>,
        %gather3A_609 = arith.constant 23552 : i32
        %gather3A_610 = tpu.memref_slice %arg5[%gather3A_609] : memref<32768xf32, #tpu.memory_space<vmem>> -> memref<512xf32, #tpu.memory_space<vmem>>
        %gather3A_611 = tpu.vector_load_idx %gather3A_610[%get3A_152] : memref<512xf32, #tpu.memory_space<vmem>>[vector<16xi32>], vector<16xf32>,
        %mul3A_612 = arith.constant 16 : i32
        %mul3A_613 = arith.muli %scan3A_147, %mul3A_612 : i32
        %swap3A_614 = arith.constant 1 : i32
        %swap3A_615 = arith.constant 40 : i32
        %swap3A_616 = arith.index_cast %swap3A_614 : i32 to index
        %swap3A_617 = arith.index_cast %swap3A_615 : i32 to index
        %swap3A_618 = arith.index_cast %mul3A_613 : i32 to index
        %swap3A_619 = tpu.vector_load %arg7[%swap3A_616, %swap3A_617, %swap3A_618] {strides = array<i32>} : memref<2x64x512xf32, #tpu.memory_space<vmem>>, vector<16xf32>,
        tpu.vector_store %arg7[%swap3A_616, %swap3A_617, %swap3A_618], %gather3A_545 {strides = array<i32>} : memref<2x64x512xf32, #tpu.memory_space<vmem>>, vector<16xf32>,
        %gather3A_620 = arith.constant 24064 : i32
        %gather3A_621 = tpu.memref_slice %arg5[%gather3A_620] : memref<32768xf32, #tpu.memory_space<vmem>> -> memref<512xf32, #tpu.memory_space<vmem>>
        %gather3A_622 = tpu.vector_load_idx %gather3A_621[%get3A_152] : memref<512xf32, #tpu.memory_space<vmem>>[vector<16xi32>], vector<16xf32>,
        %mul3A_623 = arith.constant 16 : i32
        %mul3A_624 = arith.muli %scan3A_147, %mul3A_623 : i32
        %swap3A_625 = arith.constant 1 : i32
        %swap3A_626 = arith.constant 41 : i32
        %swap3A_627 = arith.index_cast %swap3A_625 : i32 to index
        %swap3A_628 = arith.index_cast %swap3A_626 : i32 to index
        %swap3A_629 = arith.index_cast %mul3A_624 : i32 to index
        %swap3A_630 = tpu.vector_load %arg7[%swap3A_627, %swap3A_628, %swap3A_629] {strides = array<i32>} : memref<2x64x512xf32, #tpu.memory_space<vmem>>, vector<16xf32>,
        tpu.vector_store %arg7[%swap3A_627, %swap3A_628, %swap3A_629], %gather3A_556 {strides = array<i32>} : memref<2x64x512xf32, #tpu.memory_space<vmem>>, vector<16xf32>,
        %gather3A_631 = arith.constant 24576 : i32
        %gather3A_632 = tpu.memref_slice %arg5[%gather3A_631] : memref<32768xf32, #tpu.memory_space<vmem>> -> memref<512xf32, #tpu.memory_space<vmem>>
        %gather3A_633 = tpu.vector_load_idx %gather3A_632[%get3A_152] : memref<512xf32, #tpu.memory_space<vmem>>[vector<16xi32>], vector<16xf32>,
        %mul3A_634 = arith.constant 16 : i32
        %mul3A_635 = arith.muli %scan3A_147, %mul3A_634 : i32
        %swap3A_636 = arith.constant 1 : i32
        %swap3A_637 = arith.constant 42 : i32
        %swap3A_638 = arith.index_cast %swap3A_636 : i32 to index
        %swap3A_639 = arith.index_cast %swap3A_637 : i32 to index
        %swap3A_640 = arith.index_cast %mul3A_635 : i32 to index
        %swap3A_641 = tpu.vector_load %arg7[%swap3A_638, %swap3A_639, %swap3A_640] {strides = array<i32>} : memref<2x64x512xf32, #tpu.memory_space<vmem>>, vector<16xf32>,
        tpu.vector_store %arg7[%swap3A_638, %swap3A_639, %swap3A_640], %gather3A_567 {strides = array<i32>} : memref<2x64x512xf32, #tpu.memory_space<vmem>>, vector<16xf32>,
        %gather3A_642 = arith.constant 25088 : i32
        %gather3A_643 = tpu.memref_slice %arg5[%gather3A_642] : memref<32768xf32, #tpu.memory_space<vmem>> -> memref<512xf32, #tpu.memory_space<vmem>>
        %gather3A_644 = tpu.vector_load_idx %gather3A_643[%get3A_152] : memref<512xf32, #tpu.memory_space<vmem>>[vector<16xi32>], vector<16xf32>,
        %mul3A_645 = arith.constant 16 : i32
        %mul3A_646 = arith.muli %scan3A_147, %mul3A_645 : i32
        %swap3A_647 = arith.constant 1 : i32
        %swap3A_648 = arith.constant 43 : i32
        %swap3A_649 = arith.index_cast %swap3A_647 : i32 to index
        %swap3A_650 = arith.index_cast %swap3A_648 : i32 to index
        %swap3A_651 = arith.index_cast %mul3A_646 : i32 to index
        %swap3A_652 = tpu.vector_load %arg7[%swap3A_649, %swap3A_650, %swap3A_651] {strides = array<i32>} : memref<2x64x512xf32, #tpu.memory_space<vmem>>, vector<16xf32>,
        tpu.vector_store %arg7[%swap3A_649, %swap3A_650, %swap3A_651], %gather3A_578 {strides = array<i32>} : memref<2x64x512xf32, #tpu.memory_space<vmem>>, vector<16xf32>,
        %gather3A_653 = arith.constant 25600 : i32
        %gather3A_654 = tpu.memref_slice %arg5[%gather3A_653] : memref<32768xf32, #tpu.memory_space<vmem>> -> memref<512xf32, #tpu.memory_space<vmem>>
        %gather3A_655 = tpu.vector_load_idx %gather3A_654[%get3A_152] : memref<512xf32, #tpu.memory_space<vmem>>[vector<16xi32>], vector<16xf32>,
        %mul3A_656 = arith.constant 16 : i32
        %mul3A_657 = arith.muli %scan3A_147, %mul3A_656 : i32
        %swap3A_658 = arith.constant 1 : i32
        %swap3A_659 = arith.constant 44 : i32
        %swap3A_660 = arith.index_cast %swap3A_658 : i32 to index
        %swap3A_661 = arith.index_cast %swap3A_659 : i32 to index
        %swap3A_662 = arith.index_cast %mul3A_657 : i32 to index
        %swap3A_663 = tpu.vector_load %arg7[%swap3A_660, %swap3A_661, %swap3A_662] {strides = array<i32>} : memref<2x64x512xf32, #tpu.memory_space<vmem>>, vector<16xf32>,
        tpu.vector_store %arg7[%swap3A_660, %swap3A_661, %swap3A_662], %gather3A_589 {strides = array<i32>} : memref<2x64x512xf32, #tpu.memory_space<vmem>>, vector<16xf32>,
        %gather3A_664 = arith.constant 26112 : i32
        %gather3A_665 = tpu.memref_slice %arg5[%gather3A_664] : memref<32768xf32, #tpu.memory_space<vmem>> -> memref<512xf32, #tpu.memory_space<vmem>>
        %gather3A_666 = tpu.vector_load_idx %gather3A_665[%get3A_152] : memref<512xf32, #tpu.memory_space<vmem>>[vector<16xi32>], vector<16xf32>,
        %mul3A_667 = arith.constant 16 : i32
        %mul3A_668 = arith.muli %scan3A_147, %mul3A_667 : i32
        %swap3A_669 = arith.constant 1 : i32
        %swap3A_670 = arith.constant 45 : i32
        %swap3A_671 = arith.index_cast %swap3A_669 : i32 to index
        %swap3A_672 = arith.index_cast %swap3A_670 : i32 to index
        %swap3A_673 = arith.index_cast %mul3A_668 : i32 to index
        %swap3A_674 = tpu.vector_load %arg7[%swap3A_671, %swap3A_672, %swap3A_673] {strides = array<i32>} : memref<2x64x512xf32, #tpu.memory_space<vmem>>, vector<16xf32>,
        tpu.vector_store %arg7[%swap3A_671, %swap3A_672, %swap3A_673], %gather3A_600 {strides = array<i32>} : memref<2x64x512xf32, #tpu.memory_space<vmem>>, vector<16xf32>,
        %gather3A_675 = arith.constant 26624 : i32
        %gather3A_676 = tpu.memref_slice %arg5[%gather3A_675] : memref<32768xf32, #tpu.memory_space<vmem>> -> memref<512xf32, #tpu.memory_space<vmem>>
        %gather3A_677 = tpu.vector_load_idx %gather3A_676[%get3A_152] : memref<512xf32, #tpu.memory_space<vmem>>[vector<16xi32>], vector<16xf32>,
        %mul3A_678 = arith.constant 16 : i32
        %mul3A_679 = arith.muli %scan3A_147, %mul3A_678 : i32
        %swap3A_680 = arith.constant 1 : i32
        %swap3A_681 = arith.constant 46 : i32
        %swap3A_682 = arith.index_cast %swap3A_680 : i32 to index
        %swap3A_683 = arith.index_cast %swap3A_681 : i32 to index
        %swap3A_684 = arith.index_cast %mul3A_679 : i32 to index
        %swap3A_685 = tpu.vector_load %arg7[%swap3A_682, %swap3A_683, %swap3A_684] {strides = array<i32>} : memref<2x64x512xf32, #tpu.memory_space<vmem>>, vector<16xf32>,
        tpu.vector_store %arg7[%swap3A_682, %swap3A_683, %swap3A_684], %gather3A_611 {strides = array<i32>} : memref<2x64x512xf32, #tpu.memory_space<vmem>>, vector<16xf32>,
        %gather3A_686 = arith.constant 27136 : i32
        %gather3A_687 = tpu.memref_slice %arg5[%gather3A_686] : memref<32768xf32, #tpu.memory_space<vmem>> -> memref<512xf32, #tpu.memory_space<vmem>>
        %gather3A_688 = tpu.vector_load_idx %gather3A_687[%get3A_152] : memref<512xf32, #tpu.memory_space<vmem>>[vector<16xi32>], vector<16xf32>,
        %mul3A_689 = arith.constant 16 : i32
        %mul3A_690 = arith.muli %scan3A_147, %mul3A_689 : i32
        %swap3A_691 = arith.constant 1 : i32
        %swap3A_692 = arith.constant 47 : i32
        %swap3A_693 = arith.index_cast %swap3A_691 : i32 to index
        %swap3A_694 = arith.index_cast %swap3A_692 : i32 to index
        %swap3A_695 = arith.index_cast %mul3A_690 : i32 to index
        %swap3A_696 = tpu.vector_load %arg7[%swap3A_693, %swap3A_694, %swap3A_695] {strides = array<i32>} : memref<2x64x512xf32, #tpu.memory_space<vmem>>, vector<16xf32>,
        tpu.vector_store %arg7[%swap3A_693, %swap3A_694, %swap3A_695], %gather3A_622 {strides = array<i32>} : memref<2x64x512xf32, #tpu.memory_space<vmem>>, vector<16xf32>,
        %gather3A_697 = arith.constant 27648 : i32
        %gather3A_698 = tpu.memref_slice %arg5[%gather3A_697] : memref<32768xf32, #tpu.memory_space<vmem>> -> memref<512xf32, #tpu.memory_space<vmem>>
        %gather3A_699 = tpu.vector_load_idx %gather3A_698[%get3A_152] : memref<512xf32, #tpu.memory_space<vmem>>[vector<16xi32>], vector<16xf32>,
        %mul3A_700 = arith.constant 16 : i32
        %mul3A_701 = arith.muli %scan3A_147, %mul3A_700 : i32
        %swap3A_702 = arith.constant 1 : i32
        %swap3A_703 = arith.constant 48 : i32
        %swap3A_704 = arith.index_cast %swap3A_702 : i32 to index
        %swap3A_705 = arith.index_cast %swap3A_703 : i32 to index
        %swap3A_706 = arith.index_cast %mul3A_701 : i32 to index
        %swap3A_707 = tpu.vector_load %arg7[%swap3A_704, %swap3A_705, %swap3A_706] {strides = array<i32>} : memref<2x64x512xf32, #tpu.memory_space<vmem>>, vector<16xf32>,
        tpu.vector_store %arg7[%swap3A_704, %swap3A_705, %swap3A_706], %gather3A_633 {strides = array<i32>} : memref<2x64x512xf32, #tpu.memory_space<vmem>>, vector<16xf32>,
        %gather3A_708 = arith.constant 28160 : i32
        %gather3A_709 = tpu.memref_slice %arg5[%gather3A_708] : memref<32768xf32, #tpu.memory_space<vmem>> -> memref<512xf32, #tpu.memory_space<vmem>>
        %gather3A_710 = tpu.vector_load_idx %gather3A_709[%get3A_152] : memref<512xf32, #tpu.memory_space<vmem>>[vector<16xi32>], vector<16xf32>,
        %mul3A_711 = arith.constant 16 : i32
        %mul3A_712 = arith.muli %scan3A_147, %mul3A_711 : i32
        %swap3A_713 = arith.constant 1 : i32
        %swap3A_714 = arith.constant 49 : i32
        %swap3A_715 = arith.index_cast %swap3A_713 : i32 to index
        %swap3A_716 = arith.index_cast %swap3A_714 : i32 to index
        %swap3A_717 = arith.index_cast %mul3A_712 : i32 to index
        %swap3A_718 = tpu.vector_load %arg7[%swap3A_715, %swap3A_716, %swap3A_717] {strides = array<i32>} : memref<2x64x512xf32, #tpu.memory_space<vmem>>, vector<16xf32>,
        tpu.vector_store %arg7[%swap3A_715, %swap3A_716, %swap3A_717], %gather3A_644 {strides = array<i32>} : memref<2x64x512xf32, #tpu.memory_space<vmem>>, vector<16xf32>,
        %gather3A_719 = arith.constant 28672 : i32
        %gather3A_720 = tpu.memref_slice %arg5[%gather3A_719] : memref<32768xf32, #tpu.memory_space<vmem>> -> memref<512xf32, #tpu.memory_space<vmem>>
        %gather3A_721 = tpu.vector_load_idx %gather3A_720[%get3A_152] : memref<512xf32, #tpu.memory_space<vmem>>[vector<16xi32>], vector<16xf32>,
        %mul3A_722 = arith.constant 16 : i32
        %mul3A_723 = arith.muli %scan3A_147, %mul3A_722 : i32
        %swap3A_724 = arith.constant 1 : i32
        %swap3A_725 = arith.constant 50 : i32
        %swap3A_726 = arith.index_cast %swap3A_724 : i32 to index
        %swap3A_727 = arith.index_cast %swap3A_725 : i32 to index
        %swap3A_728 = arith.index_cast %mul3A_723 : i32 to index
        %swap3A_729 = tpu.vector_load %arg7[%swap3A_726, %swap3A_727, %swap3A_728] {strides = array<i32>} : memref<2x64x512xf32, #tpu.memory_space<vmem>>, vector<16xf32>,
        tpu.vector_store %arg7[%swap3A_726, %swap3A_727, %swap3A_728], %gather3A_655 {strides = array<i32>} : memref<2x64x512xf32, #tpu.memory_space<vmem>>, vector<16xf32>,
        %gather3A_730 = arith.constant 29184 : i32
        %gather3A_731 = tpu.memref_slice %arg5[%gather3A_730] : memref<32768xf32, #tpu.memory_space<vmem>> -> memref<512xf32, #tpu.memory_space<vmem>>
        %gather3A_732 = tpu.vector_load_idx %gather3A_731[%get3A_152] : memref<512xf32, #tpu.memory_space<vmem>>[vector<16xi32>], vector<16xf32>,
        %mul3A_733 = arith.constant 16 : i32
        %mul3A_734 = arith.muli %scan3A_147, %mul3A_733 : i32
        %swap3A_735 = arith.constant 1 : i32
        %swap3A_736 = arith.constant 51 : i32
        %swap3A_737 = arith.index_cast %swap3A_735 : i32 to index
        %swap3A_738 = arith.index_cast %swap3A_736 : i32 to index
        %swap3A_739 = arith.index_cast %mul3A_734 : i32 to index
        %swap3A_740 = tpu.vector_load %arg7[%swap3A_737, %swap3A_738, %swap3A_739] {strides = array<i32>} : memref<2x64x512xf32, #tpu.memory_space<vmem>>, vector<16xf32>,
        tpu.vector_store %arg7[%swap3A_737, %swap3A_738, %swap3A_739], %gather3A_666 {strides = array<i32>} : memref<2x64x512xf32, #tpu.memory_space<vmem>>, vector<16xf32>,
        %gather3A_741 = arith.constant 29696 : i32
        %gather3A_742 = tpu.memref_slice %arg5[%gather3A_741] : memref<32768xf32, #tpu.memory_space<vmem>> -> memref<512xf32, #tpu.memory_space<vmem>>
        %gather3A_743 = tpu.vector_load_idx %gather3A_742[%get3A_152] : memref<512xf32, #tpu.memory_space<vmem>>[vector<16xi32>], vector<16xf32>,
        %mul3A_744 = arith.constant 16 : i32
        %mul3A_745 = arith.muli %scan3A_147, %mul3A_744 : i32
        %swap3A_746 = arith.constant 1 : i32
        %swap3A_747 = arith.constant 52 : i32
        %swap3A_748 = arith.index_cast %swap3A_746 : i32 to index
        %swap3A_749 = arith.index_cast %swap3A_747 : i32 to index
        %swap3A_750 = arith.index_cast %mul3A_745 : i32 to index
        %swap3A_751 = tpu.vector_load %arg7[%swap3A_748, %swap3A_749, %swap3A_750] {strides = array<i32>} : memref<2x64x512xf32, #tpu.memory_space<vmem>>, vector<16xf32>,
        tpu.vector_store %arg7[%swap3A_748, %swap3A_749, %swap3A_750], %gather3A_677 {strides = array<i32>} : memref<2x64x512xf32, #tpu.memory_space<vmem>>, vector<16xf32>,
        %gather3A_752 = arith.constant 30208 : i32
        %gather3A_753 = tpu.memref_slice %arg5[%gather3A_752] : memref<32768xf32, #tpu.memory_space<vmem>> -> memref<512xf32, #tpu.memory_space<vmem>>
        %gather3A_754 = tpu.vector_load_idx %gather3A_753[%get3A_152] : memref<512xf32, #tpu.memory_space<vmem>>[vector<16xi32>], vector<16xf32>,
        %mul3A_755 = arith.constant 16 : i32
        %mul3A_756 = arith.muli %scan3A_147, %mul3A_755 : i32
        %swap3A_757 = arith.constant 1 : i32
        %swap3A_758 = arith.constant 53 : i32
        %swap3A_759 = arith.index_cast %swap3A_757 : i32 to index
        %swap3A_760 = arith.index_cast %swap3A_758 : i32 to index
        %swap3A_761 = arith.index_cast %mul3A_756 : i32 to index
        %swap3A_762 = tpu.vector_load %arg7[%swap3A_759, %swap3A_760, %swap3A_761] {strides = array<i32>} : memref<2x64x512xf32, #tpu.memory_space<vmem>>, vector<16xf32>,
        tpu.vector_store %arg7[%swap3A_759, %swap3A_760, %swap3A_761], %gather3A_688 {strides = array<i32>} : memref<2x64x512xf32, #tpu.memory_space<vmem>>, vector<16xf32>,
        %gather3A_763 = arith.constant 30720 : i32
        %gather3A_764 = tpu.memref_slice %arg5[%gather3A_763] : memref<32768xf32, #tpu.memory_space<vmem>> -> memref<512xf32, #tpu.memory_space<vmem>>
        %gather3A_765 = tpu.vector_load_idx %gather3A_764[%get3A_152] : memref<512xf32, #tpu.memory_space<vmem>>[vector<16xi32>], vector<16xf32>,
        %mul3A_766 = arith.constant 16 : i32
        %mul3A_767 = arith.muli %scan3A_147, %mul3A_766 : i32
        %swap3A_768 = arith.constant 1 : i32
        %swap3A_769 = arith.constant 54 : i32
        %swap3A_770 = arith.index_cast %swap3A_768 : i32 to index
        %swap3A_771 = arith.index_cast %swap3A_769 : i32 to index
        %swap3A_772 = arith.index_cast %mul3A_767 : i32 to index
        %swap3A_773 = tpu.vector_load %arg7[%swap3A_770, %swap3A_771, %swap3A_772] {strides = array<i32>} : memref<2x64x512xf32, #tpu.memory_space<vmem>>, vector<16xf32>,
        tpu.vector_store %arg7[%swap3A_770, %swap3A_771, %swap3A_772], %gather3A_699 {strides = array<i32>} : memref<2x64x512xf32, #tpu.memory_space<vmem>>, vector<16xf32>,
        %gather3A_774 = arith.constant 31232 : i32
        %gather3A_775 = tpu.memref_slice %arg5[%gather3A_774] : memref<32768xf32, #tpu.memory_space<vmem>> -> memref<512xf32, #tpu.memory_space<vmem>>
        %gather3A_776 = tpu.vector_load_idx %gather3A_775[%get3A_152] : memref<512xf32, #tpu.memory_space<vmem>>[vector<16xi32>], vector<16xf32>,
        %mul3A_777 = arith.constant 16 : i32
        %mul3A_778 = arith.muli %scan3A_147, %mul3A_777 : i32
        %swap3A_779 = arith.constant 1 : i32
        %swap3A_780 = arith.constant 55 : i32
        %swap3A_781 = arith.index_cast %swap3A_779 : i32 to index
        %swap3A_782 = arith.index_cast %swap3A_780 : i32 to index
        %swap3A_783 = arith.index_cast %mul3A_778 : i32 to index
        %swap3A_784 = tpu.vector_load %arg7[%swap3A_781, %swap3A_782, %swap3A_783] {strides = array<i32>} : memref<2x64x512xf32, #tpu.memory_space<vmem>>, vector<16xf32>,
        tpu.vector_store %arg7[%swap3A_781, %swap3A_782, %swap3A_783], %gather3A_710 {strides = array<i32>} : memref<2x64x512xf32, #tpu.memory_space<vmem>>, vector<16xf32>,
        %gather3A_785 = arith.constant 31744 : i32
        %gather3A_786 = tpu.memref_slice %arg5[%gather3A_785] : memref<32768xf32, #tpu.memory_space<vmem>> -> memref<512xf32, #tpu.memory_space<vmem>>
        %gather3A_787 = tpu.vector_load_idx %gather3A_786[%get3A_152] : memref<512xf32, #tpu.memory_space<vmem>>[vector<16xi32>], vector<16xf32>,
        %mul3A_788 = arith.constant 16 : i32
        %mul3A_789 = arith.muli %scan3A_147, %mul3A_788 : i32
        %swap3A_790 = arith.constant 1 : i32
        %swap3A_791 = arith.constant 56 : i32
        %swap3A_792 = arith.index_cast %swap3A_790 : i32 to index
        %swap3A_793 = arith.index_cast %swap3A_791 : i32 to index
        %swap3A_794 = arith.index_cast %mul3A_789 : i32 to index
        %swap3A_795 = tpu.vector_load %arg7[%swap3A_792, %swap3A_793, %swap3A_794] {strides = array<i32>} : memref<2x64x512xf32, #tpu.memory_space<vmem>>, vector<16xf32>,
        tpu.vector_store %arg7[%swap3A_792, %swap3A_793, %swap3A_794], %gather3A_721 {strides = array<i32>} : memref<2x64x512xf32, #tpu.memory_space<vmem>>, vector<16xf32>,
        %gather3A_796 = arith.constant 32256 : i32
        %gather3A_797 = tpu.memref_slice %arg5[%gather3A_796] : memref<32768xf32, #tpu.memory_space<vmem>> -> memref<512xf32, #tpu.memory_space<vmem>>
        %gather3A_798 = tpu.vector_load_idx %gather3A_797[%get3A_152] : memref<512xf32, #tpu.memory_space<vmem>>[vector<16xi32>], vector<16xf32>,
        %mul3A_799 = arith.constant 16 : i32
        %mul3A_800 = arith.muli %scan3A_147, %mul3A_799 : i32
        %swap3A_801 = arith.constant 1 : i32
        %swap3A_802 = arith.constant 57 : i32
        %swap3A_803 = arith.index_cast %swap3A_801 : i32 to index
        %swap3A_804 = arith.index_cast %swap3A_802 : i32 to index
        %swap3A_805 = arith.index_cast %mul3A_800 : i32 to index
        %swap3A_806 = tpu.vector_load %arg7[%swap3A_803, %swap3A_804, %swap3A_805] {strides = array<i32>} : memref<2x64x512xf32, #tpu.memory_space<vmem>>, vector<16xf32>,
        tpu.vector_store %arg7[%swap3A_803, %swap3A_804, %swap3A_805], %gather3A_732 {strides = array<i32>} : memref<2x64x512xf32, #tpu.memory_space<vmem>>, vector<16xf32>,
        %mul3A_807 = arith.constant 16 : i32
        %mul3A_808 = arith.muli %scan3A_147, %mul3A_807 : i32
        %swap3A_809 = arith.constant 1 : i32
        %swap3A_810 = arith.constant 58 : i32
        %swap3A_811 = arith.index_cast %swap3A_809 : i32 to index
        %swap3A_812 = arith.index_cast %swap3A_810 : i32 to index
        %swap3A_813 = arith.index_cast %mul3A_808 : i32 to index
        %swap3A_814 = tpu.vector_load %arg7[%swap3A_811, %swap3A_812, %swap3A_813] {strides = array<i32>} : memref<2x64x512xf32, #tpu.memory_space<vmem>>, vector<16xf32>,
        tpu.vector_store %arg7[%swap3A_811, %swap3A_812, %swap3A_813], %gather3A_743 {strides = array<i32>} : memref<2x64x512xf32, #tpu.memory_space<vmem>>, vector<16xf32>,
        %mul3A_815 = arith.constant 16 : i32
        %mul3A_816 = arith.muli %scan3A_147, %mul3A_815 : i32
        %swap3A_817 = arith.constant 1 : i32
        %swap3A_818 = arith.constant 59 : i32
        %swap3A_819 = arith.index_cast %swap3A_817 : i32 to index
        %swap3A_820 = arith.index_cast %swap3A_818 : i32 to index
        %swap3A_821 = arith.index_cast %mul3A_816 : i32 to index
        %swap3A_822 = tpu.vector_load %arg7[%swap3A_819, %swap3A_820, %swap3A_821] {strides = array<i32>} : memref<2x64x512xf32, #tpu.memory_space<vmem>>, vector<16xf32>,
        tpu.vector_store %arg7[%swap3A_819, %swap3A_820, %swap3A_821], %gather3A_754 {strides = array<i32>} : memref<2x64x512xf32, #tpu.memory_space<vmem>>, vector<16xf32>,
        %mul3A_823 = arith.constant 16 : i32
        %mul3A_824 = arith.muli %scan3A_147, %mul3A_823 : i32
        %swap3A_825 = arith.constant 1 : i32
        %swap3A_826 = arith.constant 60 : i32
        %swap3A_827 = arith.index_cast %swap3A_825 : i32 to index
        %swap3A_828 = arith.index_cast %swap3A_826 : i32 to index
        %swap3A_829 = arith.index_cast %mul3A_824 : i32 to index
        %swap3A_830 = tpu.vector_load %arg7[%swap3A_827, %swap3A_828, %swap3A_829] {strides = array<i32>} : memref<2x64x512xf32, #tpu.memory_space<vmem>>, vector<16xf32>,
        tpu.vector_store %arg7[%swap3A_827, %swap3A_828, %swap3A_829], %gather3A_765 {strides = array<i32>} : memref<2x64x512xf32, #tpu.memory_space<vmem>>, vector<16xf32>,
        %mul3A_831 = arith.constant 16 : i32
        %mul3A_832 = arith.muli %scan3A_147, %mul3A_831 : i32
        %swap3A_833 = arith.constant 1 : i32
        %swap3A_834 = arith.constant 61 : i32
        %swap3A_835 = arith.index_cast %swap3A_833 : i32 to index
        %swap3A_836 = arith.index_cast %swap3A_834 : i32 to index
        %swap3A_837 = arith.index_cast %mul3A_832 : i32 to index
        %swap3A_838 = tpu.vector_load %arg7[%swap3A_835, %swap3A_836, %swap3A_837] {strides = array<i32>} : memref<2x64x512xf32, #tpu.memory_space<vmem>>, vector<16xf32>,
        tpu.vector_store %arg7[%swap3A_835, %swap3A_836, %swap3A_837], %gather3A_776 {strides = array<i32>} : memref<2x64x512xf32, #tpu.memory_space<vmem>>, vector<16xf32>,
        %mul3A_839 = arith.constant 16 : i32
        %mul3A_840 = arith.muli %scan3A_147, %mul3A_839 : i32
        %swap3A_841 = arith.constant 1 : i32
        %swap3A_842 = arith.constant 62 : i32
        %swap3A_843 = arith.index_cast %swap3A_841 : i32 to index
        %swap3A_844 = arith.index_cast %swap3A_842 : i32 to index
        %swap3A_845 = arith.index_cast %mul3A_840 : i32 to index
        %swap3A_846 = tpu.vector_load %arg7[%swap3A_843, %swap3A_844, %swap3A_845] {strides = array<i32>} : memref<2x64x512xf32, #tpu.memory_space<vmem>>, vector<16xf32>,
        tpu.vector_store %arg7[%swap3A_843, %swap3A_844, %swap3A_845], %gather3A_787 {strides = array<i32>} : memref<2x64x512xf32, #tpu.memory_space<vmem>>, vector<16xf32>,
        %mul3A_847 = arith.constant 16 : i32
        %mul3A_848 = arith.muli %scan3A_147, %mul3A_847 : i32
        %swap3A_849 = arith.constant 1 : i32
        %swap3A_850 = arith.constant 63 : i32
        %swap3A_851 = arith.index_cast %swap3A_849 : i32 to index
        %swap3A_852 = arith.index_cast %swap3A_850 : i32 to index
        %swap3A_853 = arith.index_cast %mul3A_848 : i32 to index
        %swap3A_854 = tpu.vector_load %arg7[%swap3A_851, %swap3A_852, %swap3A_853] {strides = array<i32>} : memref<2x64x512xf32, #tpu.memory_space<vmem>>, vector<16xf32>,
        tpu.vector_store %arg7[%swap3A_851, %swap3A_852, %swap3A_853], %gather3A_798 {strides = array<i32>} : memref<2x64x512xf32, #tpu.memory_space<vmem>>, vector<16xf32>,
      }
      %scan3A_124 = arith.constant 32 : i32
      %dma_start3A_125 = arith.constant 1 : i32
      %dma_start3A_126 = arith.constant 0 : i32
      %dma_start3A_127 = arith.constant 0 : i32
      %dma_start3A_128 = tpu.memref_slice %arg7[%dma_start3A_125, %dma_start3A_126, %dma_start3A_127] : memref<2x64x512xf32, #tpu.memory_space<vmem>> -> memref<1x64x512xf32, #tpu.memory_space<vmem>>
      %dma_start3A_129 = tpu.memref_squeeze %dma_start3A_128 : memref<1x64x512xf32, #tpu.memory_space<vmem>> -> memref<64x512xf32, #tpu.memory_space<vmem>>
      %dma_start3A_130 = arith.constant 0 : i32
      %dma_start3A_131 = tpu.memref_slice %arg4[%add3A_104, %dma_start3A_130, %mul3A_2] : memref<200x64x16384xf32, #tpu.memory_space<hbm>> -> memref<1x64x512xf32, #tpu.memory_space<hbm>>
      %dma_start3A_132 = tpu.memref_squeeze %dma_start3A_131 : memref<1x64x512xf32, #tpu.memory_space<hbm>> -> memref<64x512xf32, #tpu.memory_space<hbm>>
      %dma_start3A_133 = arith.constant 0 : i32
      %dma_start3A_134 = tpu.memref_slice %arg4[%add3A_104, %dma_start3A_133, %mul3A_2] : memref<200x64x16384xf32, #tpu.memory_space<hbm>> -> memref<1x64x512xf32, #tpu.memory_space<hbm>>
      %dma_start3A_135 = tpu.memref_squeeze %dma_start3A_134 : memref<1x64x512xf32, #tpu.memory_space<hbm>> -> memref<64x512xf32, #tpu.memory_space<hbm>>
      %dma_start3A_136 = arith.constant 0 : i32
      %dma_start3A_137 = arith.constant 0 : i32
      %dma_start3A_138 = tpu.memref_slice %arg7[%dma_start3A_125, %dma_start3A_136, %dma_start3A_137] : memref<2x64x512xf32, #tpu.memory_space<vmem>> -> memref<1x64x512xf32, #tpu.memory_space<vmem>>
      %dma_start3A_139 = tpu.memref_squeeze %dma_start3A_138 : memref<1x64x512xf32, #tpu.memory_space<vmem>> -> memref<64x512xf32, #tpu.memory_space<vmem>>
      tpu.enqueue_dma source(%dma_start3A_139 : memref<64x512xf32, #tpu.memory_space<vmem>>) target(%dma_start3A_135 : memref<64x512xf32, #tpu.memory_space<hbm>>) target_semaphore(%arg11 : memref<!tpu.dma_semaphore, #tpu.memory_space<semaphore_mem>>)
      %add3A_140 = arith.constant 2 : i32
      %add3A_141 = arith.addi %add3A_104, %add3A_140 : i32
      %lt3A_142 = arith.constant 200 : i32
      %lt3A_143 = arith.cmpi slt, %add3A_141, %lt3A_142 : i32
      %convert_element_type3A_144 = arith.extui %lt3A_143 : i1 to i32
      %cond3A_145 = arith.constant 0 : i32
      %cond3A_146 = arith.cmpi ne, %convert_element_type3A_144, %cond3A_145 : i32
      scf.if %cond3A_146 {
        %add3A_147 = arith.constant 2 : i32
        %add3A_148 = arith.addi %add3A_104, %add3A_147 : i32
        %mul3A_149 = arith.constant 16384 : i32
        %mul3A_150 = arith.muli %add3A_148, %mul3A_149 : i32
        %add3A_151 = arith.addi %mul3A_150, %mul3A_2 : i32
        %dma_start3A_152 = arith.constant 1 : i32
        %dma_start3A_153 = arith.constant 0 : i32
        %dma_start3A_154 = tpu.memref_slice %arg6[%dma_start3A_152, %dma_start3A_153] : memref<2x512xi32, #tpu.memory_space<vmem>> -> memref<1x512xi32, #tpu.memory_space<vmem>>
        %dma_start3A_155 = tpu.memref_squeeze %dma_start3A_154 : memref<1x512xi32, #tpu.memory_space<vmem>> -> memref<512xi32, #tpu.memory_space<vmem>>
        %dma_start3A_156 = tpu.memref_slice %arg3[%add3A_151] : memref<3276800xi32, #tpu.memory_space<hbm>> -> memref<512xi32, #tpu.memory_space<hbm>>
        %dma_start3A_157 = arith.constant 0 : i32
        %dma_start3A_158 = tpu.memref_slice %arg6[%dma_start3A_152, %dma_start3A_157] : memref<2x512xi32, #tpu.memory_space<vmem>> -> memref<1x512xi32, #tpu.memory_space<vmem>>
        %dma_start3A_159 = tpu.memref_squeeze %dma_start3A_158 : memref<1x512xi32, #tpu.memory_space<vmem>> -> memref<512xi32, #tpu.memory_space<vmem>>
        %dma_start3A_160 = tpu.memref_slice %arg3[%add3A_151] : memref<3276800xi32, #tpu.memory_space<hbm>> -> memref<512xi32, #tpu.memory_space<hbm>>
        tpu.enqueue_dma source(%dma_start3A_160 : memref<512xi32, #tpu.memory_space<hbm>>) target(%dma_start3A_159 : memref<512xi32, #tpu.memory_space<vmem>>) target_semaphore(%arg9 : memref<!tpu.dma_semaphore, #tpu.memory_space<semaphore_mem>>)
      } else {
      }
    }
    %scan3A_28 = arith.constant 100 : i32
    %dma_wait3A = arith.constant 0 : i32
    %dma_wait3A_29 = arith.constant 0 : i32
    %dma_wait3A_30 = arith.constant 0 : i32
    %dma_wait3A_31 = arith.constant 0 : i32
    %dma_wait3A_32 = tpu.memref_slice %arg7[%dma_wait3A, %dma_wait3A_30, %dma_wait3A_31] : memref<2x64x512xf32, #tpu.memory_space<vmem>> -> memref<1x64x512xf32, #tpu.memory_space<vmem>>
    %dma_wait3A_33 = tpu.memref_squeeze %dma_wait3A_32 : memref<1x64x512xf32, #tpu.memory_space<vmem>> -> memref<64x512xf32, #tpu.memory_space<vmem>>
    %dma_wait3A_34 = arith.constant 0 : i32
    %dma_wait3A_35 = tpu.memref_slice %arg4[%dma_wait3A_29, %dma_wait3A_34, %mul3A_2] : memref<200x64x16384xf32, #tpu.memory_space<hbm>> -> memref<1x64x512xf32, #tpu.memory_space<hbm>>
    %dma_wait3A_36 = tpu.memref_squeeze %dma_wait3A_35 : memref<1x64x512xf32, #tpu.memory_space<hbm>> -> memref<64x512xf32, #tpu.memory_space<hbm>>
    %dma_wait3A_37 = arith.constant 0 : i32
    %dma_wait3A_38 = tpu.memref_slice %arg4[%dma_wait3A_29, %dma_wait3A_37, %mul3A_2] : memref<200x64x16384xf32, #tpu.memory_space<hbm>> -> memref<1x64x512xf32, #tpu.memory_space<hbm>>
    %dma_wait3A_39 = tpu.memref_squeeze %dma_wait3A_38 : memref<1x64x512xf32, #tpu.memory_space<hbm>> -> memref<64x512xf32, #tpu.memory_space<hbm>>
    %dma_wait3A_40 = arith.constant 0 : i32
    %dma_wait3A_41 = arith.constant 0 : i32
    %dma_wait3A_42 = tpu.memref_slice %arg7[%dma_wait3A, %dma_wait3A_40, %dma_wait3A_41] : memref<2x64x512xf32, #tpu.memory_space<vmem>> -> memref<1x64x512xf32, #tpu.memory_space<vmem>>
    %dma_wait3A_43 = tpu.memref_squeeze %dma_wait3A_42 : memref<1x64x512xf32, #tpu.memory_space<vmem>> -> memref<64x512xf32, #tpu.memory_space<vmem>>
    tpu.wait_dma2 semaphore(%arg10 : memref<!tpu.dma_semaphore, #tpu.memory_space<semaphore_mem>>) src(%dma_wait3A_43 : memref<64x512xf32, #tpu.memory_space<vmem>>) dst(%dma_wait3A_39 : memref<64x512xf32, #tpu.memory_space<hbm>>)
    %dma_wait3A_44 = arith.constant 1 : i32
    %dma_wait3A_45 = arith.constant 0 : i32
    %dma_wait3A_46 = arith.constant 0 : i32
    %dma_wait3A_47 = arith.constant 0 : i32
    %dma_wait3A_48 = tpu.memref_slice %arg7[%dma_wait3A_44, %dma_wait3A_46, %dma_wait3A_47] : memref<2x64x512xf32, #tpu.memory_space<vmem>> -> memref<1x64x512xf32, #tpu.memory_space<vmem>>
    %dma_wait3A_49 = tpu.memref_squeeze %dma_wait3A_48 : memref<1x64x512xf32, #tpu.memory_space<vmem>> -> memref<64x512xf32, #tpu.memory_space<vmem>>
    %dma_wait3A_50 = arith.constant 0 : i32
    %dma_wait3A_51 = tpu.memref_slice %arg4[%dma_wait3A_45, %dma_wait3A_50, %mul3A_2] : memref<200x64x16384xf32, #tpu.memory_space<hbm>> -> memref<1x64x512xf32, #tpu.memory_space<hbm>>
    %dma_wait3A_52 = tpu.memref_squeeze %dma_wait3A_51 : memref<1x64x512xf32, #tpu.memory_space<hbm>> -> memref<64x512xf32, #tpu.memory_space<hbm>>
    %dma_wait3A_53 = arith.constant 0 : i32
    %dma_wait3A_54 = tpu.memref_slice %arg4[%dma_wait3A_45, %dma_wait3A_53, %mul3A_2] : memref<200x64x16384xf32, #tpu.memory_space<hbm>> -> memref<1x64x512xf32, #tpu.memory_space<hbm>>
    %dma_wait3A_55 = tpu.memref_squeeze %dma_wait3A_54 : memref<1x64x512xf32, #tpu.memory_space<hbm>> -> memref<64x512xf32, #tpu.memory_space<hbm>>
    %dma_wait3A_56 = arith.constant 0 : i32
    %dma_wait3A_57 = arith.constant 0 : i32
    %dma_wait3A_58 = tpu.memref_slice %arg7[%dma_wait3A_44, %dma_wait3A_56, %dma_wait3A_57] : memref<2x64x512xf32, #tpu.memory_space<vmem>> -> memref<1x64x512xf32, #tpu.memory_space<vmem>>
    %dma_wait3A_59 = tpu.memref_squeeze %dma_wait3A_58 : memref<1x64x512xf32, #tpu.memory_space<vmem>> -> memref<64x512xf32, #tpu.memory_space<vmem>>
    tpu.wait_dma2 semaphore(%arg11 : memref<!tpu.dma_semaphore, #tpu.memory_space<semaphore_mem>>) src(%dma_wait3A_59 : memref<64x512xf32, #tpu.memory_space<vmem>>) dst(%dma_wait3A_55 : memref<64x512xf32, #tpu.memory_space<hbm>>)
    return
  }
}

</mosaic_0001>

<sc_bundles>
// kernel: kernel.3.cloned.1.call-start
scs
__scs_entry_jumppad:
0x0: {  	(pc) =	sbr.rel $0x88, $3  }
0x1: {  	(tag) =	ssettag $0x0;
	lr =	simm.s32 $0x1  }
0x2: {  	[smem:$0x3F9F] =	sst lr;
	_ =	strace $0xD0000000  }
0x3: {  	_ = 	snop  }
0x4: {  	_ = 	snop  }
0x5: {  	_ = 	snop  }
0x6: {  	_ = 	snop  }
0x7: {  	_ = 	snop  }
__scs_overlays_trampoline_lowered:
0x8: {  	[smem:$0x3FAE] =	sst s0  }
0x9: {  	[smem:$0x3FAF] =	sst s1  }
0xa: {  	[smem:$0x3FB0] =	sst s2  }
0xb: {  	[smem:$0x3FB1] =	sst s3  }
0xc: {  	[smem:$0x3FB2] =	sst s4  }
0xd: {  	[smem:$0x3FB3] =	sst s5  }
0xe: {  	[smem:$0x3FB4] =	sst s6  }
0xf: {  	[smem:$0x3FB5] =	sst s7  }
0x10: {  	[smem:$0x3FB6] =	sst s8  }
0x11: {  	[smem:$0x3FB7] =	sst s9;
	s0 =	simm.s32 @!p0 $0x0  }
0x12: {  	s1 =	sld [smem:$0x3F9D];
	s0 =	simm.s32 @p0 $0x1  }
0x13: {  	[smem:$0x3FB8] =	sst s0;
	s0 =	simm.s32 @!p1 $0x0  }
0x14: {  	s2 =	sld [smem:$0x3F9C];
	s0 =	simm.s32 @p1 $0x1  }
0x15: {  	[smem:$0x3FB9] =	sst s0;
	s0 =	simm.s32 @!p2 $0x0  }
0x16: {  	s3 =	sld [smem:$0x3FDB];
	s0 =	simm.s32 @p2 $0x1  }
0x17: {  	s4 =	simm.s32 $0x1BF5;
	[smem:$0x3FBB] =	sst s0  }
0x18: {  	s0 =	sld [smem:$0x3F9E];
	_ =	swait.ge [sflag:s4], $0x0  }
0x19: {  	s7 =	sld [smem:$0x3F9F]  }
0x1a: {  	s8 =	sadd.s32 $0xFFFFE003, lr  }
0x1b: {  	s9 =	sadd.s32 $0xFFFFFEF7, lr;
	s5 =	simm.s32 $0xFFFFFFFF;
	p2 =	slt.u32 s8, $0xFFFFF086  }
0x1c: {  	p1 =	slt.u32 s9, $0xF7A;
	s5 =	simm.s32 @!p2 $0x0  }
0x1d: {  	s5 =	simm.s32 @p1 $0x1;
	p0 =	seq.s32 s7, s2  }
0x1e: {  	s7 =	smul.u32 @!p0 $0xF7A, s2;
	p2 =	seq.s32 @!p0 s5, $0x0  }
0x1f: {  	s9 =	smul.u32 $0xF7A, s1;
	s8 =	simm.s32 @!p0 $0x1BF5;
	p2 =	por !p2, p0  }
0x20: {  	[sflag:s8] =	ssyncset.s32 @!p0 $0xFFFFF086;
	s6 =	sadd.s32 @!p0 s3, s7;
	s7 =	simm.s32 @!p0 $0x108  }
0x21: {  	s3 =	sadd.s32 s3, s9;
	s6 =	sadd.s32 @!p0 $0x88, s6;
	s7 =	simm.s32 @p2 $0x1082  }
0x22: {  	[simem:s7], [sflag:s8] =	dma.local @!p0 [hbm:s6], $0xF7A  }
0x23: {  	s9 =	sor.u32 $0xD0000000, s2;
	s6 =	simm.s32 $0x108;
	_ =	swait.ge @!p0 [sflag:s8], $0x0  }
0x24: {  	s3 =	sadd.s32 $0x88, s3;
	s6 =	simm.s32 @!p1 $0x1082;
	[sflag:s4] =	ssyncset.s32 $0xFFFFF086  }
0x25: {  	[simem:s6], [sflag:s4] =	dma.local [hbm:s3], $0xF7A  }
0x26: {  	[smem:$0x3F9F] =	sst s1;
	(tag) =	ssettag s2;
	_ =	strace s9  }
0x27: {  	s1 =	sld [smem:$0x3FAF]  }
0x28: {  	s2 =	sld [smem:$0x3FB0]  }
0x29: {  	s4 =	sld [smem:$0x3FB2]  }
0x2a: {  	p0 =	seq.s32 s5, $0x0;
	s5 =	sld [smem:$0x3FB3]  }
0x2b: {  	s6 =	sld [smem:$0x3FB4]  }
0x2c: {  	s7 =	sld [smem:$0x3FB5]  }
0x2d: {  	s3 =	simm.s32 $0x108;
	s8 =	sld [smem:$0x3FB6]  }
0x2e: {  	s3 =	simm.s32 @!p0 $0x1082;
	s9 =	sld [smem:$0x3FB7]  }
0x2f: {  	lr =	sadd.s32 s0, s3;
	s0 =	sld [smem:$0x3FAE]  }
0x30: {  	s3 =	sld [smem:$0x3FB1]  }
0x31: {  	[smem:$0x3FBA] =	sst s10  }
0x32: {  	s10 =	sld [smem:$0x3FB8];
	_ =	sdelay $0x3  }
0x33: {  	p0 =	seq.s32 s10, $0x1;
	s10 =	sld [smem:$0x3FBA];
	_ =	sdelay $0x3  }
0x34: {  	[smem:$0x3FBA] =	sst s10  }
0x35: {  	s10 =	sld [smem:$0x3FB9];
	_ =	sdelay $0x3  }
0x36: {  	p1 =	seq.s32 s10, $0x1;
	s10 =	sld [smem:$0x3FBA];
	_ =	sdelay $0x3  }
0x37: {  	[smem:$0x3FBA] =	sst s10  }
0x38: {  	s10 =	sld [smem:$0x3FBB]  }
0x39: {  	_ = 	snop;
	(pc) =	sbr.ind lr, $3  }
0x3a: {  	_ = 	snop  }
0x3b: {  	_ = 	snop  }
0x3c: {  	p2 =	seq.s32 s10, $0x1;
	s10 =	sld [smem:$0x3FBA]  }
0x3d: {  	_ =	shalt  }
0x3e: {  	_ =	shalt  }
0x3f: {  	_ =	shalt  }
0x40: {  	_ =	shalt  }
0x41: {  	_ =	shalt  }
0x42: {  	_ =	shalt  }
0x43: {  	_ =	shalt  }
0x44: {  	_ =	shalt  }
0x45: {  	_ =	shalt  }
0x46: {  	_ =	shalt  }
0x47: {  	_ =	shalt  }
0x48: {  	_ =	shalt  }
0x49: {  	_ =	shalt  }
0x4a: {  	_ =	shalt  }
0x4b: {  	_ =	shalt  }
0x4c: {  	_ =	shalt  }
0x4d: {  	_ =	shalt  }
0x4e: {  	_ =	shalt  }
0x4f: {  	_ =	shalt  }
0x50: {  	_ =	shalt  }
0x51: {  	_ =	shalt  }
0x52: {  	_ =	shalt  }
0x53: {  	_ =	shalt  }
0x54: {  	_ =	shalt  }
0x55: {  	_ =	shalt  }
0x56: {  	_ =	shalt  }
0x57: {  	_ =	shalt  }
0x58: {  	_ =	shalt  }
0x59: {  	_ =	shalt  }
0x5a: {  	_ =	shalt  }
0x5b: {  	_ =	shalt  }
0x5c: {  	_ =	shalt  }
0x5d: {  	_ =	shalt  }
0x5e: {  	_ =	shalt  }
0x5f: {  	_ =	shalt  }
0x60: {  	_ =	shalt  }
0x61: {  	_ =	shalt  }
0x62: {  	_ =	shalt  }
0x63: {  	_ =	shalt  }
0x64: {  	_ =	shalt  }
0x65: {  	_ =	shalt  }
0x66: {  	_ =	shalt  }
0x67: {  	_ =	shalt  }
0x68: {  	_ =	shalt  }
0x69: {  	_ =	shalt  }
0x6a: {  	_ =	shalt  }
0x6b: {  	_ =	shalt  }
0x6c: {  	_ =	shalt  }
0x6d: {  	_ =	shalt  }
0x6e: {  	_ =	shalt  }
0x6f: {  	_ =	shalt  }
0x70: {  	_ =	shalt  }
0x71: {  	_ =	shalt  }
0x72: {  	_ =	shalt  }
0x73: {  	_ =	shalt  }
0x74: {  	_ =	shalt  }
0x75: {  	_ =	shalt  }
0x76: {  	_ =	shalt  }
0x77: {  	_ =	shalt  }
0x78: {  	_ =	shalt  }
0x79: {  	_ =	shalt  }
0x7a: {  	_ =	shalt  }
0x7b: {  	_ =	shalt  }
0x7c: {  	_ =	shalt  }
0x7d: {  	_ =	shalt  }
0x7e: {  	_ =	shalt  }
0x7f: {  	_ =	shalt  }
0x80: {  	_ =	shalt  }
0x81: {  	_ =	shalt  }
0x82: {  	_ =	shalt  }
0x83: {  	_ =	shalt  }
0x84: {  	_ =	shalt  }
0x85: {  	_ =	shalt  }
0x86: {  	_ =	shalt  }
0x87: {  	_ =	shalt  }
.Lfunc_end0:
.L_simem_size_0:
called_computation_lowered:
.L_overlay_start_0:
0x88: {  	s2 =	sld [smem:$0x3FD9]  }
0x89: {  	s3 =	sld [smem:$0x3FFE];
	_ =	sdelay $0x1  }
0x8a: {  	s1 =	srdreg.scid  }
0x8b: {  	s0 =	sand.u32 $0x1, s1  }
0x8c: {  	s17 =	sshll.u32 s0, $0xA;
	s2 =	sadd.s32 s3, s2  }
0x8d: {  	s2 =	sadd.s32 s2, s17  }
0x8e: {  	[smem:$0x3FC6] =	sst s2  }
0x8f: {  	_ = 	snop  }
0x90: {  	s2 =	sld [smem:$0x3FD0];
	(tm) =	ssettm $0x1  }
0x91: {  	s18 =	sld [smem:$0x3FFB];
	_ =	sdelay $0x3  }
0x92: {  	_ =	strace s18  }
0x93: {  	s3 =	sld [smem:$0x3FFC];
	_ =	sdelay $0x3  }
0x94: {  	_ =	strace s3  }
0x95: {  	s3 =	sld [smem:$0x3FFD];
	_ =	sdelay $0x3  }
0x96: {  	_ =	strace s3  }
0x97: {  	_ =	strace $0x8FFFFFFF  }
0x98: {  	s19 =	sld [smem:$0x3FDB];
	_ =	sdelay $0x1  }
0x99: {  	s4 =	simm.s32 $_scs_section_size  }
0x9a: {  	s5 =	simm.s32 $_size__tile_overlayer_lowered;
	s6 =	simm.s32 $_tile_overlayer_lowered  }
0x9b: {  	s22 =	simm.s32 $0x1BFF;
	s21 =	sshll.u32 s6, $0x1;
	s3 =	sadd.s32 s4, s19  }
0x9c: {  	s7 =	simm.s32 $0x0;
	s20 =	sshll.u32 s5, $0x1;
	s5 =	sadd.s32 s21, s3  }
0x9d: {  	[timem:s7], [sflag:s22] =	dma.local [hbm:s5], s20  }
0x9e: {  	_ =	swait.ge [sflag:s22], s20  }
0x9f: {  	s4 =	ssub.s32 $0x0, s20;
	[sflag:s22] =	ssyncset.done $0x0  }
0xa0: {  	[sflag:s22] =	ssyncadd.s32 s4;
	_ =	sdelay $0x1  }
0xa1: {  	s23 =	simm.s32 $0x1B8B  }
0xa2: {  	_ =	swait.ge [sflag:s23], $0x1  }
0xa3: {  	[sflag:s23] =	ssyncset.done $0x0  }
0xa4: {  	s25 =	simm.s32 $0x1B8E;
	s24 =	sld [smem:$0x3FFE];
	[sflag:s23] =	ssyncadd.s32 $0xFFFFFFFF  }
0xa5: {  	s26 =	simm.s32 $execute0_lowered;
	[smem:$0x3FD2] =	sst s25  }
0xa6: {  	s5 =	sshll.u32 s26, $0x1;
	_ =	strace $0x80000046;
	[dreg:$0x1] =	wrdreg $0xFFFFFFFF  }
0xa7: {  	s28 =	simm.s32 $_size_execute0_lowered;
	s3 =	sadd.s32 s3, s5;
	[dreg:$0x0] =	wrdreg $0x0  }
0xa8: {  	s5 =	sshll.u32 s28, $0x1;
	[dreg:$0x2] =	wrdreg s3  }
0xa9: {  	[dreg:$0x3] =	wrdreg s5  }
0xaa: {  	[dreg:$0x4] =	wrdreg $0xC0  }
0xab: {  	_ =	task [dreg:s7], $0x5FFFF  }
0xac: {  	[dreg:$0x1] =	wrdreg $0xFFFFFFFF  }
0xad: {  	[dreg:$0x0] =	wrdreg $0x60  }
0xae: {  	[dreg:$0x2] =	wrdreg s24  }
0xaf: {  	[dreg:$0x3] =	wrdreg s2  }
0xb0: {  	[dreg:$0x4] =	wrdreg $0x9  }
0xb1: {  	_ =	task.clear_ibuf [dreg:s7], $0x5FFFF;
	_ =	strace $0x90000046  }
0xb2: {  	s29 =	simm.s32 $0x9;
	_ =	strace $0x80000048  }
0xb3: {  	_ =	swait.ge [sflag:s29], $0x1  }
0xb4: {  	[sflag:s29] =	ssyncadd.s32 $0xFFFFFFFF  }
0xb5: {  	_ =	strace $0x90000048  }
0xb6: {  	_ =	sfence  }
0xb7: {  	s30 =	sld [smem:$0x0];
	_ =	sdelay $0x2  }
0xb8: {  	s31 =	sshll.u32 s1, $0xD;
	s1 =	sshrl.u32 s1, $0x2  }
0xb9: {  	s3 =	sand.u32 $0x4000, s31;
	s1 =	sadd.s32 s1, s30  }
0xba: {  	s0 =	sor.u32 s3, s0;
	s1 =	sshll.u32 s1, $0x11  }
0xbb: {  	s0 =	sor.u32 s1, s0  }
0xbc: {  	s0 =	sadd.s32 $0x8F2B, s0  }
0xbd: {  	[sflag:s0] =	ssyncadd.remote.s32 $0x1  }
0xbe: {  	_ =	sfence.sel $0xFFFF  }
0xbf: {  	[dreg:$0x0] =	wrdreg $0xFFFFFFFF;
	(pc) =	sbr.abs _section_cstart, $3  }
0xc0: {  	[dreg:$0x1] =	wrdreg $0xFFFFFFFF  }
0xc1: {  	_ =	task.clear_ibuf [dreg:s7], $0x2FFFF;
	_ =	strace $0x9FFFFFFF  }
0xc2: {  	(tm) =	ssettm $0x7FFFFFFF  }
0xc3: {  	_ =	shalt  }
tec
execute0_lowered:
.L_overlay_start_1:
0x0: {  	(tag) =	ssettag $0x1  }
0x1: {  	s0 =	rddreg [dreg:$0x0]  }
0x2: {  	s4 =	rddreg [dreg:$0x1]  }
0x3: {  	s1 =	srdreg.scid;
	s2 =	stileid.u32;
	s19 =	simm.s32 $0x0  }
0x4: {  	s12 =	simm.s32 $0x200;
	s15 =	simm.s32 $0x400;
	s8 =	simm.s32 $0xA00  }
0x5: {  	s13 =	simm.s32 $0xE00;
	s14 =	simm.s32 $0x1000;
	s9 =	simm.s32 $0x1A00  }
0x6: {  	s10 =	simm.s32 $0x2400;
	s11 =	simm.s32 $0x2800;
	s28 =	simm.s32 $0x3000  }
0x7: {  	s29 =	simm.s32 $0x3200;
	s7 =	simm.s32 $0x0;
	s1 =	sand.u32 $0x1, s1  }
0x8: {  	s2 =	sshll.u32 s2, $0xA;
	[smem:$0x7FF] =	sst s19;
	s6 =	sadd.s32 $0x1400, s0  }
0x9: {  	s0 =	sadd.s32 $0x400, s0;
	_ =	strace $0x80000047;
	[dreg:$0x4] =	wrdreg s6  }
0xa: {  	s22 =	sadd.s32 $0x20000, s4;
	s4 =	simm.s32 $0x2600;
	[dreg:$0x6] =	wrdreg s0  }
0xb: {  	s3 =	sshll.u32 s1, $0x9;
	s1 =	ssub.s32 $0x2, s1;
	[dreg:$0xa] =	wrdreg s22  }
0xc: {  	s22 =	simm.s32 $0x800;
	s5 =	sor.u32 s3, s2;
	s16 =	sshrl.u32 s1, $0x1  }
0xd: {  	s3 =	simm.s32 $0x2E00;
	s2 =	sshrl.u32 s5, $0x3;
	s17 =	ssub.s32 s1, s16  }
0xe: {  	s20 =	sor.u32 $0x8000, s5;
	[dreg:$0x3] =	wrdreg s5;
	s21 =	sor.u32 $0xC000, s5  }
0xf: {  	s16 =	simm.s32 $0x1200;
	s5 =	simm.s32 $0x2A00;
	[dreg:$0x8] =	wrdreg s20  }
0x10: {  	s2 =	sadd.s32 s6, s2;
	[dreg:$0x9] =	wrdreg s21;
	s0 =	smax.u32 s17, $0x1  }
0x11: {  	s17 =	simm.s32 $0x600;
	s6 =	simm.s32 $0xC00;
	[dreg:$0xb] =	wrdreg s0  }
0x12: {  	s20 =	simm.s32 $0x1600;
	s23 =	sadd.s32 $0x10, s2;
	[dreg:$0x5] =	wrdreg s2  }
0x13: {  	s21 =	simm.s32 $0x1C00;
	s24 =	sadd.s32 $0x20, s2;
	[dreg:$0xc] =	wrdreg s23  }
0x14: {  	s18 =	sadd.s32 $0x800, s2;
	s25 =	sadd.s32 $0x30, s2;
	[dreg:$0xd] =	wrdreg s24  }
.Ltmp0:
0x15: {  	s2 =	simm.s32 $0x1800;
	[dreg:$0xe] =	wrdreg s25;
	(pc) =	sbr.rel .LBB2_1-.Ltmp0, $4  }
0x16: {  	s26 =	sadd.s32 $0x10, s18;
	s30 =	sadd.s32 $0x20, s18;
	[dreg:$0x7] =	wrdreg s18  }
0x17: {  	s31 =	sadd.s32 $0x30, s18;
	s18 =	simm.s32 $0x1400;
	[dreg:$0xf] =	wrdreg s26  }
0x18: {  	s23 =	simm.s32 $0x1E00;
	s24 =	simm.s32 $0x2000;
	[dreg:$0x10] =	wrdreg s30  }
0x19: {  	s25 =	simm.s32 $0x2200;
	[dreg:$0x11] =	wrdreg s31;
	s26 =	simm.s32 $0x2C00  }
.LBB2_12:
0x1a: {  	s0 =	simm.s32 $0x3  }
0x1b: {  	_ =	swait.ge [sflag:s0], $0x8000  }
0x1c: {  	[sflag:s0] =	ssyncset.done $0x0  }
0x1d: {  	s1 =	simm.s32 $0x4;
	[sflag:s0] =	ssyncadd.s32 $0xFFFF8000  }
0x1e: {  	_ =	swait.ge [sflag:s1], $0x8000  }
0x1f: {  	s7 =	rddreg [dreg:$0x12]  }
0x20: {  	s31 =	rddreg [dreg:$0xb];
	s7 =	sadd.s32 $0x1, s7  }
0x21: {  	p0 =	sne.s32 s7, s31  }
.Ltmp1:
0x22: {  	_ = 	snop;
	(pc) =	sbr.rel @!p0 .LBB2_13-.Ltmp1, $3  }
0x23: {  	_ =	sdelay $0x1  }
0x24: {  	[sflag:s1] =	ssyncset.done $0x0  }
0x25: {  	[sflag:s1] =	ssyncadd.s32 $0xFFFF8000  }
.LBB2_1:
0x26: {  	[dreg:$0x12] =	wrdreg s7  }
0x27: {  	s0 =	rddreg [dreg:$0x6];
	s7 =	simm.s32 $0x5  }
0x28: {  	[tilespmem:s19], [sflag:$0x5] =	stream.linear.gather [hbm4b:s0+s19], $0x8000, $0x38;
	[tilespmem:$0x18400] =	vst v63  }
0x29: {  	_ =	swait.ge [sflag:s7], $0x8000  }
0x2a: {  	[sflag:s7] =	ssyncset.done $0x0  }
0x2b: {  	s1 =	simm.s32 $0x8000;
	s30 =	rddreg [dreg:$0x5];
	[sflag:s7] =	ssyncadd.s32 $0xFFFF8000  }
0x2c: {  	[tilespmem:s1], [sflag:$0x1] =	stream.linear.gather [hbm4b:s30+s19], $0x80, $0x38;
	[tilespmem:$0x18400] =	vst v63  }
0x2d: {  	s7 =	rddreg [dreg:$0xc];
	s30 =	simm.s32 $0x8100  }
0x2e: {  	[tilespmem:s30], [sflag:$0x1] =	stream.linear.gather [hbm4b:s7+s19], $0x80, $0x38;
	[tilespmem:$0x18400] =	vst v63  }
0x2f: {  	s7 =	rddreg [dreg:$0xd];
	s30 =	simm.s32 $0x8200  }
0x30: {  	[tilespmem:s30], [sflag:$0x1] =	stream.linear.gather [hbm4b:s7+s19], $0x80, $0x38;
	[tilespmem:$0x18400] =	vst v63  }
0x31: {  	s7 =	rddreg [dreg:$0xe];
	s30 =	simm.s32 $0x8300  }
0x32: {  	[tilespmem:s30], [sflag:$0x1] =	stream.linear.gather [hbm4b:s7+s19], $0x80, $0x38;
	[tilespmem:$0x18400] =	vst v63  }
0x33: {  	s7 =	rddreg [dreg:$0x7];
	s30 =	simm.s32 $0x8080  }
0x34: {  	[tilespmem:s30], [sflag:$0x2] =	stream.linear.gather [hbm4b:s7+s19], $0x80, $0x38;
	[tilespmem:$0x18400] =	vst v63  }
0x35: {  	s7 =	rddreg [dreg:$0xf];
	s30 =	simm.s32 $0x8180  }
0x36: {  	[tilespmem:s30], [sflag:$0x2] =	stream.linear.gather [hbm4b:s7+s19], $0x80, $0x38;
	[tilespmem:$0x18400] =	vst v63  }
0x37: {  	s7 =	rddreg [dreg:$0x10];
	s30 =	simm.s32 $0x8280  }
0x38: {  	[tilespmem:s30], [sflag:$0x2] =	stream.linear.gather [hbm4b:s7+s19], $0x80, $0x38;
	[tilespmem:$0x18400] =	vst v63  }
0x39: {  	s31 =	simm.s32 $0x0;
	s7 =	rddreg [dreg:$0x11];
	s30 =	simm.s32 $0x8380  }
0x3a: {  	[tilespmem:s30], [sflag:$0x2] =	stream.linear.gather [hbm4b:s7+s19], $0x80, $0x38;
	[tilespmem:$0x18400] =	vst v63  }
.LBB2_2:
0x3b: {  	[dreg:$0x13] =	wrdreg s31;
	s0 =	simm.s32 $0x1  }
0x3c: {  	_ =	swait.ge [sflag:s0], $0x200  }
0x3d: {  	p0 =	seq.s32 s31, $0x0;
	[sflag:s0] =	ssyncset.done $0x0  }
0x3e: {  	s31 =	simm.s32 $0x0;
	[sflag:s0] =	ssyncadd.s32 $0xFFFFFE00;
	s0 =	simm.s32 @!p0 $0x3  }
0x3f: {  	s1 =	sand.u32 $0xC00, s31;
	s30 =	simm.s32 @!p0 $0x3;
	_ =	swait.ge @!p0 [sflag:s0], $0x8000  }
0x40: {  	s7 =	sand.u32 $0x70, s31;
	[sflag:s0] =	ssyncset.done @!p0 $0x0;
	s0 =	sshrl.u32 s1, $0x2  }
0x41: {  	[sflag:s30] =	ssyncadd.s32 @!p0 $0xFFFF8000;
	s0 =	sor.u32 s7, s0  }
0x42: {  	v0 =	vld [tilespmem:s0+$0x8000];
	_ =	sdelay $0x7  }
0x43: {  	v1 =	vld.idx.msk [tilespmem:v0+s19+$0x0], $0xffff  }
0x44: {  	v2 =	vld.idx.msk [tilespmem:v0+s12+$0x0], $0xffff  }
0x45: {  	v3 =	vld.idx.msk [tilespmem:v0+s15+$0x0], $0xffff  }
0x46: {  	v4 =	vld.idx.msk [tilespmem:v0+s17+$0x0], $0xffff  }
0x47: {  	v5 =	vld.idx.msk [tilespmem:v0+s22+$0x0], $0xffff  }
0x48: {  	s0 =	sor.u32 s7, s1;
	v6 =	vld.idx.msk [tilespmem:v0+s8+$0x0], $0xffff  }
0x49: {  	v7 =	vld.idx.msk [tilespmem:v0+s6+$0x0], $0xffff;
	[tilespmem:s0+$0x8400] =	vst v1  }
0x4a: {  	v1 =	vld.idx.msk [tilespmem:v0+s13+$0x0], $0xffff;
	[tilespmem:s0+$0x8480] =	vst v2  }
0x4b: {  	v2 =	vld.idx.msk [tilespmem:v0+s14+$0x0], $0xffff;
	[tilespmem:s0+$0x8500] =	vst v3  }
0x4c: {  	v3 =	vld.idx.msk [tilespmem:v0+s16+$0x0], $0xffff;
	[tilespmem:s0+$0x8580] =	vst v4  }
0x4d: {  	v4 =	vld.idx.msk [tilespmem:v0+s18+$0x0], $0xffff;
	[tilespmem:s0+$0x8600] =	vst v5  }
0x4e: {  	v5 =	vld.idx.msk [tilespmem:v0+s20+$0x0], $0xffff;
	[tilespmem:s0+$0x8680] =	vst v6  }
0x4f: {  	v6 =	vld.idx.msk [tilespmem:v0+s2+$0x0], $0xffff;
	[tilespmem:s0+$0x8700] =	vst v7  }
0x50: {  	v7 =	vld.idx.msk [tilespmem:v0+s9+$0x0], $0xffff;
	[tilespmem:s0+$0x8780] =	vst v1  }
0x51: {  	v1 =	vld.idx.msk [tilespmem:v0+s21+$0x0], $0xffff;
	[tilespmem:s0+$0x9400] =	vst v2  }
0x52: {  	v2 =	vld.idx.msk [tilespmem:v0+s23+$0x0], $0xffff;
	[tilespmem:s0+$0x9480] =	vst v3  }
0x53: {  	v3 =	vld.idx.msk [tilespmem:v0+s24+$0x0], $0xffff;
	[tilespmem:s0+$0x9500] =	vst v4  }
0x54: {  	v4 =	vld.idx.msk [tilespmem:v0+s25+$0x0], $0xffff;
	[tilespmem:s0+$0x9580] =	vst v5  }
0x55: {  	v5 =	vld.idx.msk [tilespmem:v0+s10+$0x0], $0xffff;
	[tilespmem:s0+$0x9600] =	vst v6  }
0x56: {  	v6 =	vld.idx.msk [tilespmem:v0+s4+$0x0], $0xffff;
	[tilespmem:s0+$0x9680] =	vst v7  }
0x57: {  	v7 =	vld.idx.msk [tilespmem:v0+s11+$0x0], $0xffff;
	[tilespmem:s0+$0x9700] =	vst v1  }
0x58: {  	v1 =	vld.idx.msk [tilespmem:v0+s5+$0x0], $0xffff;
	[tilespmem:s0+$0x9780] =	vst v2  }
0x59: {  	v2 =	vld.idx.msk [tilespmem:v0+s26+$0x0], $0xffff;
	[tilespmem:s0+$0xA400] =	vst v3  }
0x5a: {  	v3 =	vld.idx.msk [tilespmem:v0+s3+$0x0], $0xffff;
	[tilespmem:s0+$0xA480] =	vst v4  }
0x5b: {  	v4 =	vld.idx.msk [tilespmem:v0+s28+$0x0], $0xffff;
	[tilespmem:s0+$0xA500] =	vst v5  }
0x5c: {  	s15 =	simm.s32 $0x3400;
	v5 =	vld.idx.msk [tilespmem:v0+s29+$0x0], $0xffff;
	[tilespmem:s0+$0xA580] =	vst v6  }
0x5d: {  	s16 =	simm.s32 $0x3600;
	v6 =	vld.idx.msk [tilespmem:v0+s15+$0x0], $0xffff;
	[tilespmem:s0+$0xA600] =	vst v7  }
0x5e: {  	s17 =	simm.s32 $0x3800;
	v7 =	vld.idx.msk [tilespmem:v0+s16+$0x0], $0xffff;
	[tilespmem:s0+$0xA680] =	vst v1  }
0x5f: {  	s18 =	simm.s32 $0x3A00;
	v1 =	vld.idx.msk [tilespmem:v0+s17+$0x0], $0xffff;
	[tilespmem:s0+$0xA700] =	vst v2  }
0x60: {  	s19 =	simm.s32 $0x3C00;
	v2 =	vld.idx.msk [tilespmem:v0+s18+$0x0], $0xffff;
	[tilespmem:s0+$0xA780] =	vst v3  }
0x61: {  	s20 =	simm.s32 $0x3E00;
	v3 =	vld.idx.msk [tilespmem:v0+s19+$0x0], $0xffff;
	[tilespmem:s0+$0xB400] =	vst v4  }
0x62: {  	s21 =	simm.s32 $0x4000;
	v4 =	vld.idx.msk [tilespmem:v0+s20+$0x0], $0xffff;
	[tilespmem:s0+$0xB480] =	vst v5  }
0x63: {  	s22 =	simm.s32 $0x4200;
	v5 =	vld.idx.msk [tilespmem:v0+s21+$0x0], $0xffff;
	[tilespmem:s0+$0xB500] =	vst v6  }
0x64: {  	s23 =	simm.s32 $0x4400;
	v6 =	vld.idx.msk [tilespmem:v0+s22+$0x0], $0xffff;
	[tilespmem:s0+$0xB580] =	vst v7  }
0x65: {  	s24 =	simm.s32 $0x4600;
	v7 =	vld.idx.msk [tilespmem:v0+s23+$0x0], $0xffff;
	[tilespmem:s0+$0xB600] =	vst v1  }
0x66: {  	s25 =	simm.s32 $0x4800;
	v1 =	vld.idx.msk [tilespmem:v0+s24+$0x0], $0xffff;
	[tilespmem:s0+$0xB680] =	vst v2  }
0x67: {  	s26 =	simm.s32 $0x4A00;
	v2 =	vld.idx.msk [tilespmem:v0+s25+$0x0], $0xffff;
	[tilespmem:s0+$0xB700] =	vst v3  }
0x68: {  	s2 =	simm.s32 $0x4C00;
	v3 =	vld.idx.msk [tilespmem:v0+s26+$0x0], $0xffff;
	[tilespmem:s0+$0xB780] =	vst v4  }
0x69: {  	s3 =	simm.s32 $0x4E00;
	v4 =	vld.idx.msk [tilespmem:v0+s2+$0x0], $0xffff;
	[tilespmem:s0+$0xC400] =	vst v5  }
0x6a: {  	s4 =	simm.s32 $0x5000;
	v5 =	vld.idx.msk [tilespmem:v0+s3+$0x0], $0xffff;
	[tilespmem:s0+$0xC480] =	vst v6  }
0x6b: {  	s5 =	simm.s32 $0x5200;
	v6 =	vld.idx.msk [tilespmem:v0+s4+$0x0], $0xffff;
	[tilespmem:s0+$0xC500] =	vst v7  }
0x6c: {  	s6 =	simm.s32 $0x5400;
	v7 =	vld.idx.msk [tilespmem:v0+s5+$0x0], $0xffff;
	[tilespmem:s0+$0xC580] =	vst v1  }
0x6d: {  	s7 =	simm.s32 $0x5600;
	v1 =	vld.idx.msk [tilespmem:v0+s6+$0x0], $0xffff;
	[tilespmem:s0+$0xC600] =	vst v2  }
0x6e: {  	s8 =	simm.s32 $0x5800;
	v2 =	vld.idx.msk [tilespmem:v0+s7+$0x0], $0xffff;
	[tilespmem:s0+$0xC680] =	vst v3  }
0x6f: {  	s9 =	simm.s32 $0x5A00;
	v3 =	vld.idx.msk [tilespmem:v0+s8+$0x0], $0xffff;
	[tilespmem:s0+$0xC700] =	vst v4  }
0x70: {  	s10 =	simm.s32 $0x5C00;
	v4 =	vld.idx.msk [tilespmem:v0+s9+$0x0], $0xffff;
	[tilespmem:s0+$0xC780] =	vst v5  }
0x71: {  	s11 =	simm.s32 $0x5E00;
	v5 =	vld.idx.msk [tilespmem:v0+s10+$0x0], $0xffff;
	[tilespmem:s0+$0xD400] =	vst v6  }
0x72: {  	s12 =	simm.s32 $0x6000;
	v6 =	vld.idx.msk [tilespmem:v0+s11+$0x0], $0xffff;
	[tilespmem:s0+$0xD480] =	vst v7  }
0x73: {  	s30 =	simm.s32 $0x1000;
	s13 =	simm.s32 $0x6200;
	s14 =	simm.s32 $0x6400;
	v7 =	vld.idx.msk [tilespmem:v0+s12+$0x0], $0xffff;
	[tilespmem:s0+$0xD500] =	vst v1  }
0x74: {  	s28 =	simm.s32 $0x2200;
	s29 =	simm.s32 $0x2C00;
	s15 =	simm.s32 $0x6600;
	v1 =	vld.idx.msk [tilespmem:v0+s13+$0x0], $0xffff;
	[tilespmem:s0+$0xD580] =	vst v2  }
0x75: {  	s16 =	simm.s32 $0x6800;
	s17 =	simm.s32 $0x6A00;
	s18 =	simm.s32 $0x6C00;
	v2 =	vld.idx.msk [tilespmem:v0+s14+$0x0], $0xffff;
	[tilespmem:s0+$0xD600] =	vst v3  }
0x76: {  	s19 =	simm.s32 $0x6E00;
	s20 =	simm.s32 $0x7000;
	s21 =	simm.s32 $0x7200;
	v3 =	vld.idx.msk [tilespmem:v0+s15+$0x0], $0xffff;
	[tilespmem:s0+$0xD680] =	vst v4  }
0x77: {  	s22 =	simm.s32 $0x7400;
	s23 =	simm.s32 $0x7600;
	s26 =	rddreg [dreg:$0x13];
	v4 =	vld.idx.msk [tilespmem:v0+s16+$0x0], $0xffff;
	[tilespmem:s0+$0xD700] =	vst v5  }
0x78: {  	s24 =	simm.s32 $0x7800;
	s25 =	simm.s32 $0x7A00;
	s1 =	sshll.u32 s26, $0xF;
	v5 =	vld.idx.msk [tilespmem:v0+s17+$0x0], $0xffff;
	[tilespmem:s0+$0xD780] =	vst v6  }
0x79: {  	s2 =	simm.s32 $0x1800;
	s26 =	simm.s32 $0x800;
	[dreg:$0x14] =	wrdreg s1;
	v6 =	vld.idx.msk [tilespmem:v0+s18+$0x0], $0xffff;
	[tilespmem:s0+$0xE400] =	vst v7  }
0x7a: {  	s1 =	simm.s32 $0x80;
	s3 =	simm.s32 $0x7E00;
	s4 =	simm.s32 $0x2600;
	v7 =	vld.idx.msk [tilespmem:v0+s19+$0x0], $0xffff;
	[tilespmem:s0+$0xE480] =	vst v1  }
0x7b: {  	s5 =	simm.s32 $0x2A00;
	s6 =	simm.s32 $0xC00;
	s7 =	simm.s32 $0x100;
	v1 =	vld.idx.msk [tilespmem:v0+s20+$0x0], $0xffff;
	[tilespmem:s0+$0xE500] =	vst v2  }
0x7c: {  	s8 =	simm.s32 $0xA00;
	s9 =	simm.s32 $0x1A00;
	s10 =	simm.s32 $0x2400;
	v2 =	vld.idx.msk [tilespmem:v0+s21+$0x0], $0xffff;
	[tilespmem:s0+$0xE580] =	vst v3  }
0x7d: {  	s11 =	simm.s32 $0x2800;
	s13 =	simm.s32 $0xE00;
	s14 =	simm.s32 $0x7C00;
	v3 =	vld.idx.msk [tilespmem:v0+s22+$0x0], $0xffff;
	[tilespmem:s0+$0xE600] =	vst v4  }
0x7e: {  	s16 =	simm.s32 $0x1200;
	s17 =	simm.s32 $0x200;
	s18 =	simm.s32 $0x1400;
	v4 =	vld.idx.msk [tilespmem:v0+s23+$0x0], $0xffff;
	[tilespmem:s0+$0xE680] =	vst v5  }
0x7f: {  	s20 =	simm.s32 $0x1600;
	s21 =	simm.s32 $0x1C00;
	s22 =	simm.s32 $0x400;
	v5 =	vld.idx.msk [tilespmem:v0+s24+$0x0], $0xffff;
	[tilespmem:s0+$0xE700] =	vst v6  }
0x80: {  	s23 =	simm.s32 $0x1E00;
	s24 =	simm.s32 $0x600;
	v6 =	vld.idx.msk [tilespmem:v0+s25+$0x0], $0xffff;
	[tilespmem:s0+$0xE780] =	vst v7;
	s25 =	simm.s32 $0x2000  }
.LBB2_3:
0x81: {  	p1 =	sne.s32 s7, $0xF80;
	v7 =	vld.idx.msk [tilespmem:v0+s14+$0x0], $0xffff;
	[tilespmem:s0+$0xF400] =	vst v1  }
0x82: {  	v0 =	vld.idx.msk [tilespmem:v0+s3+$0x0], $0xffff;
	[tilespmem:s0+$0xF480] =	vst v2  }
0x83: {  	[tilespmem:s0+$0xF500] =	vst v3  }
0x84: {  	[tilespmem:s0+$0xF580] =	vst v4  }
0x85: {  	[tilespmem:s0+$0xF600] =	vst v5  }
0x86: {  	s12 =	sand.u32 $0xC00, s1;
	s31 =	sadd.s32 $0x10, s31;
	s1 =	smov.u32 s7;
	[tilespmem:s0+$0xF680] =	vst v6  }
0x87: {  	s15 =	sand.u32 $0x70, s31;
	s19 =	sshrl.u32 s12, $0x2;
	[tilespmem:s0+$0xF700] =	vst v7  }
0x88: {  	s19 =	sor.u32 s15, s19;
	[tilespmem:s0+$0xF780] =	vst v0  }
0x89: {  	v0 =	vld [tilespmem:s19+$0x8000];
	s19 =	simm.s32 $0x0;
	_ =	sdelay $0x7  }
0x8a: {  	v1 =	vld.idx.msk [tilespmem:v0+s19+$0x0], $0xffff  }
0x8b: {  	v2 =	vld.idx.msk [tilespmem:v0+s17+$0x0], $0xffff  }
0x8c: {  	v3 =	vld.idx.msk [tilespmem:v0+s22+$0x0], $0xffff  }
0x8d: {  	v4 =	vld.idx.msk [tilespmem:v0+s24+$0x0], $0xffff  }
0x8e: {  	v5 =	vld.idx.msk [tilespmem:v0+s26+$0x0], $0xffff  }
0x8f: {  	s0 =	sor.u32 s15, s12;
	s15 =	simm.s32 $0x3600;
	v6 =	vld.idx.msk [tilespmem:v0+s8+$0x0], $0xffff  }
0x90: {  	v7 =	vld.idx.msk [tilespmem:v0+s6+$0x0], $0xffff;
	[tilespmem:s0+$0x8400] =	vst v1  }
0x91: {  	v1 =	vld.idx.msk [tilespmem:v0+s13+$0x0], $0xffff;
	[tilespmem:s0+$0x8480] =	vst v2  }
0x92: {  	v2 =	vld.idx.msk [tilespmem:v0+s30+$0x0], $0xffff;
	[tilespmem:s0+$0x8500] =	vst v3  }
0x93: {  	v3 =	vld.idx.msk [tilespmem:v0+s16+$0x0], $0xffff;
	[tilespmem:s0+$0x8580] =	vst v4  }
0x94: {  	v4 =	vld.idx.msk [tilespmem:v0+s18+$0x0], $0xffff;
	[tilespmem:s0+$0x8600] =	vst v5  }
0x95: {  	v5 =	vld.idx.msk [tilespmem:v0+s20+$0x0], $0xffff;
	[tilespmem:s0+$0x8680] =	vst v6  }
0x96: {  	v6 =	vld.idx.msk [tilespmem:v0+s2+$0x0], $0xffff;
	[tilespmem:s0+$0x8700] =	vst v7  }
0x97: {  	v7 =	vld.idx.msk [tilespmem:v0+s9+$0x0], $0xffff;
	[tilespmem:s0+$0x8780] =	vst v1  }
0x98: {  	v1 =	vld.idx.msk [tilespmem:v0+s21+$0x0], $0xffff;
	[tilespmem:s0+$0x9400] =	vst v2  }
0x99: {  	v2 =	vld.idx.msk [tilespmem:v0+s23+$0x0], $0xffff;
	[tilespmem:s0+$0x9480] =	vst v3  }
0x9a: {  	v3 =	vld.idx.msk [tilespmem:v0+s25+$0x0], $0xffff;
	[tilespmem:s0+$0x9500] =	vst v4  }
0x9b: {  	v4 =	vld.idx.msk [tilespmem:v0+s28+$0x0], $0xffff;
	[tilespmem:s0+$0x9580] =	vst v5  }
0x9c: {  	v5 =	vld.idx.msk [tilespmem:v0+s10+$0x0], $0xffff;
	[tilespmem:s0+$0x9600] =	vst v6  }
0x9d: {  	v6 =	vld.idx.msk [tilespmem:v0+s4+$0x0], $0xffff;
	[tilespmem:s0+$0x9680] =	vst v7  }
0x9e: {  	v7 =	vld.idx.msk [tilespmem:v0+s11+$0x0], $0xffff;
	[tilespmem:s0+$0x9700] =	vst v1  }
0x9f: {  	v1 =	vld.idx.msk [tilespmem:v0+s5+$0x0], $0xffff;
	[tilespmem:s0+$0x9780] =	vst v2  }
0xa0: {  	s12 =	simm.s32 $0x2E00;
	v2 =	vld.idx.msk [tilespmem:v0+s29+$0x0], $0xffff;
	[tilespmem:s0+$0xA400] =	vst v3  }
0xa1: {  	v3 =	vld.idx.msk [tilespmem:v0+s12+$0x0], $0xffff;
	[tilespmem:s0+$0xA480] =	vst v4;
	s12 =	simm.s32 $0x3000  }
0xa2: {  	v4 =	vld.idx.msk [tilespmem:v0+s12+$0x0], $0xffff;
	[tilespmem:s0+$0xA500] =	vst v5;
	s12 =	simm.s32 $0x3200  }
0xa3: {  	v5 =	vld.idx.msk [tilespmem:v0+s12+$0x0], $0xffff;
	[tilespmem:s0+$0xA580] =	vst v6;
	s12 =	simm.s32 $0x3400  }
0xa4: {  	v6 =	vld.idx.msk [tilespmem:v0+s12+$0x0], $0xffff;
	[tilespmem:s0+$0xA600] =	vst v7  }
0xa5: {  	s12 =	simm.s32 $0x3800;
	v7 =	vld.idx.msk [tilespmem:v0+s15+$0x0], $0xffff;
	[tilespmem:s0+$0xA680] =	vst v1  }
0xa6: {  	v1 =	vld.idx.msk [tilespmem:v0+s12+$0x0], $0xffff;
	[tilespmem:s0+$0xA700] =	vst v2;
	s12 =	simm.s32 $0x3A00  }
0xa7: {  	v2 =	vld.idx.msk [tilespmem:v0+s12+$0x0], $0xffff;
	[tilespmem:s0+$0xA780] =	vst v3;
	s12 =	simm.s32 $0x3C00  }
0xa8: {  	v3 =	vld.idx.msk [tilespmem:v0+s12+$0x0], $0xffff;
	[tilespmem:s0+$0xB400] =	vst v4;
	s12 =	simm.s32 $0x3E00  }
0xa9: {  	v4 =	vld.idx.msk [tilespmem:v0+s12+$0x0], $0xffff;
	[tilespmem:s0+$0xB480] =	vst v5;
	s12 =	simm.s32 $0x4000  }
0xaa: {  	v5 =	vld.idx.msk [tilespmem:v0+s12+$0x0], $0xffff;
	[tilespmem:s0+$0xB500] =	vst v6;
	s12 =	simm.s32 $0x4200  }
0xab: {  	v6 =	vld.idx.msk [tilespmem:v0+s12+$0x0], $0xffff;
	[tilespmem:s0+$0xB580] =	vst v7;
	s12 =	simm.s32 $0x4400  }
0xac: {  	v7 =	vld.idx.msk [tilespmem:v0+s12+$0x0], $0xffff;
	[tilespmem:s0+$0xB600] =	vst v1;
	s12 =	simm.s32 $0x4600  }
0xad: {  	v1 =	vld.idx.msk [tilespmem:v0+s12+$0x0], $0xffff;
	[tilespmem:s0+$0xB680] =	vst v2;
	s12 =	simm.s32 $0x4800  }
0xae: {  	v2 =	vld.idx.msk [tilespmem:v0+s12+$0x0], $0xffff;
	[tilespmem:s0+$0xB700] =	vst v3;
	s12 =	simm.s32 $0x4A00  }
0xaf: {  	v3 =	vld.idx.msk [tilespmem:v0+s12+$0x0], $0xffff;
	[tilespmem:s0+$0xB780] =	vst v4;
	s12 =	simm.s32 $0x4C00  }
0xb0: {  	v4 =	vld.idx.msk [tilespmem:v0+s12+$0x0], $0xffff;
	[tilespmem:s0+$0xC400] =	vst v5;
	s12 =	simm.s32 $0x4E00  }
0xb1: {  	v5 =	vld.idx.msk [tilespmem:v0+s12+$0x0], $0xffff;
	[tilespmem:s0+$0xC480] =	vst v6;
	s12 =	simm.s32 $0x5000  }
0xb2: {  	v6 =	vld.idx.msk [tilespmem:v0+s12+$0x0], $0xffff;
	[tilespmem:s0+$0xC500] =	vst v7;
	s12 =	simm.s32 $0x5200  }
0xb3: {  	v7 =	vld.idx.msk [tilespmem:v0+s12+$0x0], $0xffff;
	[tilespmem:s0+$0xC580] =	vst v1;
	s12 =	simm.s32 $0x5400  }
0xb4: {  	v1 =	vld.idx.msk [tilespmem:v0+s12+$0x0], $0xffff;
	[tilespmem:s0+$0xC600] =	vst v2;
	s12 =	simm.s32 $0x5600  }
0xb5: {  	v2 =	vld.idx.msk [tilespmem:v0+s12+$0x0], $0xffff;
	[tilespmem:s0+$0xC680] =	vst v3;
	s12 =	simm.s32 $0x5800  }
0xb6: {  	v3 =	vld.idx.msk [tilespmem:v0+s12+$0x0], $0xffff;
	[tilespmem:s0+$0xC700] =	vst v4;
	s12 =	simm.s32 $0x5A00  }
0xb7: {  	v4 =	vld.idx.msk [tilespmem:v0+s12+$0x0], $0xffff;
	[tilespmem:s0+$0xC780] =	vst v5;
	s12 =	simm.s32 $0x5C00  }
0xb8: {  	v5 =	vld.idx.msk [tilespmem:v0+s12+$0x0], $0xffff;
	[tilespmem:s0+$0xD400] =	vst v6;
	s12 =	simm.s32 $0x5E00  }
0xb9: {  	v6 =	vld.idx.msk [tilespmem:v0+s12+$0x0], $0xffff;
	[tilespmem:s0+$0xD480] =	vst v7;
	s12 =	simm.s32 $0x6000  }
0xba: {  	v7 =	vld.idx.msk [tilespmem:v0+s12+$0x0], $0xffff;
	[tilespmem:s0+$0xD500] =	vst v1;
	s12 =	simm.s32 $0x6200  }
0xbb: {  	v1 =	vld.idx.msk [tilespmem:v0+s12+$0x0], $0xffff;
	[tilespmem:s0+$0xD580] =	vst v2;
	s12 =	simm.s32 $0x6400  }
0xbc: {  	v2 =	vld.idx.msk [tilespmem:v0+s12+$0x0], $0xffff;
	[tilespmem:s0+$0xD600] =	vst v3;
	s12 =	simm.s32 $0x6600  }
0xbd: {  	v3 =	vld.idx.msk [tilespmem:v0+s12+$0x0], $0xffff;
	[tilespmem:s0+$0xD680] =	vst v4;
	s12 =	simm.s32 $0x6800  }
0xbe: {  	v4 =	vld.idx.msk [tilespmem:v0+s12+$0x0], $0xffff;
	[tilespmem:s0+$0xD700] =	vst v5;
	s12 =	simm.s32 $0x6A00  }
0xbf: {  	v5 =	vld.idx.msk [tilespmem:v0+s12+$0x0], $0xffff;
	[tilespmem:s0+$0xD780] =	vst v6;
	s12 =	simm.s32 $0x6C00  }
0xc0: {  	v6 =	vld.idx.msk [tilespmem:v0+s12+$0x0], $0xffff;
	[tilespmem:s0+$0xE400] =	vst v7;
	s12 =	simm.s32 $0x6E00  }
0xc1: {  	v7 =	vld.idx.msk [tilespmem:v0+s12+$0x0], $0xffff;
	[tilespmem:s0+$0xE480] =	vst v1;
	s12 =	simm.s32 $0x7000  }
0xc2: {  	v1 =	vld.idx.msk [tilespmem:v0+s12+$0x0], $0xffff;
	[tilespmem:s0+$0xE500] =	vst v2;
	s12 =	simm.s32 $0x7200  }
.Ltmp2:
0xc3: {  	v2 =	vld.idx.msk [tilespmem:v0+s12+$0x0], $0xffff;
	[tilespmem:s0+$0xE580] =	vst v3;
	s12 =	simm.s32 $0x7400;
	(pc) =	sbr.rel @p1 .LBB2_3-.Ltmp2, $4  }
0xc4: {  	v3 =	vld.idx.msk [tilespmem:v0+s12+$0x0], $0xffff;
	[tilespmem:s0+$0xE600] =	vst v4;
	s12 =	simm.s32 $0x7600  }
0xc5: {  	v4 =	vld.idx.msk [tilespmem:v0+s12+$0x0], $0xffff;
	[tilespmem:s0+$0xE680] =	vst v5;
	s12 =	simm.s32 $0x7800  }
0xc6: {  	v5 =	vld.idx.msk [tilespmem:v0+s12+$0x0], $0xffff;
	[tilespmem:s0+$0xE700] =	vst v6;
	s12 =	simm.s32 $0x7A00  }
0xc7: {  	s7 =	sadd.s32 $0x80, s7;
	v6 =	vld.idx.msk [tilespmem:v0+s12+$0x0], $0xffff;
	[tilespmem:s0+$0xE780] =	vst v7  }
0xc8: {  	_ =	sdelay $0x2  }
0xc9: {  	s14 =	simm.s32 $0x7C00  }
0xca: {  	s3 =	simm.s32 $0x7E00;
	v7 =	vld.idx.msk [tilespmem:v0+s14+$0x0], $0xffff;
	[tilespmem:s0+$0xF400] =	vst v1  }
0xcb: {  	v63 =	vld.idx.msk [tilespmem:v0+s3+$0x0], $0xffff;
	[tilespmem:s0+$0xF480] =	vst v2  }
0xcc: {  	[tilespmem:s0+$0xF500] =	vst v3  }
0xcd: {  	[tilespmem:s0+$0xF580] =	vst v4  }
0xce: {  	[tilespmem:s0+$0xF600] =	vst v5  }
0xcf: {  	s1 =	sand.u32 $0xC00, s1;
	s7 =	sadd.s32 $0x10, s31;
	[tilespmem:s0+$0xF680] =	vst v6  }
0xd0: {  	s7 =	sand.u32 $0x70, s7;
	s12 =	sshrl.u32 s1, $0x2;
	[tilespmem:s0+$0xF700] =	vst v7  }
0xd1: {  	s31 =	sor.u32 s7, s12;
	[tilespmem:s0+$0xF780] =	vst v63  }
0xd2: {  	v0 =	vld [tilespmem:s31+$0x8000];
	_ =	sdelay $0x7  }
0xd3: {  	v1 =	vld.idx.msk [tilespmem:v0+s19+$0x0], $0xffff  }
0xd4: {  	v2 =	vld.idx.msk [tilespmem:v0+s17+$0x0], $0xffff  }
0xd5: {  	v3 =	vld.idx.msk [tilespmem:v0+s22+$0x0], $0xffff  }
0xd6: {  	v4 =	vld.idx.msk [tilespmem:v0+s24+$0x0], $0xffff  }
0xd7: {  	v5 =	vld.idx.msk [tilespmem:v0+s26+$0x0], $0xffff  }
0xd8: {  	s0 =	sor.u32 s7, s1;
	v6 =	vld.idx.msk [tilespmem:v0+s8+$0x0], $0xffff  }
0xd9: {  	v7 =	vld.idx.msk [tilespmem:v0+s6+$0x0], $0xffff;
	[tilespmem:s0+$0x8400] =	vst v1  }
0xda: {  	s6 =	simm.s32 $0x1000;
	v1 =	vld.idx.msk [tilespmem:v0+s13+$0x0], $0xffff;
	[tilespmem:s0+$0x8480] =	vst v2  }
0xdb: {  	v2 =	vld.idx.msk [tilespmem:v0+s6+$0x0], $0xffff;
	[tilespmem:s0+$0x8500] =	vst v3  }
0xdc: {  	v3 =	vld.idx.msk [tilespmem:v0+s16+$0x0], $0xffff;
	[tilespmem:s0+$0x8580] =	vst v4  }
0xdd: {  	v4 =	vld.idx.msk [tilespmem:v0+s18+$0x0], $0xffff;
	[tilespmem:s0+$0x8600] =	vst v5  }
0xde: {  	v5 =	vld.idx.msk [tilespmem:v0+s20+$0x0], $0xffff;
	[tilespmem:s0+$0x8680] =	vst v6  }
0xdf: {  	v6 =	vld.idx.msk [tilespmem:v0+s2+$0x0], $0xffff;
	[tilespmem:s0+$0x8700] =	vst v7  }
0xe0: {  	v7 =	vld.idx.msk [tilespmem:v0+s9+$0x0], $0xffff;
	[tilespmem:s0+$0x8780] =	vst v1  }
0xe1: {  	v1 =	vld.idx.msk [tilespmem:v0+s21+$0x0], $0xffff;
	[tilespmem:s0+$0x9400] =	vst v2  }
0xe2: {  	v2 =	vld.idx.msk [tilespmem:v0+s23+$0x0], $0xffff;
	[tilespmem:s0+$0x9480] =	vst v3  }
0xe3: {  	v3 =	vld.idx.msk [tilespmem:v0+s25+$0x0], $0xffff;
	[tilespmem:s0+$0x9500] =	vst v4  }
0xe4: {  	v4 =	vld.idx.msk [tilespmem:v0+s28+$0x0], $0xffff;
	[tilespmem:s0+$0x9580] =	vst v5  }
0xe5: {  	v5 =	vld.idx.msk [tilespmem:v0+s10+$0x0], $0xffff;
	[tilespmem:s0+$0x9600] =	vst v6  }
0xe6: {  	v6 =	vld.idx.msk [tilespmem:v0+s4+$0x0], $0xffff;
	[tilespmem:s0+$0x9680] =	vst v7  }
0xe7: {  	v7 =	vld.idx.msk [tilespmem:v0+s11+$0x0], $0xffff;
	[tilespmem:s0+$0x9700] =	vst v1  }
0xe8: {  	v1 =	vld.idx.msk [tilespmem:v0+s5+$0x0], $0xffff;
	[tilespmem:s0+$0x9780] =	vst v2  }
0xe9: {  	s2 =	simm.s32 $0x2E00;
	v2 =	vld.idx.msk [tilespmem:v0+s29+$0x0], $0xffff;
	[tilespmem:s0+$0xA400] =	vst v3  }
0xea: {  	s4 =	simm.s32 $0x3000;
	v3 =	vld.idx.msk [tilespmem:v0+s2+$0x0], $0xffff;
	[tilespmem:s0+$0xA480] =	vst v4  }
0xeb: {  	s5 =	simm.s32 $0x3200;
	v4 =	vld.idx.msk [tilespmem:v0+s4+$0x0], $0xffff;
	[tilespmem:s0+$0xA500] =	vst v5  }
0xec: {  	s7 =	simm.s32 $0x3400;
	v5 =	vld.idx.msk [tilespmem:v0+s5+$0x0], $0xffff;
	[tilespmem:s0+$0xA580] =	vst v6  }
0xed: {  	v6 =	vld.idx.msk [tilespmem:v0+s7+$0x0], $0xffff;
	[tilespmem:s0+$0xA600] =	vst v7  }
0xee: {  	s8 =	simm.s32 $0x3800;
	v7 =	vld.idx.msk [tilespmem:v0+s15+$0x0], $0xffff;
	[tilespmem:s0+$0xA680] =	vst v1  }
0xef: {  	s9 =	simm.s32 $0x3A00;
	v1 =	vld.idx.msk [tilespmem:v0+s8+$0x0], $0xffff;
	[tilespmem:s0+$0xA700] =	vst v2  }
0xf0: {  	s10 =	simm.s32 $0x3C00;
	v2 =	vld.idx.msk [tilespmem:v0+s9+$0x0], $0xffff;
	[tilespmem:s0+$0xA780] =	vst v3  }
0xf1: {  	s11 =	simm.s32 $0x3E00;
	v3 =	vld.idx.msk [tilespmem:v0+s10+$0x0], $0xffff;
	[tilespmem:s0+$0xB400] =	vst v4  }
0xf2: {  	s12 =	simm.s32 $0x4000;
	v4 =	vld.idx.msk [tilespmem:v0+s11+$0x0], $0xffff;
	[tilespmem:s0+$0xB480] =	vst v5  }
0xf3: {  	s13 =	simm.s32 $0x4200;
	v5 =	vld.idx.msk [tilespmem:v0+s12+$0x0], $0xffff;
	[tilespmem:s0+$0xB500] =	vst v6  }
0xf4: {  	s15 =	simm.s32 $0x4400;
	v6 =	vld.idx.msk [tilespmem:v0+s13+$0x0], $0xffff;
	[tilespmem:s0+$0xB580] =	vst v7  }
0xf5: {  	s16 =	simm.s32 $0x4600;
	v7 =	vld.idx.msk [tilespmem:v0+s15+$0x0], $0xffff;
	[tilespmem:s0+$0xB600] =	vst v1  }
0xf6: {  	s17 =	simm.s32 $0x4800;
	v1 =	vld.idx.msk [tilespmem:v0+s16+$0x0], $0xffff;
	[tilespmem:s0+$0xB680] =	vst v2  }
0xf7: {  	s18 =	simm.s32 $0x4A00;
	v2 =	vld.idx.msk [tilespmem:v0+s17+$0x0], $0xffff;
	[tilespmem:s0+$0xB700] =	vst v3  }
0xf8: {  	s20 =	simm.s32 $0x4C00;
	v3 =	vld.idx.msk [tilespmem:v0+s18+$0x0], $0xffff;
	[tilespmem:s0+$0xB780] =	vst v4  }
0xf9: {  	s21 =	simm.s32 $0x4E00;
	v4 =	vld.idx.msk [tilespmem:v0+s20+$0x0], $0xffff;
	[tilespmem:s0+$0xC400] =	vst v5  }
0xfa: {  	s22 =	simm.s32 $0x5000;
	v5 =	vld.idx.msk [tilespmem:v0+s21+$0x0], $0xffff;
	[tilespmem:s0+$0xC480] =	vst v6  }
0xfb: {  	s23 =	simm.s32 $0x5200;
	v6 =	vld.idx.msk [tilespmem:v0+s22+$0x0], $0xffff;
	[tilespmem:s0+$0xC500] =	vst v7  }
0xfc: {  	s24 =	simm.s32 $0x5400;
	v7 =	vld.idx.msk [tilespmem:v0+s23+$0x0], $0xffff;
	[tilespmem:s0+$0xC580] =	vst v1  }
0xfd: {  	s25 =	simm.s32 $0x5600;
	v1 =	vld.idx.msk [tilespmem:v0+s24+$0x0], $0xffff;
	[tilespmem:s0+$0xC600] =	vst v2  }
0xfe: {  	s26 =	simm.s32 $0x5800;
	v2 =	vld.idx.msk [tilespmem:v0+s25+$0x0], $0xffff;
	[tilespmem:s0+$0xC680] =	vst v3  }
0xff: {  	s31 =	simm.s32 $0x5A00;
	v3 =	vld.idx.msk [tilespmem:v0+s26+$0x0], $0xffff;
	[tilespmem:s0+$0xC700] =	vst v4  }
0x100: {  	s2 =	simm.s32 $0x5C00;
	v4 =	vld.idx.msk [tilespmem:v0+s31+$0x0], $0xffff;
	[tilespmem:s0+$0xC780] =	vst v5  }
0x101: {  	s4 =	simm.s32 $0x5E00;
	v5 =	vld.idx.msk [tilespmem:v0+s2+$0x0], $0xffff;
	[tilespmem:s0+$0xD400] =	vst v6  }
0x102: {  	s5 =	simm.s32 $0x6000;
	v6 =	vld.idx.msk [tilespmem:v0+s4+$0x0], $0xffff;
	[tilespmem:s0+$0xD480] =	vst v7  }
0x103: {  	s7 =	simm.s32 $0x6200;
	v7 =	vld.idx.msk [tilespmem:v0+s5+$0x0], $0xffff;
	[tilespmem:s0+$0xD500] =	vst v1  }
0x104: {  	s8 =	simm.s32 $0x6400;
	v1 =	vld.idx.msk [tilespmem:v0+s7+$0x0], $0xffff;
	[tilespmem:s0+$0xD580] =	vst v2  }
0x105: {  	s9 =	simm.s32 $0x6600;
	v2 =	vld.idx.msk [tilespmem:v0+s8+$0x0], $0xffff;
	[tilespmem:s0+$0xD600] =	vst v3  }
0x106: {  	s10 =	simm.s32 $0x6800;
	v3 =	vld.idx.msk [tilespmem:v0+s9+$0x0], $0xffff;
	[tilespmem:s0+$0xD680] =	vst v4  }
0x107: {  	s11 =	simm.s32 $0x6A00;
	v4 =	vld.idx.msk [tilespmem:v0+s10+$0x0], $0xffff;
	[tilespmem:s0+$0xD700] =	vst v5  }
0x108: {  	s12 =	simm.s32 $0x6C00;
	v5 =	vld.idx.msk [tilespmem:v0+s11+$0x0], $0xffff;
	[tilespmem:s0+$0xD780] =	vst v6  }
0x109: {  	s13 =	simm.s32 $0x6E00;
	v6 =	vld.idx.msk [tilespmem:v0+s12+$0x0], $0xffff;
	[tilespmem:s0+$0xE400] =	vst v7  }
0x10a: {  	s15 =	simm.s32 $0x7000;
	v7 =	vld.idx.msk [tilespmem:v0+s13+$0x0], $0xffff;
	[tilespmem:s0+$0xE480] =	vst v1  }
0x10b: {  	s16 =	simm.s32 $0x7200;
	v1 =	vld.idx.msk [tilespmem:v0+s15+$0x0], $0xffff;
	[tilespmem:s0+$0xE500] =	vst v2  }
0x10c: {  	s30 =	simm.s32 $0x3400;
	s17 =	simm.s32 $0x7400;
	v2 =	vld.idx.msk [tilespmem:v0+s16+$0x0], $0xffff;
	[tilespmem:s0+$0xE580] =	vst v3  }
0x10d: {  	s28 =	simm.s32 $0x3000;
	s29 =	simm.s32 $0x3200;
	s18 =	simm.s32 $0x7600;
	v3 =	vld.idx.msk [tilespmem:v0+s17+$0x0], $0xffff;
	[tilespmem:s0+$0xE600] =	vst v4  }
0x10e: {  	s20 =	simm.s32 $0x7800;
	s21 =	simm.s32 $0x7A00;
	s22 =	rddreg [dreg:$0x13];
	v4 =	vld.idx.msk [tilespmem:v0+s18+$0x0], $0xffff;
	[tilespmem:s0+$0xE680] =	vst v5  }
0x10f: {  	s23 =	sshll.u32 s22, $0x12;
	p1 =	sne.s32 s22, $0x63;
	s24 =	rddreg [dreg:$0x3];
	v5 =	vld.idx.msk [tilespmem:v0+s20+$0x0], $0xffff;
	[tilespmem:s0+$0xE700] =	vst v6  }
0x110: {  	s22 =	simm.s32 $0x800;
	s1 =	sor.u32 s24, s23;
	s25 =	rddreg [dreg:$0x1];
	v6 =	vld.idx.msk [tilespmem:v0+s21+$0x0], $0xffff;
	[tilespmem:s0+$0xE780] =	vst v7  }
0x111: {  	s23 =	simm.s32 $0x1E00;
	s24 =	simm.s32 $0x2000;
	[dreg:$0x15] =	wrdreg s1;
	v7 =	vld.idx.msk [tilespmem:v0+s14+$0x0], $0xffff;
	[tilespmem:s0+$0xF400] =	vst v1  }
0x112: {  	s26 =	simm.s32 $0x20000;
	s31 =	simm.s32 $0x8400;
	s2 =	simm.s32 $0x1800;
	v0 =	vld.idx.msk [tilespmem:v0+s3+$0x0], $0xffff;
	[tilespmem:s0+$0xF480] =	vst v2  }
0x113: {  	s4 =	simm.s32 $0x2600;
	s5 =	simm.s32 $0x2A00;
	s8 =	simm.s32 $0xA00;
	[tilespmem:s0+$0xF500] =	vst v3  }
0x114: {  	s9 =	simm.s32 $0x1A00;
	s10 =	simm.s32 $0x2400;
	s11 =	simm.s32 $0x2800;
	[tilespmem:s0+$0xF580] =	vst v4  }
0x115: {  	s12 =	simm.s32 $0x200;
	s13 =	simm.s32 $0xE00;
	s15 =	simm.s32 $0x400;
	[tilespmem:s0+$0xF600] =	vst v5  }
.Ltmp3:
0x116: {  	s16 =	simm.s32 $0x1200;
	s17 =	simm.s32 $0x600;
	[tilespmem:s0+$0xF680] =	vst v6;
	(pc) =	sbr.rel @p1 .LBB2_6-.Ltmp3, $4  }
0x117: {  	s18 =	simm.s32 $0x1400;
	s20 =	simm.s32 $0x1600;
	s21 =	simm.s32 $0x1C00;
	[tilespmem:s0+$0xF700] =	vst v7  }
0x118: {  	s14 =	simm.s32 $0x1000;
	s3 =	simm.s32 $0x2E00;
	[tilespmem:s0+$0xF780] =	vst v0;
	s0 =	sadd.s32 s25, s1  }
0x119: {  	[hbm4b:s0+s6] =	stream.strided.scatter [tilespmem:s31], [sflag:$0x3], $0x8000, s26, s6, $0x38;
	[tilespmem:$0x18400] =	vst v63  }
0x11a: {  	s25 =	simm.s32 $0x2200;
	s6 =	simm.s32 $0xC00;
	s26 =	simm.s32 $0x2C00  }
.Ltmp4:
0x11b: {  	(pc) =	sbr.rel .LBB2_7-.Ltmp4, $4  }
0x11c: {  	s0 =	simm.s32 $0x2  }
0x11d: {  	_ =	swait.ge [sflag:s0], $0x200  }
0x11e: {  	[sflag:s0] =	ssyncset.done $0x0  }
0x11f: {  	[sflag:s0] =	ssyncadd.s32 $0xFFFFFE00  }
.LBB2_6:
0x120: {  	s0 =	rddreg [dreg:$0x8]  }
0x121: {  	s1 =	rddreg [dreg:$0x14]  }
0x122: {  	s0 =	sadd.s32 s0, s1  }
0x123: {  	s31 =	rddreg [dreg:$0x4];
	s0 =	sshrl.u32 s0, $0x3  }
0x124: {  	s7 =	simm.s32 $0x8000;
	s0 =	sadd.s32 s31, s0  }
0x125: {  	[tilespmem:s7], [sflag:$0x1] =	stream.linear.gather [hbm4b:s0+s19], $0x80, $0x38;
	[tilespmem:$0x18400] =	vst v63  }
0x126: {  	s31 =	sadd.s32 $0x10, s0;
	s7 =	simm.s32 $0x8100  }
0x127: {  	[tilespmem:s7], [sflag:$0x1] =	stream.linear.gather [hbm4b:s31+s19], $0x80, $0x38;
	[tilespmem:$0x18400] =	vst v63  }
0x128: {  	s7 =	sadd.s32 $0x20, s0;
	s31 =	simm.s32 $0x8200;
	s0 =	sadd.s32 $0x30, s0  }
0x129: {  	[tilespmem:s31], [sflag:$0x1] =	stream.linear.gather [hbm4b:s7+s19], $0x80, $0x38;
	[tilespmem:$0x18400] =	vst v63  }
.Ltmp5:
0x12a: {  	s7 =	simm.s32 $0x8300;
	s31 =	simm.s32 $0x2;
	(pc) =	sbr.rel @p0 .LBB2_8-.Ltmp5, $4  }
0x12b: {  	[tilespmem:s7], [sflag:$0x1] =	stream.linear.gather [hbm4b:s0+s19], $0x80, $0x38;
	[tilespmem:$0x18400] =	vst v63  }
0x12c: {  	_ =	swait.ge [sflag:s31], $0x200  }
0x12d: {  	[sflag:s31] =	ssyncset.done $0x0  }
0x12e: {  	[sflag:s31] =	ssyncadd.s32 $0xFFFFFE00  }
.LBB2_7:
0x12f: {  	s0 =	simm.s32 $0x4  }
0x130: {  	_ =	swait.ge [sflag:s0], $0x8000  }
0x131: {  	[sflag:s0] =	ssyncset.done $0x0  }
0x132: {  	[sflag:s0] =	ssyncadd.s32 $0xFFFF8000  }
.LBB2_8:
0x133: {  	s31 =	simm.s32 $0x0  }
0x134: {  	s0 =	sand.u32 $0xC00, s31  }
0x135: {  	s1 =	sand.u32 $0x70, s31;
	s7 =	sshrl.u32 s0, $0x2  }
0x136: {  	s7 =	sor.u32 s1, s7  }
0x137: {  	v0 =	vld [tilespmem:s7+$0x8080];
	_ =	sdelay $0x7  }
0x138: {  	v1 =	vld.idx.msk [tilespmem:v0+s19+$0x0], $0xffff  }
0x139: {  	v2 =	vld.idx.msk [tilespmem:v0+s12+$0x0], $0xffff  }
0x13a: {  	v3 =	vld.idx.msk [tilespmem:v0+s15+$0x0], $0xffff  }
0x13b: {  	v4 =	vld.idx.msk [tilespmem:v0+s17+$0x0], $0xffff  }
0x13c: {  	v5 =	vld.idx.msk [tilespmem:v0+s22+$0x0], $0xffff  }
0x13d: {  	s0 =	sor.u32 s1, s0;
	v6 =	vld.idx.msk [tilespmem:v0+s8+$0x0], $0xffff  }
0x13e: {  	v7 =	vld.idx.msk [tilespmem:v0+s6+$0x0], $0xffff;
	[tilespmem:s0+$0x10400] =	vst v1  }
0x13f: {  	v1 =	vld.idx.msk [tilespmem:v0+s13+$0x0], $0xffff;
	[tilespmem:s0+$0x10480] =	vst v2  }
0x140: {  	v2 =	vld.idx.msk [tilespmem:v0+s14+$0x0], $0xffff;
	[tilespmem:s0+$0x10500] =	vst v3  }
0x141: {  	v3 =	vld.idx.msk [tilespmem:v0+s16+$0x0], $0xffff;
	[tilespmem:s0+$0x10580] =	vst v4  }
0x142: {  	v4 =	vld.idx.msk [tilespmem:v0+s18+$0x0], $0xffff;
	[tilespmem:s0+$0x10600] =	vst v5  }
0x143: {  	v5 =	vld.idx.msk [tilespmem:v0+s20+$0x0], $0xffff;
	[tilespmem:s0+$0x10680] =	vst v6  }
0x144: {  	v6 =	vld.idx.msk [tilespmem:v0+s2+$0x0], $0xffff;
	[tilespmem:s0+$0x10700] =	vst v7  }
0x145: {  	v7 =	vld.idx.msk [tilespmem:v0+s9+$0x0], $0xffff;
	[tilespmem:s0+$0x10780] =	vst v1  }
0x146: {  	v1 =	vld.idx.msk [tilespmem:v0+s21+$0x0], $0xffff;
	[tilespmem:s0+$0x11400] =	vst v2  }
0x147: {  	v2 =	vld.idx.msk [tilespmem:v0+s23+$0x0], $0xffff;
	[tilespmem:s0+$0x11480] =	vst v3  }
0x148: {  	v3 =	vld.idx.msk [tilespmem:v0+s24+$0x0], $0xffff;
	[tilespmem:s0+$0x11500] =	vst v4  }
0x149: {  	v4 =	vld.idx.msk [tilespmem:v0+s25+$0x0], $0xffff;
	[tilespmem:s0+$0x11580] =	vst v5  }
0x14a: {  	v5 =	vld.idx.msk [tilespmem:v0+s10+$0x0], $0xffff;
	[tilespmem:s0+$0x11600] =	vst v6  }
0x14b: {  	v6 =	vld.idx.msk [tilespmem:v0+s4+$0x0], $0xffff;
	[tilespmem:s0+$0x11680] =	vst v7  }
0x14c: {  	v7 =	vld.idx.msk [tilespmem:v0+s11+$0x0], $0xffff;
	[tilespmem:s0+$0x11700] =	vst v1  }
0x14d: {  	v1 =	vld.idx.msk [tilespmem:v0+s5+$0x0], $0xffff;
	[tilespmem:s0+$0x11780] =	vst v2  }
0x14e: {  	v2 =	vld.idx.msk [tilespmem:v0+s26+$0x0], $0xffff;
	[tilespmem:s0+$0x12400] =	vst v3  }
0x14f: {  	v3 =	vld.idx.msk [tilespmem:v0+s3+$0x0], $0xffff;
	[tilespmem:s0+$0x12480] =	vst v4  }
0x150: {  	v4 =	vld.idx.msk [tilespmem:v0+s28+$0x0], $0xffff;
	[tilespmem:s0+$0x12500] =	vst v5  }
0x151: {  	v5 =	vld.idx.msk [tilespmem:v0+s29+$0x0], $0xffff;
	[tilespmem:s0+$0x12580] =	vst v6  }
0x152: {  	s17 =	simm.s32 $0x3600;
	v6 =	vld.idx.msk [tilespmem:v0+s30+$0x0], $0xffff;
	[tilespmem:s0+$0x12600] =	vst v7  }
0x153: {  	s18 =	simm.s32 $0x3800;
	v7 =	vld.idx.msk [tilespmem:v0+s17+$0x0], $0xffff;
	[tilespmem:s0+$0x12680] =	vst v1  }
0x154: {  	s19 =	simm.s32 $0x3A00;
	v1 =	vld.idx.msk [tilespmem:v0+s18+$0x0], $0xffff;
	[tilespmem:s0+$0x12700] =	vst v2  }
0x155: {  	s20 =	simm.s32 $0x3C00;
	v2 =	vld.idx.msk [tilespmem:v0+s19+$0x0], $0xffff;
	[tilespmem:s0+$0x12780] =	vst v3  }
0x156: {  	s21 =	simm.s32 $0x3E00;
	v3 =	vld.idx.msk [tilespmem:v0+s20+$0x0], $0xffff;
	[tilespmem:s0+$0x13400] =	vst v4  }
0x157: {  	s22 =	simm.s32 $0x4000;
	v4 =	vld.idx.msk [tilespmem:v0+s21+$0x0], $0xffff;
	[tilespmem:s0+$0x13480] =	vst v5  }
0x158: {  	s23 =	simm.s32 $0x4200;
	v5 =	vld.idx.msk [tilespmem:v0+s22+$0x0], $0xffff;
	[tilespmem:s0+$0x13500] =	vst v6  }
0x159: {  	s24 =	simm.s32 $0x4400;
	v6 =	vld.idx.msk [tilespmem:v0+s23+$0x0], $0xffff;
	[tilespmem:s0+$0x13580] =	vst v7  }
0x15a: {  	s25 =	simm.s32 $0x4600;
	v7 =	vld.idx.msk [tilespmem:v0+s24+$0x0], $0xffff;
	[tilespmem:s0+$0x13600] =	vst v1  }
0x15b: {  	s26 =	simm.s32 $0x4800;
	v1 =	vld.idx.msk [tilespmem:v0+s25+$0x0], $0xffff;
	[tilespmem:s0+$0x13680] =	vst v2  }
0x15c: {  	s2 =	simm.s32 $0x4A00;
	v2 =	vld.idx.msk [tilespmem:v0+s26+$0x0], $0xffff;
	[tilespmem:s0+$0x13700] =	vst v3  }
0x15d: {  	s3 =	simm.s32 $0x4C00;
	v3 =	vld.idx.msk [tilespmem:v0+s2+$0x0], $0xffff;
	[tilespmem:s0+$0x13780] =	vst v4  }
0x15e: {  	s4 =	simm.s32 $0x4E00;
	v4 =	vld.idx.msk [tilespmem:v0+s3+$0x0], $0xffff;
	[tilespmem:s0+$0x14400] =	vst v5  }
0x15f: {  	s5 =	simm.s32 $0x5000;
	v5 =	vld.idx.msk [tilespmem:v0+s4+$0x0], $0xffff;
	[tilespmem:s0+$0x14480] =	vst v6  }
0x160: {  	s6 =	simm.s32 $0x5200;
	v6 =	vld.idx.msk [tilespmem:v0+s5+$0x0], $0xffff;
	[tilespmem:s0+$0x14500] =	vst v7  }
0x161: {  	s7 =	simm.s32 $0x5400;
	v7 =	vld.idx.msk [tilespmem:v0+s6+$0x0], $0xffff;
	[tilespmem:s0+$0x14580] =	vst v1  }
0x162: {  	s8 =	simm.s32 $0x5600;
	v1 =	vld.idx.msk [tilespmem:v0+s7+$0x0], $0xffff;
	[tilespmem:s0+$0x14600] =	vst v2  }
0x163: {  	s9 =	simm.s32 $0x5800;
	v2 =	vld.idx.msk [tilespmem:v0+s8+$0x0], $0xffff;
	[tilespmem:s0+$0x14680] =	vst v3  }
0x164: {  	s10 =	simm.s32 $0x5A00;
	v3 =	vld.idx.msk [tilespmem:v0+s9+$0x0], $0xffff;
	[tilespmem:s0+$0x14700] =	vst v4  }
0x165: {  	s11 =	simm.s32 $0x5C00;
	v4 =	vld.idx.msk [tilespmem:v0+s10+$0x0], $0xffff;
	[tilespmem:s0+$0x14780] =	vst v5  }
0x166: {  	s12 =	simm.s32 $0x5E00;
	v5 =	vld.idx.msk [tilespmem:v0+s11+$0x0], $0xffff;
	[tilespmem:s0+$0x15400] =	vst v6  }
0x167: {  	s13 =	simm.s32 $0x6000;
	v6 =	vld.idx.msk [tilespmem:v0+s12+$0x0], $0xffff;
	[tilespmem:s0+$0x15480] =	vst v7  }
0x168: {  	s14 =	simm.s32 $0x6200;
	v7 =	vld.idx.msk [tilespmem:v0+s13+$0x0], $0xffff;
	[tilespmem:s0+$0x15500] =	vst v1  }
0x169: {  	s1 =	simm.s32 $0x80;
	s15 =	simm.s32 $0x6400;
	v1 =	vld.idx.msk [tilespmem:v0+s14+$0x0], $0xffff;
	[tilespmem:s0+$0x15580] =	vst v2  }
0x16a: {  	s16 =	simm.s32 $0x6600;
	s28 =	simm.s32 $0x2200;
	s29 =	simm.s32 $0x2C00;
	v2 =	vld.idx.msk [tilespmem:v0+s15+$0x0], $0xffff;
	[tilespmem:s0+$0x15600] =	vst v3  }
0x16b: {  	s30 =	simm.s32 $0x1000;
	s17 =	simm.s32 $0x6800;
	s18 =	simm.s32 $0x6A00;
	v3 =	vld.idx.msk [tilespmem:v0+s16+$0x0], $0xffff;
	[tilespmem:s0+$0x15680] =	vst v4  }
0x16c: {  	s19 =	simm.s32 $0x6C00;
	s20 =	simm.s32 $0x6E00;
	s21 =	simm.s32 $0x7000;
	v4 =	vld.idx.msk [tilespmem:v0+s17+$0x0], $0xffff;
	[tilespmem:s0+$0x15700] =	vst v5  }
0x16d: {  	s22 =	simm.s32 $0x7200;
	s23 =	simm.s32 $0x7400;
	s24 =	simm.s32 $0x7600;
	v5 =	vld.idx.msk [tilespmem:v0+s18+$0x0], $0xffff;
	[tilespmem:s0+$0x15780] =	vst v6  }
0x16e: {  	s25 =	simm.s32 $0x7800;
	s26 =	simm.s32 $0x7A00;
	s2 =	simm.s32 $0x1800;
	v6 =	vld.idx.msk [tilespmem:v0+s19+$0x0], $0xffff;
	[tilespmem:s0+$0x16400] =	vst v7  }
0x16f: {  	s3 =	simm.s32 $0x7E00;
	s4 =	simm.s32 $0x2600;
	s5 =	simm.s32 $0x2A00;
	v7 =	vld.idx.msk [tilespmem:v0+s20+$0x0], $0xffff;
	[tilespmem:s0+$0x16480] =	vst v1  }
0x170: {  	s6 =	simm.s32 $0xC00;
	s7 =	simm.s32 $0x100;
	s8 =	simm.s32 $0xA00;
	v1 =	vld.idx.msk [tilespmem:v0+s21+$0x0], $0xffff;
	[tilespmem:s0+$0x16500] =	vst v2  }
0x171: {  	s9 =	simm.s32 $0x1A00;
	s10 =	simm.s32 $0x2400;
	s11 =	simm.s32 $0x2800;
	v2 =	vld.idx.msk [tilespmem:v0+s22+$0x0], $0xffff;
	[tilespmem:s0+$0x16580] =	vst v3  }
0x172: {  	s13 =	simm.s32 $0xE00;
	s14 =	simm.s32 $0x7C00;
	s16 =	simm.s32 $0x1200;
	v3 =	vld.idx.msk [tilespmem:v0+s23+$0x0], $0xffff;
	[tilespmem:s0+$0x16600] =	vst v4  }
0x173: {  	s17 =	simm.s32 $0x200;
	s18 =	simm.s32 $0x1400;
	s20 =	simm.s32 $0x1600;
	v4 =	vld.idx.msk [tilespmem:v0+s24+$0x0], $0xffff;
	[tilespmem:s0+$0x16680] =	vst v5  }
0x174: {  	s21 =	simm.s32 $0x1C00;
	s22 =	simm.s32 $0x400;
	s23 =	simm.s32 $0x1E00;
	v5 =	vld.idx.msk [tilespmem:v0+s25+$0x0], $0xffff;
	[tilespmem:s0+$0x16700] =	vst v6  }
0x175: {  	s24 =	simm.s32 $0x600;
	s25 =	simm.s32 $0x2000;
	v6 =	vld.idx.msk [tilespmem:v0+s26+$0x0], $0xffff;
	[tilespmem:s0+$0x16780] =	vst v7;
	s26 =	simm.s32 $0x800  }
.LBB2_9:
0x176: {  	p0 =	sne.s32 s7, $0xF80;
	v7 =	vld.idx.msk [tilespmem:v0+s14+$0x0], $0xffff;
	[tilespmem:s0+$0x17400] =	vst v1  }
0x177: {  	v0 =	vld.idx.msk [tilespmem:v0+s3+$0x0], $0xffff;
	[tilespmem:s0+$0x17480] =	vst v2  }
0x178: {  	[tilespmem:s0+$0x17500] =	vst v3  }
0x179: {  	[tilespmem:s0+$0x17580] =	vst v4  }
0x17a: {  	[tilespmem:s0+$0x17600] =	vst v5  }
0x17b: {  	s12 =	sand.u32 $0xC00, s1;
	s31 =	sadd.s32 $0x10, s31;
	s1 =	smov.u32 s7;
	[tilespmem:s0+$0x17680] =	vst v6  }
0x17c: {  	s15 =	sand.u32 $0x70, s31;
	s19 =	sshrl.u32 s12, $0x2;
	[tilespmem:s0+$0x17700] =	vst v7  }
0x17d: {  	s19 =	sor.u32 s15, s19;
	[tilespmem:s0+$0x17780] =	vst v0  }
0x17e: {  	v0 =	vld [tilespmem:s19+$0x8080];
	s19 =	simm.s32 $0x0;
	_ =	sdelay $0x7  }
0x17f: {  	v1 =	vld.idx.msk [tilespmem:v0+s19+$0x0], $0xffff  }
0x180: {  	v2 =	vld.idx.msk [tilespmem:v0+s17+$0x0], $0xffff  }
0x181: {  	v3 =	vld.idx.msk [tilespmem:v0+s22+$0x0], $0xffff  }
0x182: {  	v4 =	vld.idx.msk [tilespmem:v0+s24+$0x0], $0xffff  }
0x183: {  	v5 =	vld.idx.msk [tilespmem:v0+s26+$0x0], $0xffff  }
0x184: {  	s0 =	sor.u32 s15, s12;
	s15 =	simm.s32 $0x3600;
	v6 =	vld.idx.msk [tilespmem:v0+s8+$0x0], $0xffff  }
0x185: {  	v7 =	vld.idx.msk [tilespmem:v0+s6+$0x0], $0xffff;
	[tilespmem:s0+$0x10400] =	vst v1  }
0x186: {  	v1 =	vld.idx.msk [tilespmem:v0+s13+$0x0], $0xffff;
	[tilespmem:s0+$0x10480] =	vst v2  }
0x187: {  	v2 =	vld.idx.msk [tilespmem:v0+s30+$0x0], $0xffff;
	[tilespmem:s0+$0x10500] =	vst v3  }
0x188: {  	v3 =	vld.idx.msk [tilespmem:v0+s16+$0x0], $0xffff;
	[tilespmem:s0+$0x10580] =	vst v4  }
0x189: {  	v4 =	vld.idx.msk [tilespmem:v0+s18+$0x0], $0xffff;
	[tilespmem:s0+$0x10600] =	vst v5  }
0x18a: {  	v5 =	vld.idx.msk [tilespmem:v0+s20+$0x0], $0xffff;
	[tilespmem:s0+$0x10680] =	vst v6  }
0x18b: {  	v6 =	vld.idx.msk [tilespmem:v0+s2+$0x0], $0xffff;
	[tilespmem:s0+$0x10700] =	vst v7  }
0x18c: {  	v7 =	vld.idx.msk [tilespmem:v0+s9+$0x0], $0xffff;
	[tilespmem:s0+$0x10780] =	vst v1  }
0x18d: {  	v1 =	vld.idx.msk [tilespmem:v0+s21+$0x0], $0xffff;
	[tilespmem:s0+$0x11400] =	vst v2  }
0x18e: {  	v2 =	vld.idx.msk [tilespmem:v0+s23+$0x0], $0xffff;
	[tilespmem:s0+$0x11480] =	vst v3  }
0x18f: {  	v3 =	vld.idx.msk [tilespmem:v0+s25+$0x0], $0xffff;
	[tilespmem:s0+$0x11500] =	vst v4  }
0x190: {  	v4 =	vld.idx.msk [tilespmem:v0+s28+$0x0], $0xffff;
	[tilespmem:s0+$0x11580] =	vst v5  }
0x191: {  	v5 =	vld.idx.msk [tilespmem:v0+s10+$0x0], $0xffff;
	[tilespmem:s0+$0x11600] =	vst v6  }
0x192: {  	v6 =	vld.idx.msk [tilespmem:v0+s4+$0x0], $0xffff;
	[tilespmem:s0+$0x11680] =	vst v7  }
0x193: {  	v7 =	vld.idx.msk [tilespmem:v0+s11+$0x0], $0xffff;
	[tilespmem:s0+$0x11700] =	vst v1  }
0x194: {  	v1 =	vld.idx.msk [tilespmem:v0+s5+$0x0], $0xffff;
	[tilespmem:s0+$0x11780] =	vst v2  }
0x195: {  	s12 =	simm.s32 $0x2E00;
	v2 =	vld.idx.msk [tilespmem:v0+s29+$0x0], $0xffff;
	[tilespmem:s0+$0x12400] =	vst v3  }
0x196: {  	v3 =	vld.idx.msk [tilespmem:v0+s12+$0x0], $0xffff;
	[tilespmem:s0+$0x12480] =	vst v4;
	s12 =	simm.s32 $0x3000  }
0x197: {  	v4 =	vld.idx.msk [tilespmem:v0+s12+$0x0], $0xffff;
	[tilespmem:s0+$0x12500] =	vst v5;
	s12 =	simm.s32 $0x3200  }
0x198: {  	v5 =	vld.idx.msk [tilespmem:v0+s12+$0x0], $0xffff;
	[tilespmem:s0+$0x12580] =	vst v6;
	s12 =	simm.s32 $0x3400  }
0x199: {  	v6 =	vld.idx.msk [tilespmem:v0+s12+$0x0], $0xffff;
	[tilespmem:s0+$0x12600] =	vst v7  }
0x19a: {  	s12 =	simm.s32 $0x3800;
	v7 =	vld.idx.msk [tilespmem:v0+s15+$0x0], $0xffff;
	[tilespmem:s0+$0x12680] =	vst v1  }
0x19b: {  	v1 =	vld.idx.msk [tilespmem:v0+s12+$0x0], $0xffff;
	[tilespmem:s0+$0x12700] =	vst v2;
	s12 =	simm.s32 $0x3A00  }
0x19c: {  	v2 =	vld.idx.msk [tilespmem:v0+s12+$0x0], $0xffff;
	[tilespmem:s0+$0x12780] =	vst v3;
	s12 =	simm.s32 $0x3C00  }
0x19d: {  	v3 =	vld.idx.msk [tilespmem:v0+s12+$0x0], $0xffff;
	[tilespmem:s0+$0x13400] =	vst v4;
	s12 =	simm.s32 $0x3E00  }
0x19e: {  	v4 =	vld.idx.msk [tilespmem:v0+s12+$0x0], $0xffff;
	[tilespmem:s0+$0x13480] =	vst v5;
	s12 =	simm.s32 $0x4000  }
0x19f: {  	v5 =	vld.idx.msk [tilespmem:v0+s12+$0x0], $0xffff;
	[tilespmem:s0+$0x13500] =	vst v6;
	s12 =	simm.s32 $0x4200  }
0x1a0: {  	v6 =	vld.idx.msk [tilespmem:v0+s12+$0x0], $0xffff;
	[tilespmem:s0+$0x13580] =	vst v7;
	s12 =	simm.s32 $0x4400  }
0x1a1: {  	v7 =	vld.idx.msk [tilespmem:v0+s12+$0x0], $0xffff;
	[tilespmem:s0+$0x13600] =	vst v1;
	s12 =	simm.s32 $0x4600  }
0x1a2: {  	v1 =	vld.idx.msk [tilespmem:v0+s12+$0x0], $0xffff;
	[tilespmem:s0+$0x13680] =	vst v2;
	s12 =	simm.s32 $0x4800  }
0x1a3: {  	v2 =	vld.idx.msk [tilespmem:v0+s12+$0x0], $0xffff;
	[tilespmem:s0+$0x13700] =	vst v3;
	s12 =	simm.s32 $0x4A00  }
0x1a4: {  	v3 =	vld.idx.msk [tilespmem:v0+s12+$0x0], $0xffff;
	[tilespmem:s0+$0x13780] =	vst v4;
	s12 =	simm.s32 $0x4C00  }
0x1a5: {  	v4 =	vld.idx.msk [tilespmem:v0+s12+$0x0], $0xffff;
	[tilespmem:s0+$0x14400] =	vst v5;
	s12 =	simm.s32 $0x4E00  }
0x1a6: {  	v5 =	vld.idx.msk [tilespmem:v0+s12+$0x0], $0xffff;
	[tilespmem:s0+$0x14480] =	vst v6;
	s12 =	simm.s32 $0x5000  }
0x1a7: {  	v6 =	vld.idx.msk [tilespmem:v0+s12+$0x0], $0xffff;
	[tilespmem:s0+$0x14500] =	vst v7;
	s12 =	simm.s32 $0x5200  }
0x1a8: {  	v7 =	vld.idx.msk [tilespmem:v0+s12+$0x0], $0xffff;
	[tilespmem:s0+$0x14580] =	vst v1;
	s12 =	simm.s32 $0x5400  }
0x1a9: {  	v1 =	vld.idx.msk [tilespmem:v0+s12+$0x0], $0xffff;
	[tilespmem:s0+$0x14600] =	vst v2;
	s12 =	simm.s32 $0x5600  }
0x1aa: {  	v2 =	vld.idx.msk [tilespmem:v0+s12+$0x0], $0xffff;
	[tilespmem:s0+$0x14680] =	vst v3;
	s12 =	simm.s32 $0x5800  }
0x1ab: {  	v3 =	vld.idx.msk [tilespmem:v0+s12+$0x0], $0xffff;
	[tilespmem:s0+$0x14700] =	vst v4;
	s12 =	simm.s32 $0x5A00  }
0x1ac: {  	v4 =	vld.idx.msk [tilespmem:v0+s12+$0x0], $0xffff;
	[tilespmem:s0+$0x14780] =	vst v5;
	s12 =	simm.s32 $0x5C00  }
0x1ad: {  	v5 =	vld.idx.msk [tilespmem:v0+s12+$0x0], $0xffff;
	[tilespmem:s0+$0x15400] =	vst v6;
	s12 =	simm.s32 $0x5E00  }
0x1ae: {  	v6 =	vld.idx.msk [tilespmem:v0+s12+$0x0], $0xffff;
	[tilespmem:s0+$0x15480] =	vst v7;
	s12 =	simm.s32 $0x6000  }
0x1af: {  	v7 =	vld.idx.msk [tilespmem:v0+s12+$0x0], $0xffff;
	[tilespmem:s0+$0x15500] =	vst v1;
	s12 =	simm.s32 $0x6200  }
0x1b0: {  	v1 =	vld.idx.msk [tilespmem:v0+s12+$0x0], $0xffff;
	[tilespmem:s0+$0x15580] =	vst v2;
	s12 =	simm.s32 $0x6400  }
0x1b1: {  	v2 =	vld.idx.msk [tilespmem:v0+s12+$0x0], $0xffff;
	[tilespmem:s0+$0x15600] =	vst v3;
	s12 =	simm.s32 $0x6600  }
0x1b2: {  	v3 =	vld.idx.msk [tilespmem:v0+s12+$0x0], $0xffff;
	[tilespmem:s0+$0x15680] =	vst v4;
	s12 =	simm.s32 $0x6800  }
0x1b3: {  	v4 =	vld.idx.msk [tilespmem:v0+s12+$0x0], $0xffff;
	[tilespmem:s0+$0x15700] =	vst v5;
	s12 =	simm.s32 $0x6A00  }
0x1b4: {  	v5 =	vld.idx.msk [tilespmem:v0+s12+$0x0], $0xffff;
	[tilespmem:s0+$0x15780] =	vst v6;
	s12 =	simm.s32 $0x6C00  }
0x1b5: {  	v6 =	vld.idx.msk [tilespmem:v0+s12+$0x0], $0xffff;
	[tilespmem:s0+$0x16400] =	vst v7;
	s12 =	simm.s32 $0x6E00  }
0x1b6: {  	v7 =	vld.idx.msk [tilespmem:v0+s12+$0x0], $0xffff;
	[tilespmem:s0+$0x16480] =	vst v1;
	s12 =	simm.s32 $0x7000  }
0x1b7: {  	v1 =	vld.idx.msk [tilespmem:v0+s12+$0x0], $0xffff;
	[tilespmem:s0+$0x16500] =	vst v2;
	s12 =	simm.s32 $0x7200  }
.Ltmp6:
0x1b8: {  	v2 =	vld.idx.msk [tilespmem:v0+s12+$0x0], $0xffff;
	[tilespmem:s0+$0x16580] =	vst v3;
	s12 =	simm.s32 $0x7400;
	(pc) =	sbr.rel @p0 .LBB2_9-.Ltmp6, $4  }
0x1b9: {  	v3 =	vld.idx.msk [tilespmem:v0+s12+$0x0], $0xffff;
	[tilespmem:s0+$0x16600] =	vst v4;
	s12 =	simm.s32 $0x7600  }
0x1ba: {  	v4 =	vld.idx.msk [tilespmem:v0+s12+$0x0], $0xffff;
	[tilespmem:s0+$0x16680] =	vst v5;
	s12 =	simm.s32 $0x7800  }
0x1bb: {  	v5 =	vld.idx.msk [tilespmem:v0+s12+$0x0], $0xffff;
	[tilespmem:s0+$0x16700] =	vst v6;
	s12 =	simm.s32 $0x7A00  }
0x1bc: {  	s7 =	sadd.s32 $0x80, s7;
	v6 =	vld.idx.msk [tilespmem:v0+s12+$0x0], $0xffff;
	[tilespmem:s0+$0x16780] =	vst v7  }
0x1bd: {  	_ =	sdelay $0x2  }
0x1be: {  	s14 =	simm.s32 $0x7C00  }
0x1bf: {  	s3 =	simm.s32 $0x7E00;
	v7 =	vld.idx.msk [tilespmem:v0+s14+$0x0], $0xffff;
	[tilespmem:s0+$0x17400] =	vst v1  }
0x1c0: {  	v63 =	vld.idx.msk [tilespmem:v0+s3+$0x0], $0xffff;
	[tilespmem:s0+$0x17480] =	vst v2  }
0x1c1: {  	[tilespmem:s0+$0x17500] =	vst v3  }
0x1c2: {  	[tilespmem:s0+$0x17580] =	vst v4  }
0x1c3: {  	[tilespmem:s0+$0x17600] =	vst v5  }
0x1c4: {  	s1 =	sand.u32 $0xC00, s1;
	s7 =	sadd.s32 $0x10, s31;
	[tilespmem:s0+$0x17680] =	vst v6  }
0x1c5: {  	s7 =	sand.u32 $0x70, s7;
	s12 =	sshrl.u32 s1, $0x2;
	[tilespmem:s0+$0x17700] =	vst v7  }
0x1c6: {  	s30 =	sor.u32 s7, s12;
	[tilespmem:s0+$0x17780] =	vst v63  }
0x1c7: {  	v0 =	vld [tilespmem:s30+$0x8080];
	_ =	sdelay $0x7  }
0x1c8: {  	v1 =	vld.idx.msk [tilespmem:v0+s19+$0x0], $0xffff  }
0x1c9: {  	v2 =	vld.idx.msk [tilespmem:v0+s17+$0x0], $0xffff  }
0x1ca: {  	v3 =	vld.idx.msk [tilespmem:v0+s22+$0x0], $0xffff  }
0x1cb: {  	v4 =	vld.idx.msk [tilespmem:v0+s24+$0x0], $0xffff  }
0x1cc: {  	v5 =	vld.idx.msk [tilespmem:v0+s26+$0x0], $0xffff  }
0x1cd: {  	s0 =	sor.u32 s7, s1;
	v6 =	vld.idx.msk [tilespmem:v0+s8+$0x0], $0xffff  }
0x1ce: {  	v7 =	vld.idx.msk [tilespmem:v0+s6+$0x0], $0xffff;
	[tilespmem:s0+$0x10400] =	vst v1  }
0x1cf: {  	s6 =	simm.s32 $0x1000;
	v1 =	vld.idx.msk [tilespmem:v0+s13+$0x0], $0xffff;
	[tilespmem:s0+$0x10480] =	vst v2  }
0x1d0: {  	v2 =	vld.idx.msk [tilespmem:v0+s6+$0x0], $0xffff;
	[tilespmem:s0+$0x10500] =	vst v3  }
0x1d1: {  	v3 =	vld.idx.msk [tilespmem:v0+s16+$0x0], $0xffff;
	[tilespmem:s0+$0x10580] =	vst v4  }
0x1d2: {  	v4 =	vld.idx.msk [tilespmem:v0+s18+$0x0], $0xffff;
	[tilespmem:s0+$0x10600] =	vst v5  }
0x1d3: {  	v5 =	vld.idx.msk [tilespmem:v0+s20+$0x0], $0xffff;
	[tilespmem:s0+$0x10680] =	vst v6  }
0x1d4: {  	v6 =	vld.idx.msk [tilespmem:v0+s2+$0x0], $0xffff;
	[tilespmem:s0+$0x10700] =	vst v7  }
0x1d5: {  	v7 =	vld.idx.msk [tilespmem:v0+s9+$0x0], $0xffff;
	[tilespmem:s0+$0x10780] =	vst v1  }
0x1d6: {  	v1 =	vld.idx.msk [tilespmem:v0+s21+$0x0], $0xffff;
	[tilespmem:s0+$0x11400] =	vst v2  }
0x1d7: {  	v2 =	vld.idx.msk [tilespmem:v0+s23+$0x0], $0xffff;
	[tilespmem:s0+$0x11480] =	vst v3  }
0x1d8: {  	v3 =	vld.idx.msk [tilespmem:v0+s25+$0x0], $0xffff;
	[tilespmem:s0+$0x11500] =	vst v4  }
0x1d9: {  	v4 =	vld.idx.msk [tilespmem:v0+s28+$0x0], $0xffff;
	[tilespmem:s0+$0x11580] =	vst v5  }
0x1da: {  	v5 =	vld.idx.msk [tilespmem:v0+s10+$0x0], $0xffff;
	[tilespmem:s0+$0x11600] =	vst v6  }
0x1db: {  	v6 =	vld.idx.msk [tilespmem:v0+s4+$0x0], $0xffff;
	[tilespmem:s0+$0x11680] =	vst v7  }
0x1dc: {  	v7 =	vld.idx.msk [tilespmem:v0+s11+$0x0], $0xffff;
	[tilespmem:s0+$0x11700] =	vst v1  }
0x1dd: {  	v1 =	vld.idx.msk [tilespmem:v0+s5+$0x0], $0xffff;
	[tilespmem:s0+$0x11780] =	vst v2  }
0x1de: {  	s5 =	simm.s32 $0x2E00;
	v2 =	vld.idx.msk [tilespmem:v0+s29+$0x0], $0xffff;
	[tilespmem:s0+$0x12400] =	vst v3  }
0x1df: {  	s7 =	simm.s32 $0x3000;
	v3 =	vld.idx.msk [tilespmem:v0+s5+$0x0], $0xffff;
	[tilespmem:s0+$0x12480] =	vst v4  }
0x1e0: {  	s8 =	simm.s32 $0x3200;
	v4 =	vld.idx.msk [tilespmem:v0+s7+$0x0], $0xffff;
	[tilespmem:s0+$0x12500] =	vst v5  }
0x1e1: {  	s9 =	simm.s32 $0x3400;
	v5 =	vld.idx.msk [tilespmem:v0+s8+$0x0], $0xffff;
	[tilespmem:s0+$0x12580] =	vst v6  }
0x1e2: {  	v6 =	vld.idx.msk [tilespmem:v0+s9+$0x0], $0xffff;
	[tilespmem:s0+$0x12600] =	vst v7  }
0x1e3: {  	s10 =	simm.s32 $0x3800;
	v7 =	vld.idx.msk [tilespmem:v0+s15+$0x0], $0xffff;
	[tilespmem:s0+$0x12680] =	vst v1  }
0x1e4: {  	s11 =	simm.s32 $0x3A00;
	v1 =	vld.idx.msk [tilespmem:v0+s10+$0x0], $0xffff;
	[tilespmem:s0+$0x12700] =	vst v2  }
0x1e5: {  	s12 =	simm.s32 $0x3C00;
	v2 =	vld.idx.msk [tilespmem:v0+s11+$0x0], $0xffff;
	[tilespmem:s0+$0x12780] =	vst v3  }
0x1e6: {  	s13 =	simm.s32 $0x3E00;
	v3 =	vld.idx.msk [tilespmem:v0+s12+$0x0], $0xffff;
	[tilespmem:s0+$0x13400] =	vst v4  }
0x1e7: {  	s15 =	simm.s32 $0x4000;
	v4 =	vld.idx.msk [tilespmem:v0+s13+$0x0], $0xffff;
	[tilespmem:s0+$0x13480] =	vst v5  }
0x1e8: {  	s16 =	simm.s32 $0x4200;
	v5 =	vld.idx.msk [tilespmem:v0+s15+$0x0], $0xffff;
	[tilespmem:s0+$0x13500] =	vst v6  }
0x1e9: {  	s17 =	simm.s32 $0x4400;
	v6 =	vld.idx.msk [tilespmem:v0+s16+$0x0], $0xffff;
	[tilespmem:s0+$0x13580] =	vst v7  }
0x1ea: {  	s18 =	simm.s32 $0x4600;
	v7 =	vld.idx.msk [tilespmem:v0+s17+$0x0], $0xffff;
	[tilespmem:s0+$0x13600] =	vst v1  }
0x1eb: {  	s20 =	simm.s32 $0x4800;
	v1 =	vld.idx.msk [tilespmem:v0+s18+$0x0], $0xffff;
	[tilespmem:s0+$0x13680] =	vst v2  }
0x1ec: {  	s21 =	simm.s32 $0x4A00;
	v2 =	vld.idx.msk [tilespmem:v0+s20+$0x0], $0xffff;
	[tilespmem:s0+$0x13700] =	vst v3  }
0x1ed: {  	s22 =	simm.s32 $0x4C00;
	v3 =	vld.idx.msk [tilespmem:v0+s21+$0x0], $0xffff;
	[tilespmem:s0+$0x13780] =	vst v4  }
0x1ee: {  	s23 =	simm.s32 $0x4E00;
	v4 =	vld.idx.msk [tilespmem:v0+s22+$0x0], $0xffff;
	[tilespmem:s0+$0x14400] =	vst v5  }
0x1ef: {  	s24 =	simm.s32 $0x5000;
	v5 =	vld.idx.msk [tilespmem:v0+s23+$0x0], $0xffff;
	[tilespmem:s0+$0x14480] =	vst v6  }
0x1f0: {  	s25 =	simm.s32 $0x5200;
	v6 =	vld.idx.msk [tilespmem:v0+s24+$0x0], $0xffff;
	[tilespmem:s0+$0x14500] =	vst v7  }
0x1f1: {  	s26 =	simm.s32 $0x5400;
	v7 =	vld.idx.msk [tilespmem:v0+s25+$0x0], $0xffff;
	[tilespmem:s0+$0x14580] =	vst v1  }
0x1f2: {  	s30 =	simm.s32 $0x5600;
	v1 =	vld.idx.msk [tilespmem:v0+s26+$0x0], $0xffff;
	[tilespmem:s0+$0x14600] =	vst v2  }
0x1f3: {  	s2 =	simm.s32 $0x5800;
	v2 =	vld.idx.msk [tilespmem:v0+s30+$0x0], $0xffff;
	[tilespmem:s0+$0x14680] =	vst v3  }
0x1f4: {  	s4 =	simm.s32 $0x5A00;
	v3 =	vld.idx.msk [tilespmem:v0+s2+$0x0], $0xffff;
	[tilespmem:s0+$0x14700] =	vst v4  }
0x1f5: {  	s5 =	simm.s32 $0x5C00;
	v4 =	vld.idx.msk [tilespmem:v0+s4+$0x0], $0xffff;
	[tilespmem:s0+$0x14780] =	vst v5  }
0x1f6: {  	s7 =	simm.s32 $0x5E00;
	v5 =	vld.idx.msk [tilespmem:v0+s5+$0x0], $0xffff;
	[tilespmem:s0+$0x15400] =	vst v6  }
0x1f7: {  	s8 =	simm.s32 $0x6000;
	v6 =	vld.idx.msk [tilespmem:v0+s7+$0x0], $0xffff;
	[tilespmem:s0+$0x15480] =	vst v7  }
0x1f8: {  	s9 =	simm.s32 $0x6200;
	v7 =	vld.idx.msk [tilespmem:v0+s8+$0x0], $0xffff;
	[tilespmem:s0+$0x15500] =	vst v1  }
0x1f9: {  	s10 =	simm.s32 $0x6400;
	v1 =	vld.idx.msk [tilespmem:v0+s9+$0x0], $0xffff;
	[tilespmem:s0+$0x15580] =	vst v2  }
0x1fa: {  	s11 =	simm.s32 $0x6600;
	v2 =	vld.idx.msk [tilespmem:v0+s10+$0x0], $0xffff;
	[tilespmem:s0+$0x15600] =	vst v3  }
0x1fb: {  	s12 =	simm.s32 $0x6800;
	v3 =	vld.idx.msk [tilespmem:v0+s11+$0x0], $0xffff;
	[tilespmem:s0+$0x15680] =	vst v4  }
0x1fc: {  	s13 =	simm.s32 $0x6A00;
	v4 =	vld.idx.msk [tilespmem:v0+s12+$0x0], $0xffff;
	[tilespmem:s0+$0x15700] =	vst v5  }
0x1fd: {  	s15 =	simm.s32 $0x6C00;
	v5 =	vld.idx.msk [tilespmem:v0+s13+$0x0], $0xffff;
	[tilespmem:s0+$0x15780] =	vst v6  }
0x1fe: {  	s16 =	simm.s32 $0x6E00;
	v6 =	vld.idx.msk [tilespmem:v0+s15+$0x0], $0xffff;
	[tilespmem:s0+$0x16400] =	vst v7  }
0x1ff: {  	s17 =	simm.s32 $0x7000;
	v7 =	vld.idx.msk [tilespmem:v0+s16+$0x0], $0xffff;
	[tilespmem:s0+$0x16480] =	vst v1  }
0x200: {  	s18 =	simm.s32 $0x7200;
	v1 =	vld.idx.msk [tilespmem:v0+s17+$0x0], $0xffff;
	[tilespmem:s0+$0x16500] =	vst v2  }
0x201: {  	s20 =	simm.s32 $0x7400;
	v2 =	vld.idx.msk [tilespmem:v0+s18+$0x0], $0xffff;
	[tilespmem:s0+$0x16580] =	vst v3  }
0x202: {  	s21 =	simm.s32 $0x7600;
	v3 =	vld.idx.msk [tilespmem:v0+s20+$0x0], $0xffff;
	[tilespmem:s0+$0x16600] =	vst v4  }
0x203: {  	s31 =	rddreg [dreg:$0x13];
	s22 =	simm.s32 $0x7800;
	v4 =	vld.idx.msk [tilespmem:v0+s21+$0x0], $0xffff;
	[tilespmem:s0+$0x16680] =	vst v5  }
0x204: {  	p0 =	seq.s32 s31, $0x63;
	s23 =	simm.s32 $0x7A00;
	s24 =	rddreg [dreg:$0xa];
	v5 =	vld.idx.msk [tilespmem:v0+s22+$0x0], $0xffff;
	[tilespmem:s0+$0x16700] =	vst v6  }
0x205: {  	s28 =	simm.s32 $0x3000;
	s29 =	simm.s32 $0x3200;
	s25 =	rddreg [dreg:$0x15];
	v6 =	vld.idx.msk [tilespmem:v0+s23+$0x0], $0xffff;
	[tilespmem:s0+$0x16780] =	vst v7  }
0x206: {  	s26 =	simm.s32 $0x20000;
	s30 =	simm.s32 $0x10400;
	s2 =	simm.s32 $0x1800;
	v7 =	vld.idx.msk [tilespmem:v0+s14+$0x0], $0xffff;
	[tilespmem:s0+$0x17400] =	vst v1  }
0x207: {  	s4 =	simm.s32 $0x2600;
	s5 =	simm.s32 $0x2A00;
	s8 =	simm.s32 $0xA00;
	v0 =	vld.idx.msk [tilespmem:v0+s3+$0x0], $0xffff;
	[tilespmem:s0+$0x17480] =	vst v2  }
0x208: {  	s9 =	simm.s32 $0x1A00;
	s10 =	simm.s32 $0x2400;
	s11 =	simm.s32 $0x2800;
	[tilespmem:s0+$0x17500] =	vst v3  }
0x209: {  	s12 =	simm.s32 $0x200;
	s13 =	simm.s32 $0xE00;
	s15 =	simm.s32 $0x400;
	[tilespmem:s0+$0x17580] =	vst v4  }
0x20a: {  	s16 =	simm.s32 $0x1200;
	s17 =	simm.s32 $0x600;
	s18 =	simm.s32 $0x1400;
	[tilespmem:s0+$0x17600] =	vst v5  }
.Ltmp7:
0x20b: {  	s20 =	simm.s32 $0x1600;
	s21 =	simm.s32 $0x1C00;
	[tilespmem:s0+$0x17680] =	vst v6;
	(pc) =	sbr.rel @p0 .LBB2_12-.Ltmp7, $4  }
0x20c: {  	s22 =	simm.s32 $0x800;
	s23 =	simm.s32 $0x1E00;
	s14 =	simm.s32 $0x1000;
	[tilespmem:s0+$0x17700] =	vst v7  }
0x20d: {  	s3 =	simm.s32 $0x2E00;
	[tilespmem:s0+$0x17780] =	vst v0;
	s0 =	sadd.s32 s25, s24;
	s24 =	simm.s32 $0x2000  }
0x20e: {  	[hbm4b:s0+s6] =	stream.strided.scatter [tilespmem:s30], [sflag:$0x4], $0x8000, s26, s6, $0x38;
	[tilespmem:$0x18400] =	vst v63  }
0x20f: {  	s25 =	simm.s32 $0x2200;
	s6 =	simm.s32 $0xC00;
	s26 =	simm.s32 $0x2C00  }
0x210: {  	s0 =	rddreg [dreg:$0x9]  }
0x211: {  	s1 =	rddreg [dreg:$0x14]  }
0x212: {  	s0 =	sadd.s32 s0, s1  }
0x213: {  	s30 =	rddreg [dreg:$0x4];
	s0 =	sshrl.u32 s0, $0x3  }
0x214: {  	s7 =	simm.s32 $0x8080;
	s0 =	sadd.s32 s30, s0  }
0x215: {  	[tilespmem:s7], [sflag:$0x2] =	stream.linear.gather [hbm4b:s0+s19], $0x80, $0x38;
	[tilespmem:$0x18400] =	vst v63  }
0x216: {  	s30 =	sadd.s32 $0x10, s0;
	s7 =	simm.s32 $0x8180  }
0x217: {  	[tilespmem:s7], [sflag:$0x2] =	stream.linear.gather [hbm4b:s30+s19], $0x80, $0x38;
	[tilespmem:$0x18400] =	vst v63  }
.Ltmp8:
0x218: {  	_ = 	snop;
	(pc) =	sbr.rel .LBB2_2-.Ltmp8, $4  }
0x219: {  	s7 =	sadd.s32 $0x20, s0;
	s30 =	simm.s32 $0x8280  }
0x21a: {  	[tilespmem:s30], [sflag:$0x2] =	stream.linear.gather [hbm4b:s7+s19], $0x80, $0x38;
	[tilespmem:$0x18400] =	vst v63  }
0x21b: {  	s31 =	sadd.s32 $0x1, s31;
	s0 =	sadd.s32 $0x30, s0;
	s30 =	simm.s32 $0x8380  }
0x21c: {  	[tilespmem:s30], [sflag:$0x2] =	stream.linear.gather [hbm4b:s0+s19], $0x80, $0x38;
	[tilespmem:$0x18400] =	vst v63  }
.LBB2_13:
0x21d: {  	_ =	sfence.sel $0x180000  }
0x21e: {  	[bflag:$0x0] =	sbarrier.arrive $0xFFFF  }
0x21f: {  	_ =	strace $0x90000047  }
0x220: {  	s0 =	stileid.u32;
	[bflag:$0x2] =	sbarrier.arrive $0xFFFF  }
0x221: {  	p0 =	sne.s32 s0, $0x0;
	s0 =	rddreg [dreg:$0x2]  }
0x222: {  	s0 =	sadd.s32 @!p0 $0x100000, s0  }
0x223: {  	[sflag:s0] =	ssyncadd.tile.s32 @!p0 $0x1;
	_ =	shalt  }
.Lfunc_end2:
_tile_overlayer_lowered:
.L_overlay_start_2:
0x224: {  	(tag) =	ssettag $0x2  }
0x225: {  	s0 =	rddreg [dreg:$0x0];
	s2 =	stileid.u32  }
0x226: {  	s1 =	rddreg [dreg:$0x1];
	p0 =	sne.s32 s2, $0x0  }
0x227: {  	s3 =	rddreg [dreg:$0x2];
	[bflag:$0x3] =	sbarrier.arrive $0xFFFF;
	s2 =	simm.s32 @!p0 $0x1C05  }
0x228: {  	[timem:s3], [sflag:s2] =	dma.local @!p0 [hbm:s0], s1  }
0x229: {  	s0 =	simm.s32 @!p0 $0x5  }
0x22a: {  	_ =	swait.ge @!p0 [sflag:s0], s1  }
0x22b: {  	s1 =	ssub.s32 @!p0 $0x0, s1;
	[sflag:s0] =	ssyncset.done @!p0 $0x0  }
0x22c: {  	[sflag:s0] =	ssyncadd.s32 @!p0 s1  }
0x22d: {  	[bflag:$0x3] =	sbarrier.arrive $0xFFFF  }
0x22e: {  	_ =	shalt  }

</sc_bundles>
